<compile_context>
chip_gen: v7x
topology: tpu7x:2x2x1
jax: 0.10.2.dev20260603
libtpu: 0.0.44.dev20260713+nightly
codegen_flags: <defaults>
</compile_context>

<pallas_src>
import functools

import jax
import jax.numpy as jnp
import numpy as np
from jax import lax
from jax.experimental import pallas as pl
from jax.experimental.pallas import tpu as pltpu
from jax.experimental.pallas import tpu_sc as plsc

F = 26
V = 100000
L = 16
B = 16384
H = 64
VQ = V // 8

NF1 = 12
NF2 = 14

NC = 2
NS = 16
NW = NC * NS
BPW = B // NW
CH = 128
CHUNKS = BPW // CH


def _gather_sum_body(nf, emb_hbm, idx_hbm, out_hbm, idx_v, rows_v, h_v, sem):
    wid = lax.axis_index("s") * NC + lax.axis_index("c")

    pltpu.sync_copy(idx_hbm.at[wid], idx_v)

    def chunk_body(g, carry):
        copies = [
            pltpu.async_copy(
                emb_hbm.at[idx_v.at[pl.ds(f * BPW + g * CH, CH)]],
                rows_v.at[pl.ds(f * CH, CH)],
                sem,
            )
            for f in range(nf)
        ]
        for c in copies:
            c.wait()

        def sum_body(b, carry2):
            acc = rows_v[b]
            for f in range(1, nf):
                acc = acc + rows_v[f * CH + b]
            h_v[b] = acc
            return carry2

        lax.fori_loop(0, CH, sum_body, 0, unroll=2)

        pltpu.sync_copy(h_v, out_hbm.at[pl.ds(wid * BPW + g * CH, CH)])
        return carry

    lax.fori_loop(0, CHUNKS, chunk_body, 0)


def _gather_sum(nf, emb_flat, idx1d):
    mesh = plsc.VectorSubcoreMesh(
        core_axis_name="c", subcore_axis_name="s", num_cores=NC, num_subcores=NS)
    return pl.kernel(
        functools.partial(_gather_sum_body, nf),
        out_type=jax.ShapeDtypeStruct((B, L), jnp.float32),
        mesh=mesh,
        scratch_types=[
            pltpu.VMEM((nf * BPW,), jnp.int32),
            pltpu.VMEM((nf * CH, L), jnp.float32),
            pltpu.VMEM((CH, L), jnp.float32),
            pltpu.SemaphoreType.DMA,
        ],
        compiler_params=pltpu.CompilerParams(use_tc_tiling_on_sc=False),
    )(emb_flat, idx1d)


_TR_CHUNKS = [(i * 1024, 1024) for i in range(12)] + [(12288, 212)]

_PR = np.arange(256)
_PERM = np.zeros((256, 256), np.float32)
_PERM[_PR, (_PR % 32 // 16) * 128 + (_PR // 32) * 16 + _PR % 16] = 1.0


def _tr_body(x_ref, p_ref, out_ref):
    p = p_ref[...].astype(jnp.bfloat16)
    for off, w in _TR_CHUNKS:
        xq = jnp.concatenate(
            [x_ref[:, :, pl.ds(q * VQ + off, w)] for q in range(8)], axis=0)
        xr = xq.reshape(256, w)
        dot = lambda a: jax.lax.dot_general(
            a, p, (((0,), (0,)), ((), ())),
            preferred_element_type=jnp.float32,
            precision=jax.lax.Precision.DEFAULT)
        hi = xr.astype(jnp.bfloat16)
        lo = (xr - hi.astype(jnp.float32)).astype(jnp.bfloat16)
        z = dot(hi) + dot(lo)
        for t in range(2):
            out_ref[0, pl.ds(t * VQ + off, w), :] = z[:, t * 128:(t + 1) * 128]


def _transpose_tables(emb_t, pair0, npairs):
    out = pl.pallas_call(
        _tr_body,
        grid=(npairs,),
        in_specs=[
            pl.BlockSpec((2, L, V), lambda f: (pair0 + f, 0, 0)),
            pl.BlockSpec((256, 256), lambda f: (0, 0)),
        ],
        out_specs=pl.BlockSpec((1, 2 * VQ, 128), lambda f: (f, 0, 0)),
        out_shape=jax.ShapeDtypeStruct((npairs, 2 * VQ, 128), jnp.float32),
        compiler_params=pltpu.CompilerParams(vmem_limit_bytes=110 * 2**20),
    )(emb_t, jnp.asarray(_PERM))
    return out.reshape(2 * npairs * V, L)


MLP_BLK = 2048


def _mlp_body(h1_ref, h2_ref, w1_ref, b1_ref, w2_ref, b2_ref, w3_ref, b3_ref,
              out_ref):
    x = h1_ref[...] + h2_ref[...]
    x = jnp.maximum(
        jnp.dot(x, w1_ref[...], preferred_element_type=jnp.float32) + b1_ref[...], 0.0)
    x = jnp.maximum(
        jnp.dot(x, w2_ref[...], preferred_element_type=jnp.float32) + b2_ref[...], 0.0)
    out_ref[...] = jnp.maximum(
        jnp.dot(x, w3_ref[...], preferred_element_type=jnp.float32) + b3_ref[...], 0.0)


def _mlp(h1, h2, W1, b1, W2, b2, W3, b3):
    full = lambda s: pl.BlockSpec(s, lambda i: (0, 0))
    hspec = pl.BlockSpec((MLP_BLK, L), lambda i: (i, 0))
    return pl.pallas_call(
        _mlp_body,
        grid=(B // MLP_BLK,),
        in_specs=[
            hspec, hspec,
            full(W1.shape), full((1, L)),
            full(W2.shape), full((1, 2 * L)),
            full(W3.shape), full((1, H)),
        ],
        out_specs=pl.BlockSpec((MLP_BLK, H), lambda i: (i, 0)),
        out_shape=jax.ShapeDtypeStruct((B, H), jnp.float32),
    )(h1, h2, W1, b1.reshape(1, L), W2, b2.reshape(1, 2 * L), W3, b3.reshape(1, H))


def kernel(mof, emb, W1, b1, W2, b2, W3, b3):
    v = mof.astype(jnp.int32)
    pv = (v % VQ) * 8 + v // VQ
    offs1 = (jnp.arange(NF1, dtype=jnp.int32) * V)[:, None, None]
    offs2 = (jnp.arange(NF2, dtype=jnp.int32) * V)[:, None, None]
    pvw = pv.T.reshape(F, NW, BPW)
    idx1 = (pvw[:NF1] + offs1).transpose(1, 0, 2).reshape(NW, NF1 * BPW)
    idx2 = (pvw[NF1:] + offs2).transpose(1, 0, 2).reshape(NW, NF2 * BPW)

    emb_t = emb.transpose(0, 2, 1)
    e1 = _transpose_tables(emb_t, 0, NF1 // 2)
    h1 = _gather_sum(NF1, e1, idx1)
    e2 = _transpose_tables(emb_t, NF1 // 2, NF2 // 2)
    h2 = _gather_sum(NF2, e2, idx2)
    return _mlp(h1, h2, W1, b1, W2, b2, W3, b3)

# --- scband reference (transcript-rebuilt; emitter-appended) ---
"""Pipeline reference for scband-mofencoder-2224793059916 (READ-ONLY COPY).

The authoritative reference and input builder live on the scoring server;
editing this copy changes nothing except your own understanding.
"""

import jax, jax.numpy as jnp
import numpy as np

NUM_FEATURES = 26
VOCAB = 100000
LATENT = 16
HIDDEN = 64
BATCH = 16384


def setup_inputs(seed: int = 0) -> dict:
    key = jax.random.key(seed)
    ks = jax.random.split(key, 8)
    mof = jax.random.randint(ks[0], (BATCH, NUM_FEATURES), 0, VOCAB)
    # 26 embedding tables, each [VOCAB, LATENT], stacked into one array
    emb = jax.random.normal(ks[1], (NUM_FEATURES, VOCAB, LATENT), dtype=jnp.float32) * 0.02
    # MLP dims for n_layers=3: [latent]*(n_layers-1) + [latent*2] + [hidden] = [16, 16, 32, 64]
    W1 = jax.random.normal(ks[2], (LATENT, LATENT), dtype=jnp.float32) * (1.0 / np.sqrt(LATENT))
    b1 = jnp.zeros((LATENT,), dtype=jnp.float32)
    W2 = jax.random.normal(ks[3], (LATENT, 2 * LATENT), dtype=jnp.float32) * (1.0 / np.sqrt(LATENT))
    b2 = jnp.zeros((2 * LATENT,), dtype=jnp.float32)
    W3 = jax.random.normal(ks[4], (2 * LATENT, HIDDEN), dtype=jnp.float32) * (1.0 / np.sqrt(2 * LATENT))
    b3 = jnp.zeros((HIDDEN,), dtype=jnp.float32)
    return {"mof": mof, "emb": emb, "W1": W1, "b1": b1, "W2": W2, "b2": b2, "W3": W3, "b3": b3}


def reference(mof, emb, W1, b1, W2, b2, W3, b3):
    # per-feature embedding lookup: emb[f][mof[:, f]] for each of the 26 features
    gathered = jax.vmap(lambda table, ids: jnp.take(table, ids, axis=0), in_axes=(0, 1))(emb, mof)  # [F, B, L]
    h = jnp.sum(gathered, axis=0)  # [B, L]
    # MLP with relu after every layer (activation_last=True), dropout=0, no batchnorm
    h = jax.nn.relu(h @ W1 + b1)
    h = jax.nn.relu(h @ W2 + b2)
    h = jax.nn.relu(h @ W3 + b3)
    return h

if __name__ == "__main__":
    import jax
    _d = setup_inputs()
    print(jax.jit(kernel)(*tuple(_d.values())))

</pallas_src>

<mosaic_0001>
#map = affine_map<(d0, d1) -> (0, 0)>
module attributes {stable_mosaic.version = 14 : i64} {
  func.func @_gather_sum_body(%arg0: i32, %arg1: i32, %arg2: memref<1400000x16xf32, #tpu.memory_space<hbm>>, %arg3: memref<32x7168xi32, #tpu.memory_space<hbm>>, %arg4: memref<16384x16xf32, #tpu.memory_space<hbm>>, %arg5: memref<7168xi32, #tpu.memory_space<vmem>>, %arg6: memref<1792x16xf32, #tpu.memory_space<vmem>>, %arg7: memref<128x16xf32, #tpu.memory_space<vmem>>, %arg8: memref<!tpu.dma_semaphore, #tpu.memory_space<semaphore_mem>>) attributes {dimension_semantics = [#tpu.dimension_semantics<core_parallel>, #tpu.dimension_semantics<subcore_parallel>], iteration_bounds = array<i64: 2, 16>, scalar_prefetch = 0 : i64, scratch_operands = 4 : i64, tpu.core_type = #tpu.core_type<sc_vector_subcore>, window_params = [{transform_indices = #map}, {transform_indices = #map}, {transform_indices = #map}]} {
    %mul3A = arith.constant 2 : i32
    %mul3A_0 = arith.muli %arg1, %mul3A : i32
    %add3A = arith.addi %mul3A_0, %arg0 : i32
    "tpu.region"() ({
      %run_scoped3A = tpu.sem_alloc : memref<!tpu.dma_semaphore, #tpu.memory_space<semaphore_mem>>
      %dma_start3A = arith.constant 0 : i32
      %dma_start3A_6 = tpu.memref_slice %arg3[%add3A, %dma_start3A] : memref<32x7168xi32, #tpu.memory_space<hbm>> -> memref<1x7168xi32, #tpu.memory_space<hbm>>
      %dma_start3A_7 = tpu.memref_squeeze %dma_start3A_6 : memref<1x7168xi32, #tpu.memory_space<hbm>> -> memref<7168xi32, #tpu.memory_space<hbm>>
      %dma_start3A_8 = arith.constant 0 : i32
      %dma_start3A_9 = tpu.memref_slice %arg3[%add3A, %dma_start3A_8] : memref<32x7168xi32, #tpu.memory_space<hbm>> -> memref<1x7168xi32, #tpu.memory_space<hbm>>
      %dma_start3A_10 = tpu.memref_squeeze %dma_start3A_9 : memref<1x7168xi32, #tpu.memory_space<hbm>> -> memref<7168xi32, #tpu.memory_space<hbm>>
      tpu.enqueue_dma source(%dma_start3A_10 : memref<7168xi32, #tpu.memory_space<hbm>>) target(%arg5 : memref<7168xi32, #tpu.memory_space<vmem>>) target_semaphore(%run_scoped3A : memref<!tpu.dma_semaphore, #tpu.memory_space<semaphore_mem>>)
      %dma_wait3A = arith.constant 0 : i32
      %dma_wait3A_11 = tpu.memref_slice %arg3[%add3A, %dma_wait3A] : memref<32x7168xi32, #tpu.memory_space<hbm>> -> memref<1x7168xi32, #tpu.memory_space<hbm>>
      %dma_wait3A_12 = tpu.memref_squeeze %dma_wait3A_11 : memref<1x7168xi32, #tpu.memory_space<hbm>> -> memref<7168xi32, #tpu.memory_space<hbm>>
      %dma_wait3A_13 = arith.constant 0 : i32
      %dma_wait3A_14 = tpu.memref_slice %arg3[%add3A, %dma_wait3A_13] : memref<32x7168xi32, #tpu.memory_space<hbm>> -> memref<1x7168xi32, #tpu.memory_space<hbm>>
      %dma_wait3A_15 = tpu.memref_squeeze %dma_wait3A_14 : memref<1x7168xi32, #tpu.memory_space<hbm>> -> memref<7168xi32, #tpu.memory_space<hbm>>
      tpu.wait_dma2 semaphore(%run_scoped3A : memref<!tpu.dma_semaphore, #tpu.memory_space<semaphore_mem>>) src(%dma_wait3A_15 : memref<7168xi32, #tpu.memory_space<hbm>>) dst(%arg5 : memref<7168xi32, #tpu.memory_space<vmem>>)
      tpu.yield
    }) : () -> ()
    %scan3A = arith.constant 0 : i32
    %scan3A_1 = arith.constant 0 : i32
    %scan3A_2 = arith.constant 4 : i32
    %scan3A_3 = arith.addi %scan3A_1, %scan3A_2 : i32
    %scan3A_4 = arith.constant 1 : i32
    scf.for %scan3A_6 = %scan3A_1 to %scan3A_3 step %scan3A_4  : i32 {
      %mul3A_7 = arith.constant 128 : i32
      %mul3A_8 = arith.muli %scan3A_6, %mul3A_7 : i32
      %add3A_9 = arith.constant 0 : i32
      %add3A_10 = arith.addi %add3A_9, %mul3A_8 : i32
      %dma_start3A = arith.constant 0 : i32
      %dma_start3A_11 = arith.constant 0 : i32
      %dma_start3A_12 = tpu.memref_slice %arg6[%dma_start3A, %dma_start3A_11] : memref<1792x16xf32, #tpu.memory_space<vmem>> -> memref<128x16xf32, #tpu.memory_space<vmem>>
      %dma_start3A_13 = tpu.memref_slice %arg5[%add3A_10] : memref<7168xi32, #tpu.memory_space<vmem>> -> memref<128xi32, #tpu.memory_space<vmem>>
      %dma_start3A_14 = arith.constant 0 : i32
      %dma_start3A_15 = arith.constant 0 : i32
      %dma_start3A_16 = tpu.memref_slice %arg2[%dma_start3A_14, %dma_start3A_15] : memref<1400000x16xf32, #tpu.memory_space<hbm>> -> memref<1400000x16xf32, #tpu.memory_space<hbm>>
      tpu.enqueue_indirect_dma source(%dma_start3A_16 : memref<1400000x16xf32, #tpu.memory_space<hbm>>) target(%dma_start3A_12 : memref<128x16xf32, #tpu.memory_space<vmem>>) offsets(%dma_start3A_13 : memref<128xi32, #tpu.memory_space<vmem>>) semaphore(%arg8 : memref<!tpu.dma_semaphore, #tpu.memory_space<semaphore_mem>>)
      %mul3A_17 = arith.constant 128 : i32
      %mul3A_18 = arith.muli %scan3A_6, %mul3A_17 : i32
      %add3A_19 = arith.constant 512 : i32
      %add3A_20 = arith.addi %add3A_19, %mul3A_18 : i32
      %dma_start3A_21 = arith.constant 128 : i32
      %dma_start3A_22 = arith.constant 0 : i32
      %dma_start3A_23 = tpu.memref_slice %arg6[%dma_start3A_21, %dma_start3A_22] : memref<1792x16xf32, #tpu.memory_space<vmem>> -> memref<128x16xf32, #tpu.memory_space<vmem>>
      %dma_start3A_24 = tpu.memref_slice %arg5[%add3A_20] : memref<7168xi32, #tpu.memory_space<vmem>> -> memref<128xi32, #tpu.memory_space<vmem>>
      %dma_start3A_25 = arith.constant 0 : i32
      %dma_start3A_26 = arith.constant 0 : i32
      %dma_start3A_27 = tpu.memref_slice %arg2[%dma_start3A_25, %dma_start3A_26] : memref<1400000x16xf32, #tpu.memory_space<hbm>> -> memref<1400000x16xf32, #tpu.memory_space<hbm>>
      tpu.enqueue_indirect_dma source(%dma_start3A_27 : memref<1400000x16xf32, #tpu.memory_space<hbm>>) target(%dma_start3A_23 : memref<128x16xf32, #tpu.memory_space<vmem>>) offsets(%dma_start3A_24 : memref<128xi32, #tpu.memory_space<vmem>>) semaphore(%arg8 : memref<!tpu.dma_semaphore, #tpu.memory_space<semaphore_mem>>)
      %mul3A_28 = arith.constant 128 : i32
      %mul3A_29 = arith.muli %scan3A_6, %mul3A_28 : i32
      %add3A_30 = arith.constant 1024 : i32
      %add3A_31 = arith.addi %add3A_30, %mul3A_29 : i32
      %dma_start3A_32 = arith.constant 256 : i32
      %dma_start3A_33 = arith.constant 0 : i32
      %dma_start3A_34 = tpu.memref_slice %arg6[%dma_start3A_32, %dma_start3A_33] : memref<1792x16xf32, #tpu.memory_space<vmem>> -> memref<128x16xf32, #tpu.memory_space<vmem>>
      %dma_start3A_35 = tpu.memref_slice %arg5[%add3A_31] : memref<7168xi32, #tpu.memory_space<vmem>> -> memref<128xi32, #tpu.memory_space<vmem>>
      %dma_start3A_36 = arith.constant 0 : i32
      %dma_start3A_37 = arith.constant 0 : i32
      %dma_start3A_38 = tpu.memref_slice %arg2[%dma_start3A_36, %dma_start3A_37] : memref<1400000x16xf32, #tpu.memory_space<hbm>> -> memref<1400000x16xf32, #tpu.memory_space<hbm>>
      tpu.enqueue_indirect_dma source(%dma_start3A_38 : memref<1400000x16xf32, #tpu.memory_space<hbm>>) target(%dma_start3A_34 : memref<128x16xf32, #tpu.memory_space<vmem>>) offsets(%dma_start3A_35 : memref<128xi32, #tpu.memory_space<vmem>>) semaphore(%arg8 : memref<!tpu.dma_semaphore, #tpu.memory_space<semaphore_mem>>)
      %mul3A_39 = arith.constant 128 : i32
      %mul3A_40 = arith.muli %scan3A_6, %mul3A_39 : i32
      %add3A_41 = arith.constant 1536 : i32
      %add3A_42 = arith.addi %add3A_41, %mul3A_40 : i32
      %dma_start3A_43 = arith.constant 384 : i32
      %dma_start3A_44 = arith.constant 0 : i32
      %dma_start3A_45 = tpu.memref_slice %arg6[%dma_start3A_43, %dma_start3A_44] : memref<1792x16xf32, #tpu.memory_space<vmem>> -> memref<128x16xf32, #tpu.memory_space<vmem>>
      %dma_start3A_46 = tpu.memref_slice %arg5[%add3A_42] : memref<7168xi32, #tpu.memory_space<vmem>> -> memref<128xi32, #tpu.memory_space<vmem>>
      %dma_start3A_47 = arith.constant 0 : i32
      %dma_start3A_48 = arith.constant 0 : i32
      %dma_start3A_49 = tpu.memref_slice %arg2[%dma_start3A_47, %dma_start3A_48] : memref<1400000x16xf32, #tpu.memory_space<hbm>> -> memref<1400000x16xf32, #tpu.memory_space<hbm>>
      tpu.enqueue_indirect_dma source(%dma_start3A_49 : memref<1400000x16xf32, #tpu.memory_space<hbm>>) target(%dma_start3A_45 : memref<128x16xf32, #tpu.memory_space<vmem>>) offsets(%dma_start3A_46 : memref<128xi32, #tpu.memory_space<vmem>>) semaphore(%arg8 : memref<!tpu.dma_semaphore, #tpu.memory_space<semaphore_mem>>)
      %mul3A_50 = arith.constant 128 : i32
      %mul3A_51 = arith.muli %scan3A_6, %mul3A_50 : i32
      %add3A_52 = arith.constant 2048 : i32
      %add3A_53 = arith.addi %add3A_52, %mul3A_51 : i32
      %dma_start3A_54 = arith.constant 512 : i32
      %dma_start3A_55 = arith.constant 0 : i32
      %dma_start3A_56 = tpu.memref_slice %arg6[%dma_start3A_54, %dma_start3A_55] : memref<1792x16xf32, #tpu.memory_space<vmem>> -> memref<128x16xf32, #tpu.memory_space<vmem>>
      %dma_start3A_57 = tpu.memref_slice %arg5[%add3A_53] : memref<7168xi32, #tpu.memory_space<vmem>> -> memref<128xi32, #tpu.memory_space<vmem>>
      %dma_start3A_58 = arith.constant 0 : i32
      %dma_start3A_59 = arith.constant 0 : i32
      %dma_start3A_60 = tpu.memref_slice %arg2[%dma_start3A_58, %dma_start3A_59] : memref<1400000x16xf32, #tpu.memory_space<hbm>> -> memref<1400000x16xf32, #tpu.memory_space<hbm>>
      tpu.enqueue_indirect_dma source(%dma_start3A_60 : memref<1400000x16xf32, #tpu.memory_space<hbm>>) target(%dma_start3A_56 : memref<128x16xf32, #tpu.memory_space<vmem>>) offsets(%dma_start3A_57 : memref<128xi32, #tpu.memory_space<vmem>>) semaphore(%arg8 : memref<!tpu.dma_semaphore, #tpu.memory_space<semaphore_mem>>)
      %mul3A_61 = arith.constant 128 : i32
      %mul3A_62 = arith.muli %scan3A_6, %mul3A_61 : i32
      %add3A_63 = arith.constant 2560 : i32
      %add3A_64 = arith.addi %add3A_63, %mul3A_62 : i32
      %dma_start3A_65 = arith.constant 640 : i32
      %dma_start3A_66 = arith.constant 0 : i32
      %dma_start3A_67 = tpu.memref_slice %arg6[%dma_start3A_65, %dma_start3A_66] : memref<1792x16xf32, #tpu.memory_space<vmem>> -> memref<128x16xf32, #tpu.memory_space<vmem>>
      %dma_start3A_68 = tpu.memref_slice %arg5[%add3A_64] : memref<7168xi32, #tpu.memory_space<vmem>> -> memref<128xi32, #tpu.memory_space<vmem>>
      %dma_start3A_69 = arith.constant 0 : i32
      %dma_start3A_70 = arith.constant 0 : i32
      %dma_start3A_71 = tpu.memref_slice %arg2[%dma_start3A_69, %dma_start3A_70] : memref<1400000x16xf32, #tpu.memory_space<hbm>> -> memref<1400000x16xf32, #tpu.memory_space<hbm>>
      tpu.enqueue_indirect_dma source(%dma_start3A_71 : memref<1400000x16xf32, #tpu.memory_space<hbm>>) target(%dma_start3A_67 : memref<128x16xf32, #tpu.memory_space<vmem>>) offsets(%dma_start3A_68 : memref<128xi32, #tpu.memory_space<vmem>>) semaphore(%arg8 : memref<!tpu.dma_semaphore, #tpu.memory_space<semaphore_mem>>)
      %mul3A_72 = arith.constant 128 : i32
      %mul3A_73 = arith.muli %scan3A_6, %mul3A_72 : i32
      %add3A_74 = arith.constant 3072 : i32
      %add3A_75 = arith.addi %add3A_74, %mul3A_73 : i32
      %dma_start3A_76 = arith.constant 768 : i32
      %dma_start3A_77 = arith.constant 0 : i32
      %dma_start3A_78 = tpu.memref_slice %arg6[%dma_start3A_76, %dma_start3A_77] : memref<1792x16xf32, #tpu.memory_space<vmem>> -> memref<128x16xf32, #tpu.memory_space<vmem>>
      %dma_start3A_79 = tpu.memref_slice %arg5[%add3A_75] : memref<7168xi32, #tpu.memory_space<vmem>> -> memref<128xi32, #tpu.memory_space<vmem>>
      %dma_start3A_80 = arith.constant 0 : i32
      %dma_start3A_81 = arith.constant 0 : i32
      %dma_start3A_82 = tpu.memref_slice %arg2[%dma_start3A_80, %dma_start3A_81] : memref<1400000x16xf32, #tpu.memory_space<hbm>> -> memref<1400000x16xf32, #tpu.memory_space<hbm>>
      tpu.enqueue_indirect_dma source(%dma_start3A_82 : memref<1400000x16xf32, #tpu.memory_space<hbm>>) target(%dma_start3A_78 : memref<128x16xf32, #tpu.memory_space<vmem>>) offsets(%dma_start3A_79 : memref<128xi32, #tpu.memory_space<vmem>>) semaphore(%arg8 : memref<!tpu.dma_semaphore, #tpu.memory_space<semaphore_mem>>)
      %mul3A_83 = arith.constant 128 : i32
      %mul3A_84 = arith.muli %scan3A_6, %mul3A_83 : i32
      %add3A_85 = arith.constant 3584 : i32
      %add3A_86 = arith.addi %add3A_85, %mul3A_84 : i32
      %dma_start3A_87 = arith.constant 896 : i32
      %dma_start3A_88 = arith.constant 0 : i32
      %dma_start3A_89 = tpu.memref_slice %arg6[%dma_start3A_87, %dma_start3A_88] : memref<1792x16xf32, #tpu.memory_space<vmem>> -> memref<128x16xf32, #tpu.memory_space<vmem>>
      %dma_start3A_90 = tpu.memref_slice %arg5[%add3A_86] : memref<7168xi32, #tpu.memory_space<vmem>> -> memref<128xi32, #tpu.memory_space<vmem>>
      %dma_start3A_91 = arith.constant 0 : i32
      %dma_start3A_92 = arith.constant 0 : i32
      %dma_start3A_93 = tpu.memref_slice %arg2[%dma_start3A_91, %dma_start3A_92] : memref<1400000x16xf32, #tpu.memory_space<hbm>> -> memref<1400000x16xf32, #tpu.memory_space<hbm>>
      tpu.enqueue_indirect_dma source(%dma_start3A_93 : memref<1400000x16xf32, #tpu.memory_space<hbm>>) target(%dma_start3A_89 : memref<128x16xf32, #tpu.memory_space<vmem>>) offsets(%dma_start3A_90 : memref<128xi32, #tpu.memory_space<vmem>>) semaphore(%arg8 : memref<!tpu.dma_semaphore, #tpu.memory_space<semaphore_mem>>)
      %mul3A_94 = arith.constant 128 : i32
      %mul3A_95 = arith.muli %scan3A_6, %mul3A_94 : i32
      %add3A_96 = arith.constant 4096 : i32
      %add3A_97 = arith.addi %add3A_96, %mul3A_95 : i32
      %dma_start3A_98 = arith.constant 1024 : i32
      %dma_start3A_99 = arith.constant 0 : i32
      %dma_start3A_100 = tpu.memref_slice %arg6[%dma_start3A_98, %dma_start3A_99] : memref<1792x16xf32, #tpu.memory_space<vmem>> -> memref<128x16xf32, #tpu.memory_space<vmem>>
      %dma_start3A_101 = tpu.memref_slice %arg5[%add3A_97] : memref<7168xi32, #tpu.memory_space<vmem>> -> memref<128xi32, #tpu.memory_space<vmem>>
      %dma_start3A_102 = arith.constant 0 : i32
      %dma_start3A_103 = arith.constant 0 : i32
      %dma_start3A_104 = tpu.memref_slice %arg2[%dma_start3A_102, %dma_start3A_103] : memref<1400000x16xf32, #tpu.memory_space<hbm>> -> memref<1400000x16xf32, #tpu.memory_space<hbm>>
      tpu.enqueue_indirect_dma source(%dma_start3A_104 : memref<1400000x16xf32, #tpu.memory_space<hbm>>) target(%dma_start3A_100 : memref<128x16xf32, #tpu.memory_space<vmem>>) offsets(%dma_start3A_101 : memref<128xi32, #tpu.memory_space<vmem>>) semaphore(%arg8 : memref<!tpu.dma_semaphore, #tpu.memory_space<semaphore_mem>>)
      %mul3A_105 = arith.constant 128 : i32
      %mul3A_106 = arith.muli %scan3A_6, %mul3A_105 : i32
      %add3A_107 = arith.constant 4608 : i32
      %add3A_108 = arith.addi %add3A_107, %mul3A_106 : i32
      %dma_start3A_109 = arith.constant 1152 : i32
      %dma_start3A_110 = arith.constant 0 : i32
      %dma_start3A_111 = tpu.memref_slice %arg6[%dma_start3A_109, %dma_start3A_110] : memref<1792x16xf32, #tpu.memory_space<vmem>> -> memref<128x16xf32, #tpu.memory_space<vmem>>
      %dma_start3A_112 = tpu.memref_slice %arg5[%add3A_108] : memref<7168xi32, #tpu.memory_space<vmem>> -> memref<128xi32, #tpu.memory_space<vmem>>
      %dma_start3A_113 = arith.constant 0 : i32
      %dma_start3A_114 = arith.constant 0 : i32
      %dma_start3A_115 = tpu.memref_slice %arg2[%dma_start3A_113, %dma_start3A_114] : memref<1400000x16xf32, #tpu.memory_space<hbm>> -> memref<1400000x16xf32, #tpu.memory_space<hbm>>
      tpu.enqueue_indirect_dma source(%dma_start3A_115 : memref<1400000x16xf32, #tpu.memory_space<hbm>>) target(%dma_start3A_111 : memref<128x16xf32, #tpu.memory_space<vmem>>) offsets(%dma_start3A_112 : memref<128xi32, #tpu.memory_space<vmem>>) semaphore(%arg8 : memref<!tpu.dma_semaphore, #tpu.memory_space<semaphore_mem>>)
      %mul3A_116 = arith.constant 128 : i32
      %mul3A_117 = arith.muli %scan3A_6, %mul3A_116 : i32
      %add3A_118 = arith.constant 5120 : i32
      %add3A_119 = arith.addi %add3A_118, %mul3A_117 : i32
      %dma_start3A_120 = arith.constant 1280 : i32
      %dma_start3A_121 = arith.constant 0 : i32
      %dma_start3A_122 = tpu.memref_slice %arg6[%dma_start3A_120, %dma_start3A_121] : memref<1792x16xf32, #tpu.memory_space<vmem>> -> memref<128x16xf32, #tpu.memory_space<vmem>>
      %dma_start3A_123 = tpu.memref_slice %arg5[%add3A_119] : memref<7168xi32, #tpu.memory_space<vmem>> -> memref<128xi32, #tpu.memory_space<vmem>>
      %dma_start3A_124 = arith.constant 0 : i32
      %dma_start3A_125 = arith.constant 0 : i32
      %dma_start3A_126 = tpu.memref_slice %arg2[%dma_start3A_124, %dma_start3A_125] : memref<1400000x16xf32, #tpu.memory_space<hbm>> -> memref<1400000x16xf32, #tpu.memory_space<hbm>>
      tpu.enqueue_indirect_dma source(%dma_start3A_126 : memref<1400000x16xf32, #tpu.memory_space<hbm>>) target(%dma_start3A_122 : memref<128x16xf32, #tpu.memory_space<vmem>>) offsets(%dma_start3A_123 : memref<128xi32, #tpu.memory_space<vmem>>) semaphore(%arg8 : memref<!tpu.dma_semaphore, #tpu.memory_space<semaphore_mem>>)
      %mul3A_127 = arith.constant 128 : i32
      %mul3A_128 = arith.muli %scan3A_6, %mul3A_127 : i32
      %add3A_129 = arith.constant 5632 : i32
      %add3A_130 = arith.addi %add3A_129, %mul3A_128 : i32
      %dma_start3A_131 = arith.constant 1408 : i32
      %dma_start3A_132 = arith.constant 0 : i32
      %dma_start3A_133 = tpu.memref_slice %arg6[%dma_start3A_131, %dma_start3A_132] : memref<1792x16xf32, #tpu.memory_space<vmem>> -> memref<128x16xf32, #tpu.memory_space<vmem>>
      %dma_start3A_134 = tpu.memref_slice %arg5[%add3A_130] : memref<7168xi32, #tpu.memory_space<vmem>> -> memref<128xi32, #tpu.memory_space<vmem>>
      %dma_start3A_135 = arith.constant 0 : i32
      %dma_start3A_136 = arith.constant 0 : i32
      %dma_start3A_137 = tpu.memref_slice %arg2[%dma_start3A_135, %dma_start3A_136] : memref<1400000x16xf32, #tpu.memory_space<hbm>> -> memref<1400000x16xf32, #tpu.memory_space<hbm>>
      tpu.enqueue_indirect_dma source(%dma_start3A_137 : memref<1400000x16xf32, #tpu.memory_space<hbm>>) target(%dma_start3A_133 : memref<128x16xf32, #tpu.memory_space<vmem>>) offsets(%dma_start3A_134 : memref<128xi32, #tpu.memory_space<vmem>>) semaphore(%arg8 : memref<!tpu.dma_semaphore, #tpu.memory_space<semaphore_mem>>)
      %mul3A_138 = arith.constant 128 : i32
      %mul3A_139 = arith.muli %scan3A_6, %mul3A_138 : i32
      %add3A_140 = arith.constant 6144 : i32
      %add3A_141 = arith.addi %add3A_140, %mul3A_139 : i32
      %dma_start3A_142 = arith.constant 1536 : i32
      %dma_start3A_143 = arith.constant 0 : i32
      %dma_start3A_144 = tpu.memref_slice %arg6[%dma_start3A_142, %dma_start3A_143] : memref<1792x16xf32, #tpu.memory_space<vmem>> -> memref<128x16xf32, #tpu.memory_space<vmem>>
      %dma_start3A_145 = tpu.memref_slice %arg5[%add3A_141] : memref<7168xi32, #tpu.memory_space<vmem>> -> memref<128xi32, #tpu.memory_space<vmem>>
      %dma_start3A_146 = arith.constant 0 : i32
      %dma_start3A_147 = arith.constant 0 : i32
      %dma_start3A_148 = tpu.memref_slice %arg2[%dma_start3A_146, %dma_start3A_147] : memref<1400000x16xf32, #tpu.memory_space<hbm>> -> memref<1400000x16xf32, #tpu.memory_space<hbm>>
      tpu.enqueue_indirect_dma source(%dma_start3A_148 : memref<1400000x16xf32, #tpu.memory_space<hbm>>) target(%dma_start3A_144 : memref<128x16xf32, #tpu.memory_space<vmem>>) offsets(%dma_start3A_145 : memref<128xi32, #tpu.memory_space<vmem>>) semaphore(%arg8 : memref<!tpu.dma_semaphore, #tpu.memory_space<semaphore_mem>>)
      %mul3A_149 = arith.constant 128 : i32
      %mul3A_150 = arith.muli %scan3A_6, %mul3A_149 : i32
      %add3A_151 = arith.constant 6656 : i32
      %add3A_152 = arith.addi %add3A_151, %mul3A_150 : i32
      %dma_start3A_153 = arith.constant 1664 : i32
      %dma_start3A_154 = arith.constant 0 : i32
      %dma_start3A_155 = tpu.memref_slice %arg6[%dma_start3A_153, %dma_start3A_154] : memref<1792x16xf32, #tpu.memory_space<vmem>> -> memref<128x16xf32, #tpu.memory_space<vmem>>
      %dma_start3A_156 = tpu.memref_slice %arg5[%add3A_152] : memref<7168xi32, #tpu.memory_space<vmem>> -> memref<128xi32, #tpu.memory_space<vmem>>
      %dma_start3A_157 = arith.constant 0 : i32
      %dma_start3A_158 = arith.constant 0 : i32
      %dma_start3A_159 = tpu.memref_slice %arg2[%dma_start3A_157, %dma_start3A_158] : memref<1400000x16xf32, #tpu.memory_space<hbm>> -> memref<1400000x16xf32, #tpu.memory_space<hbm>>
      tpu.enqueue_indirect_dma source(%dma_start3A_159 : memref<1400000x16xf32, #tpu.memory_space<hbm>>) target(%dma_start3A_155 : memref<128x16xf32, #tpu.memory_space<vmem>>) offsets(%dma_start3A_156 : memref<128xi32, #tpu.memory_space<vmem>>) semaphore(%arg8 : memref<!tpu.dma_semaphore, #tpu.memory_space<semaphore_mem>>)
      %dma_wait3A = arith.constant 0 : i32
      %dma_wait3A_160 = arith.constant 0 : i32
      %dma_wait3A_161 = tpu.memref_slice %arg6[%dma_wait3A, %dma_wait3A_160] : memref<1792x16xf32, #tpu.memory_space<vmem>> -> memref<128x16xf32, #tpu.memory_space<vmem>>
      %dma_wait3A_162 = tpu.memref_slice %arg5[%add3A_10] : memref<7168xi32, #tpu.memory_space<vmem>> -> memref<128xi32, #tpu.memory_space<vmem>>
      %dma_wait3A_163 = arith.constant 0 : i32
      %dma_wait3A_164 = arith.constant 0 : i32
      %dma_wait3A_165 = tpu.memref_slice %arg2[%dma_wait3A_163, %dma_wait3A_164] : memref<1400000x16xf32, #tpu.memory_space<hbm>> -> memref<1400000x16xf32, #tpu.memory_space<hbm>>
      tpu.wait_indirect_dma semaphore(%arg8 : memref<!tpu.dma_semaphore, #tpu.memory_space<semaphore_mem>>) src(%dma_wait3A_165 : memref<1400000x16xf32, #tpu.memory_space<hbm>>) dst(%dma_wait3A_161 : memref<128x16xf32, #tpu.memory_space<vmem>>)
      %dma_wait3A_166 = arith.constant 128 : i32
      %dma_wait3A_167 = arith.constant 0 : i32
      %dma_wait3A_168 = tpu.memref_slice %arg6[%dma_wait3A_166, %dma_wait3A_167] : memref<1792x16xf32, #tpu.memory_space<vmem>> -> memref<128x16xf32, #tpu.memory_space<vmem>>
      %dma_wait3A_169 = tpu.memref_slice %arg5[%add3A_20] : memref<7168xi32, #tpu.memory_space<vmem>> -> memref<128xi32, #tpu.memory_space<vmem>>
      %dma_wait3A_170 = arith.constant 0 : i32
      %dma_wait3A_171 = arith.constant 0 : i32
      %dma_wait3A_172 = tpu.memref_slice %arg2[%dma_wait3A_170, %dma_wait3A_171] : memref<1400000x16xf32, #tpu.memory_space<hbm>> -> memref<1400000x16xf32, #tpu.memory_space<hbm>>
      tpu.wait_indirect_dma semaphore(%arg8 : memref<!tpu.dma_semaphore, #tpu.memory_space<semaphore_mem>>) src(%dma_wait3A_172 : memref<1400000x16xf32, #tpu.memory_space<hbm>>) dst(%dma_wait3A_168 : memref<128x16xf32, #tpu.memory_space<vmem>>)
      %dma_wait3A_173 = arith.constant 256 : i32
      %dma_wait3A_174 = arith.constant 0 : i32
      %dma_wait3A_175 = tpu.memref_slice %arg6[%dma_wait3A_173, %dma_wait3A_174] : memref<1792x16xf32, #tpu.memory_space<vmem>> -> memref<128x16xf32, #tpu.memory_space<vmem>>
      %dma_wait3A_176 = tpu.memref_slice %arg5[%add3A_31] : memref<7168xi32, #tpu.memory_space<vmem>> -> memref<128xi32, #tpu.memory_space<vmem>>
      %dma_wait3A_177 = arith.constant 0 : i32
      %dma_wait3A_178 = arith.constant 0 : i32
      %dma_wait3A_179 = tpu.memref_slice %arg2[%dma_wait3A_177, %dma_wait3A_178] : memref<1400000x16xf32, #tpu.memory_space<hbm>> -> memref<1400000x16xf32, #tpu.memory_space<hbm>>
      tpu.wait_indirect_dma semaphore(%arg8 : memref<!tpu.dma_semaphore, #tpu.memory_space<semaphore_mem>>) src(%dma_wait3A_179 : memref<1400000x16xf32, #tpu.memory_space<hbm>>) dst(%dma_wait3A_175 : memref<128x16xf32, #tpu.memory_space<vmem>>)
      %dma_wait3A_180 = arith.constant 384 : i32
      %dma_wait3A_181 = arith.constant 0 : i32
      %dma_wait3A_182 = tpu.memref_slice %arg6[%dma_wait3A_180, %dma_wait3A_181] : memref<1792x16xf32, #tpu.memory_space<vmem>> -> memref<128x16xf32, #tpu.memory_space<vmem>>
      %dma_wait3A_183 = tpu.memref_slice %arg5[%add3A_42] : memref<7168xi32, #tpu.memory_space<vmem>> -> memref<128xi32, #tpu.memory_space<vmem>>
      %dma_wait3A_184 = arith.constant 0 : i32
      %dma_wait3A_185 = arith.constant 0 : i32
      %dma_wait3A_186 = tpu.memref_slice %arg2[%dma_wait3A_184, %dma_wait3A_185] : memref<1400000x16xf32, #tpu.memory_space<hbm>> -> memref<1400000x16xf32, #tpu.memory_space<hbm>>
      tpu.wait_indirect_dma semaphore(%arg8 : memref<!tpu.dma_semaphore, #tpu.memory_space<semaphore_mem>>) src(%dma_wait3A_186 : memref<1400000x16xf32, #tpu.memory_space<hbm>>) dst(%dma_wait3A_182 : memref<128x16xf32, #tpu.memory_space<vmem>>)
      %dma_wait3A_187 = arith.constant 512 : i32
      %dma_wait3A_188 = arith.constant 0 : i32
      %dma_wait3A_189 = tpu.memref_slice %arg6[%dma_wait3A_187, %dma_wait3A_188] : memref<1792x16xf32, #tpu.memory_space<vmem>> -> memref<128x16xf32, #tpu.memory_space<vmem>>
      %dma_wait3A_190 = tpu.memref_slice %arg5[%add3A_53] : memref<7168xi32, #tpu.memory_space<vmem>> -> memref<128xi32, #tpu.memory_space<vmem>>
      %dma_wait3A_191 = arith.constant 0 : i32
      %dma_wait3A_192 = arith.constant 0 : i32
      %dma_wait3A_193 = tpu.memref_slice %arg2[%dma_wait3A_191, %dma_wait3A_192] : memref<1400000x16xf32, #tpu.memory_space<hbm>> -> memref<1400000x16xf32, #tpu.memory_space<hbm>>
      tpu.wait_indirect_dma semaphore(%arg8 : memref<!tpu.dma_semaphore, #tpu.memory_space<semaphore_mem>>) src(%dma_wait3A_193 : memref<1400000x16xf32, #tpu.memory_space<hbm>>) dst(%dma_wait3A_189 : memref<128x16xf32, #tpu.memory_space<vmem>>)
      %dma_wait3A_194 = arith.constant 640 : i32
      %dma_wait3A_195 = arith.constant 0 : i32
      %dma_wait3A_196 = tpu.memref_slice %arg6[%dma_wait3A_194, %dma_wait3A_195] : memref<1792x16xf32, #tpu.memory_space<vmem>> -> memref<128x16xf32, #tpu.memory_space<vmem>>
      %dma_wait3A_197 = tpu.memref_slice %arg5[%add3A_64] : memref<7168xi32, #tpu.memory_space<vmem>> -> memref<128xi32, #tpu.memory_space<vmem>>
      %dma_wait3A_198 = arith.constant 0 : i32
      %dma_wait3A_199 = arith.constant 0 : i32
      %dma_wait3A_200 = tpu.memref_slice %arg2[%dma_wait3A_198, %dma_wait3A_199] : memref<1400000x16xf32, #tpu.memory_space<hbm>> -> memref<1400000x16xf32, #tpu.memory_space<hbm>>
      tpu.wait_indirect_dma semaphore(%arg8 : memref<!tpu.dma_semaphore, #tpu.memory_space<semaphore_mem>>) src(%dma_wait3A_200 : memref<1400000x16xf32, #tpu.memory_space<hbm>>) dst(%dma_wait3A_196 : memref<128x16xf32, #tpu.memory_space<vmem>>)
      %dma_wait3A_201 = arith.constant 768 : i32
      %dma_wait3A_202 = arith.constant 0 : i32
      %dma_wait3A_203 = tpu.memref_slice %arg6[%dma_wait3A_201, %dma_wait3A_202] : memref<1792x16xf32, #tpu.memory_space<vmem>> -> memref<128x16xf32, #tpu.memory_space<vmem>>
      %dma_wait3A_204 = tpu.memref_slice %arg5[%add3A_75] : memref<7168xi32, #tpu.memory_space<vmem>> -> memref<128xi32, #tpu.memory_space<vmem>>
      %dma_wait3A_205 = arith.constant 0 : i32
      %dma_wait3A_206 = arith.constant 0 : i32
      %dma_wait3A_207 = tpu.memref_slice %arg2[%dma_wait3A_205, %dma_wait3A_206] : memref<1400000x16xf32, #tpu.memory_space<hbm>> -> memref<1400000x16xf32, #tpu.memory_space<hbm>>
      tpu.wait_indirect_dma semaphore(%arg8 : memref<!tpu.dma_semaphore, #tpu.memory_space<semaphore_mem>>) src(%dma_wait3A_207 : memref<1400000x16xf32, #tpu.memory_space<hbm>>) dst(%dma_wait3A_203 : memref<128x16xf32, #tpu.memory_space<vmem>>)
      %dma_wait3A_208 = arith.constant 896 : i32
      %dma_wait3A_209 = arith.constant 0 : i32
      %dma_wait3A_210 = tpu.memref_slice %arg6[%dma_wait3A_208, %dma_wait3A_209] : memref<1792x16xf32, #tpu.memory_space<vmem>> -> memref<128x16xf32, #tpu.memory_space<vmem>>
      %dma_wait3A_211 = tpu.memref_slice %arg5[%add3A_86] : memref<7168xi32, #tpu.memory_space<vmem>> -> memref<128xi32, #tpu.memory_space<vmem>>
      %dma_wait3A_212 = arith.constant 0 : i32
      %dma_wait3A_213 = arith.constant 0 : i32
      %dma_wait3A_214 = tpu.memref_slice %arg2[%dma_wait3A_212, %dma_wait3A_213] : memref<1400000x16xf32, #tpu.memory_space<hbm>> -> memref<1400000x16xf32, #tpu.memory_space<hbm>>
      tpu.wait_indirect_dma semaphore(%arg8 : memref<!tpu.dma_semaphore, #tpu.memory_space<semaphore_mem>>) src(%dma_wait3A_214 : memref<1400000x16xf32, #tpu.memory_space<hbm>>) dst(%dma_wait3A_210 : memref<128x16xf32, #tpu.memory_space<vmem>>)
      %dma_wait3A_215 = arith.constant 1024 : i32
      %dma_wait3A_216 = arith.constant 0 : i32
      %dma_wait3A_217 = tpu.memref_slice %arg6[%dma_wait3A_215, %dma_wait3A_216] : memref<1792x16xf32, #tpu.memory_space<vmem>> -> memref<128x16xf32, #tpu.memory_space<vmem>>
      %dma_wait3A_218 = tpu.memref_slice %arg5[%add3A_97] : memref<7168xi32, #tpu.memory_space<vmem>> -> memref<128xi32, #tpu.memory_space<vmem>>
      %dma_wait3A_219 = arith.constant 0 : i32
      %dma_wait3A_220 = arith.constant 0 : i32
      %dma_wait3A_221 = tpu.memref_slice %arg2[%dma_wait3A_219, %dma_wait3A_220] : memref<1400000x16xf32, #tpu.memory_space<hbm>> -> memref<1400000x16xf32, #tpu.memory_space<hbm>>
      tpu.wait_indirect_dma semaphore(%arg8 : memref<!tpu.dma_semaphore, #tpu.memory_space<semaphore_mem>>) src(%dma_wait3A_221 : memref<1400000x16xf32, #tpu.memory_space<hbm>>) dst(%dma_wait3A_217 : memref<128x16xf32, #tpu.memory_space<vmem>>)
      %dma_wait3A_222 = arith.constant 1152 : i32
      %dma_wait3A_223 = arith.constant 0 : i32
      %dma_wait3A_224 = tpu.memref_slice %arg6[%dma_wait3A_222, %dma_wait3A_223] : memref<1792x16xf32, #tpu.memory_space<vmem>> -> memref<128x16xf32, #tpu.memory_space<vmem>>
      %dma_wait3A_225 = tpu.memref_slice %arg5[%add3A_108] : memref<7168xi32, #tpu.memory_space<vmem>> -> memref<128xi32, #tpu.memory_space<vmem>>
      %dma_wait3A_226 = arith.constant 0 : i32
      %dma_wait3A_227 = arith.constant 0 : i32
      %dma_wait3A_228 = tpu.memref_slice %arg2[%dma_wait3A_226, %dma_wait3A_227] : memref<1400000x16xf32, #tpu.memory_space<hbm>> -> memref<1400000x16xf32, #tpu.memory_space<hbm>>
      tpu.wait_indirect_dma semaphore(%arg8 : memref<!tpu.dma_semaphore, #tpu.memory_space<semaphore_mem>>) src(%dma_wait3A_228 : memref<1400000x16xf32, #tpu.memory_space<hbm>>) dst(%dma_wait3A_224 : memref<128x16xf32, #tpu.memory_space<vmem>>)
      %dma_wait3A_229 = arith.constant 1280 : i32
      %dma_wait3A_230 = arith.constant 0 : i32
      %dma_wait3A_231 = tpu.memref_slice %arg6[%dma_wait3A_229, %dma_wait3A_230] : memref<1792x16xf32, #tpu.memory_space<vmem>> -> memref<128x16xf32, #tpu.memory_space<vmem>>
      %dma_wait3A_232 = tpu.memref_slice %arg5[%add3A_119] : memref<7168xi32, #tpu.memory_space<vmem>> -> memref<128xi32, #tpu.memory_space<vmem>>
      %dma_wait3A_233 = arith.constant 0 : i32
      %dma_wait3A_234 = arith.constant 0 : i32
      %dma_wait3A_235 = tpu.memref_slice %arg2[%dma_wait3A_233, %dma_wait3A_234] : memref<1400000x16xf32, #tpu.memory_space<hbm>> -> memref<1400000x16xf32, #tpu.memory_space<hbm>>
      tpu.wait_indirect_dma semaphore(%arg8 : memref<!tpu.dma_semaphore, #tpu.memory_space<semaphore_mem>>) src(%dma_wait3A_235 : memref<1400000x16xf32, #tpu.memory_space<hbm>>) dst(%dma_wait3A_231 : memref<128x16xf32, #tpu.memory_space<vmem>>)
      %dma_wait3A_236 = arith.constant 1408 : i32
      %dma_wait3A_237 = arith.constant 0 : i32
      %dma_wait3A_238 = tpu.memref_slice %arg6[%dma_wait3A_236, %dma_wait3A_237] : memref<1792x16xf32, #tpu.memory_space<vmem>> -> memref<128x16xf32, #tpu.memory_space<vmem>>
      %dma_wait3A_239 = tpu.memref_slice %arg5[%add3A_130] : memref<7168xi32, #tpu.memory_space<vmem>> -> memref<128xi32, #tpu.memory_space<vmem>>
      %dma_wait3A_240 = arith.constant 0 : i32
      %dma_wait3A_241 = arith.constant 0 : i32
      %dma_wait3A_242 = tpu.memref_slice %arg2[%dma_wait3A_240, %dma_wait3A_241] : memref<1400000x16xf32, #tpu.memory_space<hbm>> -> memref<1400000x16xf32, #tpu.memory_space<hbm>>
      tpu.wait_indirect_dma semaphore(%arg8 : memref<!tpu.dma_semaphore, #tpu.memory_space<semaphore_mem>>) src(%dma_wait3A_242 : memref<1400000x16xf32, #tpu.memory_space<hbm>>) dst(%dma_wait3A_238 : memref<128x16xf32, #tpu.memory_space<vmem>>)
      %dma_wait3A_243 = arith.constant 1536 : i32
      %dma_wait3A_244 = arith.constant 0 : i32
      %dma_wait3A_245 = tpu.memref_slice %arg6[%dma_wait3A_243, %dma_wait3A_244] : memref<1792x16xf32, #tpu.memory_space<vmem>> -> memref<128x16xf32, #tpu.memory_space<vmem>>
      %dma_wait3A_246 = tpu.memref_slice %arg5[%add3A_141] : memref<7168xi32, #tpu.memory_space<vmem>> -> memref<128xi32, #tpu.memory_space<vmem>>
      %dma_wait3A_247 = arith.constant 0 : i32
      %dma_wait3A_248 = arith.constant 0 : i32
      %dma_wait3A_249 = tpu.memref_slice %arg2[%dma_wait3A_247, %dma_wait3A_248] : memref<1400000x16xf32, #tpu.memory_space<hbm>> -> memref<1400000x16xf32, #tpu.memory_space<hbm>>
      tpu.wait_indirect_dma semaphore(%arg8 : memref<!tpu.dma_semaphore, #tpu.memory_space<semaphore_mem>>) src(%dma_wait3A_249 : memref<1400000x16xf32, #tpu.memory_space<hbm>>) dst(%dma_wait3A_245 : memref<128x16xf32, #tpu.memory_space<vmem>>)
      %dma_wait3A_250 = arith.constant 1664 : i32
      %dma_wait3A_251 = arith.constant 0 : i32
      %dma_wait3A_252 = tpu.memref_slice %arg6[%dma_wait3A_250, %dma_wait3A_251] : memref<1792x16xf32, #tpu.memory_space<vmem>> -> memref<128x16xf32, #tpu.memory_space<vmem>>
      %dma_wait3A_253 = tpu.memref_slice %arg5[%add3A_152] : memref<7168xi32, #tpu.memory_space<vmem>> -> memref<128xi32, #tpu.memory_space<vmem>>
      %dma_wait3A_254 = arith.constant 0 : i32
      %dma_wait3A_255 = arith.constant 0 : i32
      %dma_wait3A_256 = tpu.memref_slice %arg2[%dma_wait3A_254, %dma_wait3A_255] : memref<1400000x16xf32, #tpu.memory_space<hbm>> -> memref<1400000x16xf32, #tpu.memory_space<hbm>>
      tpu.wait_indirect_dma semaphore(%arg8 : memref<!tpu.dma_semaphore, #tpu.memory_space<semaphore_mem>>) src(%dma_wait3A_256 : memref<1400000x16xf32, #tpu.memory_space<hbm>>) dst(%dma_wait3A_252 : memref<128x16xf32, #tpu.memory_space<vmem>>)
      %scan3A_257 = arith.constant 0 : i32
      %scan3A_258 = arith.constant 0 : i32
      %scan3A_259 = arith.constant 128 : i32
      %scan3A_260 = arith.addi %scan3A_258, %scan3A_259 : i32
      %scan3A_261 = arith.constant 2 : i32
      scf.for %scan3A_268 = %scan3A_258 to %scan3A_260 step %scan3A_261  : i32 {
        %get3A = arith.index_cast %scan3A_268 : i32 to index
        %get3A_269 = arith.constant 0 : index
        %get3A_270 = tpu.vector_load %arg6[%get3A, %get3A_269] {strides = array<i32>} : memref<1792x16xf32, #tpu.memory_space<vmem>>, vector<1x16xf32>,
        %get3A_271 = vector.shape_cast %get3A_270 : vector<1x16xf32> to vector<16xf32>
        %add3A_272 = arith.constant 128 : i32
        %add3A_273 = arith.addi %add3A_272, %scan3A_268 : i32
        %get3A_274 = arith.index_cast %add3A_273 : i32 to index
        %get3A_275 = arith.constant 0 : index
        %get3A_276 = tpu.vector_load %arg6[%get3A_274, %get3A_275] {strides = array<i32>} : memref<1792x16xf32, #tpu.memory_space<vmem>>, vector<1x16xf32>,
        %get3A_277 = vector.shape_cast %get3A_276 : vector<1x16xf32> to vector<16xf32>
        %add3A_278 = arith.addf %get3A_271, %get3A_277 : vector<16xf32>
        %add3A_279 = arith.constant 256 : i32
        %add3A_280 = arith.addi %add3A_279, %scan3A_268 : i32
        %get3A_281 = arith.index_cast %add3A_280 : i32 to index
        %get3A_282 = arith.constant 0 : index
        %get3A_283 = tpu.vector_load %arg6[%get3A_281, %get3A_282] {strides = array<i32>} : memref<1792x16xf32, #tpu.memory_space<vmem>>, vector<1x16xf32>,
        %get3A_284 = vector.shape_cast %get3A_283 : vector<1x16xf32> to vector<16xf32>
        %add3A_285 = arith.addf %add3A_278, %get3A_284 : vector<16xf32>
        %add3A_286 = arith.constant 384 : i32
        %add3A_287 = arith.addi %add3A_286, %scan3A_268 : i32
        %get3A_288 = arith.index_cast %add3A_287 : i32 to index
        %get3A_289 = arith.constant 0 : index
        %get3A_290 = tpu.vector_load %arg6[%get3A_288, %get3A_289] {strides = array<i32>} : memref<1792x16xf32, #tpu.memory_space<vmem>>, vector<1x16xf32>,
        %get3A_291 = vector.shape_cast %get3A_290 : vector<1x16xf32> to vector<16xf32>
        %add3A_292 = arith.addf %add3A_285, %get3A_291 : vector<16xf32>
        %add3A_293 = arith.constant 512 : i32
        %add3A_294 = arith.addi %add3A_293, %scan3A_268 : i32
        %get3A_295 = arith.index_cast %add3A_294 : i32 to index
        %get3A_296 = arith.constant 0 : index
        %get3A_297 = tpu.vector_load %arg6[%get3A_295, %get3A_296] {strides = array<i32>} : memref<1792x16xf32, #tpu.memory_space<vmem>>, vector<1x16xf32>,
        %get3A_298 = vector.shape_cast %get3A_297 : vector<1x16xf32> to vector<16xf32>
        %add3A_299 = arith.addf %add3A_292, %get3A_298 : vector<16xf32>
        %add3A_300 = arith.constant 640 : i32
        %add3A_301 = arith.addi %add3A_300, %scan3A_268 : i32
        %get3A_302 = arith.index_cast %add3A_301 : i32 to index
        %get3A_303 = arith.constant 0 : index
        %get3A_304 = tpu.vector_load %arg6[%get3A_302, %get3A_303] {strides = array<i32>} : memref<1792x16xf32, #tpu.memory_space<vmem>>, vector<1x16xf32>,
        %get3A_305 = vector.shape_cast %get3A_304 : vector<1x16xf32> to vector<16xf32>
        %add3A_306 = arith.addf %add3A_299, %get3A_305 : vector<16xf32>
        %add3A_307 = arith.constant 768 : i32
        %add3A_308 = arith.addi %add3A_307, %scan3A_268 : i32
        %get3A_309 = arith.index_cast %add3A_308 : i32 to index
        %get3A_310 = arith.constant 0 : index
        %get3A_311 = tpu.vector_load %arg6[%get3A_309, %get3A_310] {strides = array<i32>} : memref<1792x16xf32, #tpu.memory_space<vmem>>, vector<1x16xf32>,
        %get3A_312 = vector.shape_cast %get3A_311 : vector<1x16xf32> to vector<16xf32>
        %add3A_313 = arith.addf %add3A_306, %get3A_312 : vector<16xf32>
        %add3A_314 = arith.constant 896 : i32
        %add3A_315 = arith.addi %add3A_314, %scan3A_268 : i32
        %get3A_316 = arith.index_cast %add3A_315 : i32 to index
        %get3A_317 = arith.constant 0 : index
        %get3A_318 = tpu.vector_load %arg6[%get3A_316, %get3A_317] {strides = array<i32>} : memref<1792x16xf32, #tpu.memory_space<vmem>>, vector<1x16xf32>,
        %get3A_319 = vector.shape_cast %get3A_318 : vector<1x16xf32> to vector<16xf32>
        %add3A_320 = arith.addf %add3A_313, %get3A_319 : vector<16xf32>
        %add3A_321 = arith.constant 1024 : i32
        %add3A_322 = arith.addi %add3A_321, %scan3A_268 : i32
        %get3A_323 = arith.index_cast %add3A_322 : i32 to index
        %get3A_324 = arith.constant 0 : index
        %get3A_325 = tpu.vector_load %arg6[%get3A_323, %get3A_324] {strides = array<i32>} : memref<1792x16xf32, #tpu.memory_space<vmem>>, vector<1x16xf32>,
        %get3A_326 = vector.shape_cast %get3A_325 : vector<1x16xf32> to vector<16xf32>
        %add3A_327 = arith.addf %add3A_320, %get3A_326 : vector<16xf32>
        %add3A_328 = arith.constant 1152 : i32
        %add3A_329 = arith.addi %add3A_328, %scan3A_268 : i32
        %get3A_330 = arith.index_cast %add3A_329 : i32 to index
        %get3A_331 = arith.constant 0 : index
        %get3A_332 = tpu.vector_load %arg6[%get3A_330, %get3A_331] {strides = array<i32>} : memref<1792x16xf32, #tpu.memory_space<vmem>>, vector<1x16xf32>,
        %get3A_333 = vector.shape_cast %get3A_332 : vector<1x16xf32> to vector<16xf32>
        %add3A_334 = arith.addf %add3A_327, %get3A_333 : vector<16xf32>
        %add3A_335 = arith.constant 1280 : i32
        %add3A_336 = arith.addi %add3A_335, %scan3A_268 : i32
        %get3A_337 = arith.index_cast %add3A_336 : i32 to index
        %get3A_338 = arith.constant 0 : index
        %get3A_339 = tpu.vector_load %arg6[%get3A_337, %get3A_338] {strides = array<i32>} : memref<1792x16xf32, #tpu.memory_space<vmem>>, vector<1x16xf32>,
        %get3A_340 = vector.shape_cast %get3A_339 : vector<1x16xf32> to vector<16xf32>
        %add3A_341 = arith.addf %add3A_334, %get3A_340 : vector<16xf32>
        %add3A_342 = arith.constant 1408 : i32
        %add3A_343 = arith.addi %add3A_342, %scan3A_268 : i32
        %get3A_344 = arith.index_cast %add3A_343 : i32 to index
        %get3A_345 = arith.constant 0 : index
        %get3A_346 = tpu.vector_load %arg6[%get3A_344, %get3A_345] {strides = array<i32>} : memref<1792x16xf32, #tpu.memory_space<vmem>>, vector<1x16xf32>,
        %get3A_347 = vector.shape_cast %get3A_346 : vector<1x16xf32> to vector<16xf32>
        %add3A_348 = arith.addf %add3A_341, %get3A_347 : vector<16xf32>
        %add3A_349 = arith.constant 1536 : i32
        %add3A_350 = arith.addi %add3A_349, %scan3A_268 : i32
        %get3A_351 = arith.index_cast %add3A_350 : i32 to index
        %get3A_352 = arith.constant 0 : index
        %get3A_353 = tpu.vector_load %arg6[%get3A_351, %get3A_352] {strides = array<i32>} : memref<1792x16xf32, #tpu.memory_space<vmem>>, vector<1x16xf32>,
        %get3A_354 = vector.shape_cast %get3A_353 : vector<1x16xf32> to vector<16xf32>
        %add3A_355 = arith.addf %add3A_348, %get3A_354 : vector<16xf32>
        %add3A_356 = arith.constant 1664 : i32
        %add3A_357 = arith.addi %add3A_356, %scan3A_268 : i32
        %get3A_358 = arith.index_cast %add3A_357 : i32 to index
        %get3A_359 = arith.constant 0 : index
        %get3A_360 = tpu.vector_load %arg6[%get3A_358, %get3A_359] {strides = array<i32>} : memref<1792x16xf32, #tpu.memory_space<vmem>>, vector<1x16xf32>,
        %get3A_361 = vector.shape_cast %get3A_360 : vector<1x16xf32> to vector<16xf32>
        %add3A_362 = arith.addf %add3A_355, %get3A_361 : vector<16xf32>
        %swap3A = arith.index_cast %scan3A_268 : i32 to index
        %swap3A_363 = arith.constant 0 : index
        %swap3A_364 = tpu.vector_load %arg7[%swap3A, %swap3A_363] {strides = array<i32>} : memref<128x16xf32, #tpu.memory_space<vmem>>, vector<1x16xf32>,
        %swap3A_365 = vector.shape_cast %swap3A_364 : vector<1x16xf32> to vector<16xf32>
        %swap3A_366 = vector.shape_cast %add3A_362 : vector<16xf32> to vector<1x16xf32>
        tpu.vector_store %arg7[%swap3A, %swap3A_363], %swap3A_366 {strides = array<i32>} : memref<128x16xf32, #tpu.memory_space<vmem>>, vector<1x16xf32>,
        %scan3A_367 = arith.constant 1 : i32
        %scan3A_368 = arith.addi %scan3A_268, %scan3A_367 : i32
        %get3A_369 = arith.index_cast %scan3A_368 : i32 to index
        %get3A_370 = arith.constant 0 : index
        %get3A_371 = tpu.vector_load %arg6[%get3A_369, %get3A_370] {strides = array<i32>} : memref<1792x16xf32, #tpu.memory_space<vmem>>, vector<1x16xf32>,
        %get3A_372 = vector.shape_cast %get3A_371 : vector<1x16xf32> to vector<16xf32>
        %add3A_373 = arith.constant 128 : i32
        %add3A_374 = arith.addi %add3A_373, %scan3A_368 : i32
        %get3A_375 = arith.index_cast %add3A_374 : i32 to index
        %get3A_376 = arith.constant 0 : index
        %get3A_377 = tpu.vector_load %arg6[%get3A_375, %get3A_376] {strides = array<i32>} : memref<1792x16xf32, #tpu.memory_space<vmem>>, vector<1x16xf32>,
        %get3A_378 = vector.shape_cast %get3A_377 : vector<1x16xf32> to vector<16xf32>
        %add3A_379 = arith.addf %get3A_372, %get3A_378 : vector<16xf32>
        %add3A_380 = arith.constant 256 : i32
        %add3A_381 = arith.addi %add3A_380, %scan3A_368 : i32
        %get3A_382 = arith.index_cast %add3A_381 : i32 to index
        %get3A_383 = arith.constant 0 : index
        %get3A_384 = tpu.vector_load %arg6[%get3A_382, %get3A_383] {strides = array<i32>} : memref<1792x16xf32, #tpu.memory_space<vmem>>, vector<1x16xf32>,
        %get3A_385 = vector.shape_cast %get3A_384 : vector<1x16xf32> to vector<16xf32>
        %add3A_386 = arith.addf %add3A_379, %get3A_385 : vector<16xf32>
        %add3A_387 = arith.constant 384 : i32
        %add3A_388 = arith.addi %add3A_387, %scan3A_368 : i32
        %get3A_389 = arith.index_cast %add3A_388 : i32 to index
        %get3A_390 = arith.constant 0 : index
        %get3A_391 = tpu.vector_load %arg6[%get3A_389, %get3A_390] {strides = array<i32>} : memref<1792x16xf32, #tpu.memory_space<vmem>>, vector<1x16xf32>,
        %get3A_392 = vector.shape_cast %get3A_391 : vector<1x16xf32> to vector<16xf32>
        %add3A_393 = arith.addf %add3A_386, %get3A_392 : vector<16xf32>
        %add3A_394 = arith.constant 512 : i32
        %add3A_395 = arith.addi %add3A_394, %scan3A_368 : i32
        %get3A_396 = arith.index_cast %add3A_395 : i32 to index
        %get3A_397 = arith.constant 0 : index
        %get3A_398 = tpu.vector_load %arg6[%get3A_396, %get3A_397] {strides = array<i32>} : memref<1792x16xf32, #tpu.memory_space<vmem>>, vector<1x16xf32>,
        %get3A_399 = vector.shape_cast %get3A_398 : vector<1x16xf32> to vector<16xf32>
        %add3A_400 = arith.addf %add3A_393, %get3A_399 : vector<16xf32>
        %add3A_401 = arith.constant 640 : i32
        %add3A_402 = arith.addi %add3A_401, %scan3A_368 : i32
        %get3A_403 = arith.index_cast %add3A_402 : i32 to index
        %get3A_404 = arith.constant 0 : index
        %get3A_405 = tpu.vector_load %arg6[%get3A_403, %get3A_404] {strides = array<i32>} : memref<1792x16xf32, #tpu.memory_space<vmem>>, vector<1x16xf32>,
        %get3A_406 = vector.shape_cast %get3A_405 : vector<1x16xf32> to vector<16xf32>
        %add3A_407 = arith.addf %add3A_400, %get3A_406 : vector<16xf32>
        %add3A_408 = arith.constant 768 : i32
        %add3A_409 = arith.addi %add3A_408, %scan3A_368 : i32
        %get3A_410 = arith.index_cast %add3A_409 : i32 to index
        %get3A_411 = arith.constant 0 : index
        %get3A_412 = tpu.vector_load %arg6[%get3A_410, %get3A_411] {strides = array<i32>} : memref<1792x16xf32, #tpu.memory_space<vmem>>, vector<1x16xf32>,
        %get3A_413 = vector.shape_cast %get3A_412 : vector<1x16xf32> to vector<16xf32>
        %add3A_414 = arith.addf %add3A_407, %get3A_413 : vector<16xf32>
        %add3A_415 = arith.constant 896 : i32
        %add3A_416 = arith.addi %add3A_415, %scan3A_368 : i32
        %get3A_417 = arith.index_cast %add3A_416 : i32 to index
        %get3A_418 = arith.constant 0 : index
        %get3A_419 = tpu.vector_load %arg6[%get3A_417, %get3A_418] {strides = array<i32>} : memref<1792x16xf32, #tpu.memory_space<vmem>>, vector<1x16xf32>,
        %get3A_420 = vector.shape_cast %get3A_419 : vector<1x16xf32> to vector<16xf32>
        %add3A_421 = arith.addf %add3A_414, %get3A_420 : vector<16xf32>
        %add3A_422 = arith.constant 1024 : i32
        %add3A_423 = arith.addi %add3A_422, %scan3A_368 : i32
        %get3A_424 = arith.index_cast %add3A_423 : i32 to index
        %get3A_425 = arith.constant 0 : index
        %get3A_426 = tpu.vector_load %arg6[%get3A_424, %get3A_425] {strides = array<i32>} : memref<1792x16xf32, #tpu.memory_space<vmem>>, vector<1x16xf32>,
        %get3A_427 = vector.shape_cast %get3A_426 : vector<1x16xf32> to vector<16xf32>
        %add3A_428 = arith.addf %add3A_421, %get3A_427 : vector<16xf32>
        %add3A_429 = arith.constant 1152 : i32
        %add3A_430 = arith.addi %add3A_429, %scan3A_368 : i32
        %get3A_431 = arith.index_cast %add3A_430 : i32 to index
        %get3A_432 = arith.constant 0 : index
        %get3A_433 = tpu.vector_load %arg6[%get3A_431, %get3A_432] {strides = array<i32>} : memref<1792x16xf32, #tpu.memory_space<vmem>>, vector<1x16xf32>,
        %get3A_434 = vector.shape_cast %get3A_433 : vector<1x16xf32> to vector<16xf32>
        %add3A_435 = arith.addf %add3A_428, %get3A_434 : vector<16xf32>
        %add3A_436 = arith.constant 1280 : i32
        %add3A_437 = arith.addi %add3A_436, %scan3A_368 : i32
        %get3A_438 = arith.index_cast %add3A_437 : i32 to index
        %get3A_439 = arith.constant 0 : index
        %get3A_440 = tpu.vector_load %arg6[%get3A_438, %get3A_439] {strides = array<i32>} : memref<1792x16xf32, #tpu.memory_space<vmem>>, vector<1x16xf32>,
        %get3A_441 = vector.shape_cast %get3A_440 : vector<1x16xf32> to vector<16xf32>
        %add3A_442 = arith.addf %add3A_435, %get3A_441 : vector<16xf32>
        %add3A_443 = arith.constant 1408 : i32
        %add3A_444 = arith.addi %add3A_443, %scan3A_368 : i32
        %get3A_445 = arith.index_cast %add3A_444 : i32 to index
        %get3A_446 = arith.constant 0 : index
        %get3A_447 = tpu.vector_load %arg6[%get3A_445, %get3A_446] {strides = array<i32>} : memref<1792x16xf32, #tpu.memory_space<vmem>>, vector<1x16xf32>,
        %get3A_448 = vector.shape_cast %get3A_447 : vector<1x16xf32> to vector<16xf32>
        %add3A_449 = arith.addf %add3A_442, %get3A_448 : vector<16xf32>
        %add3A_450 = arith.constant 1536 : i32
        %add3A_451 = arith.addi %add3A_450, %scan3A_368 : i32
        %get3A_452 = arith.index_cast %add3A_451 : i32 to index
        %get3A_453 = arith.constant 0 : index
        %get3A_454 = tpu.vector_load %arg6[%get3A_452, %get3A_453] {strides = array<i32>} : memref<1792x16xf32, #tpu.memory_space<vmem>>, vector<1x16xf32>,
        %get3A_455 = vector.shape_cast %get3A_454 : vector<1x16xf32> to vector<16xf32>
        %add3A_456 = arith.addf %add3A_449, %get3A_455 : vector<16xf32>
        %add3A_457 = arith.constant 1664 : i32
        %add3A_458 = arith.addi %add3A_457, %scan3A_368 : i32
        %get3A_459 = arith.index_cast %add3A_458 : i32 to index
        %get3A_460 = arith.constant 0 : index
        %get3A_461 = tpu.vector_load %arg6[%get3A_459, %get3A_460] {strides = array<i32>} : memref<1792x16xf32, #tpu.memory_space<vmem>>, vector<1x16xf32>,
        %get3A_462 = vector.shape_cast %get3A_461 : vector<1x16xf32> to vector<16xf32>
        %add3A_463 = arith.addf %add3A_456, %get3A_462 : vector<16xf32>
        %swap3A_464 = arith.index_cast %scan3A_368 : i32 to index
        %swap3A_465 = arith.constant 0 : index
        %swap3A_466 = tpu.vector_load %arg7[%swap3A_464, %swap3A_465] {strides = array<i32>} : memref<128x16xf32, #tpu.memory_space<vmem>>, vector<1x16xf32>,
        %swap3A_467 = vector.shape_cast %swap3A_466 : vector<1x16xf32> to vector<16xf32>
        %swap3A_468 = vector.shape_cast %add3A_463 : vector<16xf32> to vector<1x16xf32>
        tpu.vector_store %arg7[%swap3A_464, %swap3A_465], %swap3A_468 {strides = array<i32>} : memref<128x16xf32, #tpu.memory_space<vmem>>, vector<1x16xf32>,
      }
      %scan3A_262 = arith.constant 128 : i32
      %mul3A_263 = arith.constant 512 : i32
      %mul3A_264 = arith.muli %add3A, %mul3A_263 : i32
      %mul3A_265 = arith.constant 128 : i32
      %mul3A_266 = arith.muli %scan3A_6, %mul3A_265 : i32
      %add3A_267 = arith.addi %mul3A_264, %mul3A_266 : i32
      "tpu.region"() ({
        %run_scoped3A = tpu.sem_alloc : memref<!tpu.dma_semaphore, #tpu.memory_space<semaphore_mem>>
        %dma_start3A_268 = arith.constant 0 : i32
        %dma_start3A_269 = tpu.memref_slice %arg4[%add3A_267, %dma_start3A_268] : memref<16384x16xf32, #tpu.memory_space<hbm>> -> memref<128x16xf32, #tpu.memory_space<hbm>>
        %dma_start3A_270 = arith.constant 0 : i32
        %dma_start3A_271 = tpu.memref_slice %arg4[%add3A_267, %dma_start3A_270] : memref<16384x16xf32, #tpu.memory_space<hbm>> -> memref<128x16xf32, #tpu.memory_space<hbm>>
        tpu.enqueue_dma source(%arg7 : memref<128x16xf32, #tpu.memory_space<vmem>>) target(%dma_start3A_271 : memref<128x16xf32, #tpu.memory_space<hbm>>) target_semaphore(%run_scoped3A : memref<!tpu.dma_semaphore, #tpu.memory_space<semaphore_mem>>)
        %dma_wait3A_272 = arith.constant 0 : i32
        %dma_wait3A_273 = tpu.memref_slice %arg4[%add3A_267, %dma_wait3A_272] : memref<16384x16xf32, #tpu.memory_space<hbm>> -> memref<128x16xf32, #tpu.memory_space<hbm>>
        %dma_wait3A_274 = arith.constant 0 : i32
        %dma_wait3A_275 = tpu.memref_slice %arg4[%add3A_267, %dma_wait3A_274] : memref<16384x16xf32, #tpu.memory_space<hbm>> -> memref<128x16xf32, #tpu.memory_space<hbm>>
        tpu.wait_dma2 semaphore(%run_scoped3A : memref<!tpu.dma_semaphore, #tpu.memory_space<semaphore_mem>>) src(%arg7 : memref<128x16xf32, #tpu.memory_space<vmem>>) dst(%dma_wait3A_275 : memref<128x16xf32, #tpu.memory_space<hbm>>)
        tpu.yield
      }) : () -> ()
    }
    %scan3A_5 = arith.constant 4 : i32
    return
  }
}

#map = affine_map<(d0, d1) -> (0, 0)>
module attributes {stable_mosaic.version = 14 : i64} {
  func.func @_gather_sum_body(%arg0: i32, %arg1: i32, %arg2: memref<1200000x16xf32, #tpu.memory_space<hbm>>, %arg3: memref<32x6144xi32, #tpu.memory_space<hbm>>, %arg4: memref<16384x16xf32, #tpu.memory_space<hbm>>, %arg5: memref<6144xi32, #tpu.memory_space<vmem>>, %arg6: memref<1536x16xf32, #tpu.memory_space<vmem>>, %arg7: memref<128x16xf32, #tpu.memory_space<vmem>>, %arg8: memref<!tpu.dma_semaphore, #tpu.memory_space<semaphore_mem>>) attributes {dimension_semantics = [#tpu.dimension_semantics<core_parallel>, #tpu.dimension_semantics<subcore_parallel>], iteration_bounds = array<i64: 2, 16>, scalar_prefetch = 0 : i64, scratch_operands = 4 : i64, tpu.core_type = #tpu.core_type<sc_vector_subcore>, window_params = [{transform_indices = #map}, {transform_indices = #map}, {transform_indices = #map}]} {
    %mul3A = arith.constant 2 : i32
    %mul3A_0 = arith.muli %arg1, %mul3A : i32
    %add3A = arith.addi %mul3A_0, %arg0 : i32
    "tpu.region"() ({
      %run_scoped3A = tpu.sem_alloc : memref<!tpu.dma_semaphore, #tpu.memory_space<semaphore_mem>>
      %dma_start3A = arith.constant 0 : i32
      %dma_start3A_6 = tpu.memref_slice %arg3[%add3A, %dma_start3A] : memref<32x6144xi32, #tpu.memory_space<hbm>> -> memref<1x6144xi32, #tpu.memory_space<hbm>>
      %dma_start3A_7 = tpu.memref_squeeze %dma_start3A_6 : memref<1x6144xi32, #tpu.memory_space<hbm>> -> memref<6144xi32, #tpu.memory_space<hbm>>
      %dma_start3A_8 = arith.constant 0 : i32
      %dma_start3A_9 = tpu.memref_slice %arg3[%add3A, %dma_start3A_8] : memref<32x6144xi32, #tpu.memory_space<hbm>> -> memref<1x6144xi32, #tpu.memory_space<hbm>>
      %dma_start3A_10 = tpu.memref_squeeze %dma_start3A_9 : memref<1x6144xi32, #tpu.memory_space<hbm>> -> memref<6144xi32, #tpu.memory_space<hbm>>
      tpu.enqueue_dma source(%dma_start3A_10 : memref<6144xi32, #tpu.memory_space<hbm>>) target(%arg5 : memref<6144xi32, #tpu.memory_space<vmem>>) target_semaphore(%run_scoped3A : memref<!tpu.dma_semaphore, #tpu.memory_space<semaphore_mem>>)
      %dma_wait3A = arith.constant 0 : i32
      %dma_wait3A_11 = tpu.memref_slice %arg3[%add3A, %dma_wait3A] : memref<32x6144xi32, #tpu.memory_space<hbm>> -> memref<1x6144xi32, #tpu.memory_space<hbm>>
      %dma_wait3A_12 = tpu.memref_squeeze %dma_wait3A_11 : memref<1x6144xi32, #tpu.memory_space<hbm>> -> memref<6144xi32, #tpu.memory_space<hbm>>
      %dma_wait3A_13 = arith.constant 0 : i32
      %dma_wait3A_14 = tpu.memref_slice %arg3[%add3A, %dma_wait3A_13] : memref<32x6144xi32, #tpu.memory_space<hbm>> -> memref<1x6144xi32, #tpu.memory_space<hbm>>
      %dma_wait3A_15 = tpu.memref_squeeze %dma_wait3A_14 : memref<1x6144xi32, #tpu.memory_space<hbm>> -> memref<6144xi32, #tpu.memory_space<hbm>>
      tpu.wait_dma2 semaphore(%run_scoped3A : memref<!tpu.dma_semaphore, #tpu.memory_space<semaphore_mem>>) src(%dma_wait3A_15 : memref<6144xi32, #tpu.memory_space<hbm>>) dst(%arg5 : memref<6144xi32, #tpu.memory_space<vmem>>)
      tpu.yield
    }) : () -> ()
    %scan3A = arith.constant 0 : i32
    %scan3A_1 = arith.constant 0 : i32
    %scan3A_2 = arith.constant 4 : i32
    %scan3A_3 = arith.addi %scan3A_1, %scan3A_2 : i32
    %scan3A_4 = arith.constant 1 : i32
    scf.for %scan3A_6 = %scan3A_1 to %scan3A_3 step %scan3A_4  : i32 {
      %mul3A_7 = arith.constant 128 : i32
      %mul3A_8 = arith.muli %scan3A_6, %mul3A_7 : i32
      %add3A_9 = arith.constant 0 : i32
      %add3A_10 = arith.addi %add3A_9, %mul3A_8 : i32
      %dma_start3A = arith.constant 0 : i32
      %dma_start3A_11 = arith.constant 0 : i32
      %dma_start3A_12 = tpu.memref_slice %arg6[%dma_start3A, %dma_start3A_11] : memref<1536x16xf32, #tpu.memory_space<vmem>> -> memref<128x16xf32, #tpu.memory_space<vmem>>
      %dma_start3A_13 = tpu.memref_slice %arg5[%add3A_10] : memref<6144xi32, #tpu.memory_space<vmem>> -> memref<128xi32, #tpu.memory_space<vmem>>
      %dma_start3A_14 = arith.constant 0 : i32
      %dma_start3A_15 = arith.constant 0 : i32
      %dma_start3A_16 = tpu.memref_slice %arg2[%dma_start3A_14, %dma_start3A_15] : memref<1200000x16xf32, #tpu.memory_space<hbm>> -> memref<1200000x16xf32, #tpu.memory_space<hbm>>
      tpu.enqueue_indirect_dma source(%dma_start3A_16 : memref<1200000x16xf32, #tpu.memory_space<hbm>>) target(%dma_start3A_12 : memref<128x16xf32, #tpu.memory_space<vmem>>) offsets(%dma_start3A_13 : memref<128xi32, #tpu.memory_space<vmem>>) semaphore(%arg8 : memref<!tpu.dma_semaphore, #tpu.memory_space<semaphore_mem>>)
      %mul3A_17 = arith.constant 128 : i32
      %mul3A_18 = arith.muli %scan3A_6, %mul3A_17 : i32
      %add3A_19 = arith.constant 512 : i32
      %add3A_20 = arith.addi %add3A_19, %mul3A_18 : i32
      %dma_start3A_21 = arith.constant 128 : i32
      %dma_start3A_22 = arith.constant 0 : i32
      %dma_start3A_23 = tpu.memref_slice %arg6[%dma_start3A_21, %dma_start3A_22] : memref<1536x16xf32, #tpu.memory_space<vmem>> -> memref<128x16xf32, #tpu.memory_space<vmem>>
      %dma_start3A_24 = tpu.memref_slice %arg5[%add3A_20] : memref<6144xi32, #tpu.memory_space<vmem>> -> memref<128xi32, #tpu.memory_space<vmem>>
      %dma_start3A_25 = arith.constant 0 : i32
      %dma_start3A_26 = arith.constant 0 : i32
      %dma_start3A_27 = tpu.memref_slice %arg2[%dma_start3A_25, %dma_start3A_26] : memref<1200000x16xf32, #tpu.memory_space<hbm>> -> memref<1200000x16xf32, #tpu.memory_space<hbm>>
      tpu.enqueue_indirect_dma source(%dma_start3A_27 : memref<1200000x16xf32, #tpu.memory_space<hbm>>) target(%dma_start3A_23 : memref<128x16xf32, #tpu.memory_space<vmem>>) offsets(%dma_start3A_24 : memref<128xi32, #tpu.memory_space<vmem>>) semaphore(%arg8 : memref<!tpu.dma_semaphore, #tpu.memory_space<semaphore_mem>>)
      %mul3A_28 = arith.constant 128 : i32
      %mul3A_29 = arith.muli %scan3A_6, %mul3A_28 : i32
      %add3A_30 = arith.constant 1024 : i32
      %add3A_31 = arith.addi %add3A_30, %mul3A_29 : i32
      %dma_start3A_32 = arith.constant 256 : i32
      %dma_start3A_33 = arith.constant 0 : i32
      %dma_start3A_34 = tpu.memref_slice %arg6[%dma_start3A_32, %dma_start3A_33] : memref<1536x16xf32, #tpu.memory_space<vmem>> -> memref<128x16xf32, #tpu.memory_space<vmem>>
      %dma_start3A_35 = tpu.memref_slice %arg5[%add3A_31] : memref<6144xi32, #tpu.memory_space<vmem>> -> memref<128xi32, #tpu.memory_space<vmem>>
      %dma_start3A_36 = arith.constant 0 : i32
      %dma_start3A_37 = arith.constant 0 : i32
      %dma_start3A_38 = tpu.memref_slice %arg2[%dma_start3A_36, %dma_start3A_37] : memref<1200000x16xf32, #tpu.memory_space<hbm>> -> memref<1200000x16xf32, #tpu.memory_space<hbm>>
      tpu.enqueue_indirect_dma source(%dma_start3A_38 : memref<1200000x16xf32, #tpu.memory_space<hbm>>) target(%dma_start3A_34 : memref<128x16xf32, #tpu.memory_space<vmem>>) offsets(%dma_start3A_35 : memref<128xi32, #tpu.memory_space<vmem>>) semaphore(%arg8 : memref<!tpu.dma_semaphore, #tpu.memory_space<semaphore_mem>>)
      %mul3A_39 = arith.constant 128 : i32
      %mul3A_40 = arith.muli %scan3A_6, %mul3A_39 : i32
      %add3A_41 = arith.constant 1536 : i32
      %add3A_42 = arith.addi %add3A_41, %mul3A_40 : i32
      %dma_start3A_43 = arith.constant 384 : i32
      %dma_start3A_44 = arith.constant 0 : i32
      %dma_start3A_45 = tpu.memref_slice %arg6[%dma_start3A_43, %dma_start3A_44] : memref<1536x16xf32, #tpu.memory_space<vmem>> -> memref<128x16xf32, #tpu.memory_space<vmem>>
      %dma_start3A_46 = tpu.memref_slice %arg5[%add3A_42] : memref<6144xi32, #tpu.memory_space<vmem>> -> memref<128xi32, #tpu.memory_space<vmem>>
      %dma_start3A_47 = arith.constant 0 : i32
      %dma_start3A_48 = arith.constant 0 : i32
      %dma_start3A_49 = tpu.memref_slice %arg2[%dma_start3A_47, %dma_start3A_48] : memref<1200000x16xf32, #tpu.memory_space<hbm>> -> memref<1200000x16xf32, #tpu.memory_space<hbm>>
      tpu.enqueue_indirect_dma source(%dma_start3A_49 : memref<1200000x16xf32, #tpu.memory_space<hbm>>) target(%dma_start3A_45 : memref<128x16xf32, #tpu.memory_space<vmem>>) offsets(%dma_start3A_46 : memref<128xi32, #tpu.memory_space<vmem>>) semaphore(%arg8 : memref<!tpu.dma_semaphore, #tpu.memory_space<semaphore_mem>>)
      %mul3A_50 = arith.constant 128 : i32
      %mul3A_51 = arith.muli %scan3A_6, %mul3A_50 : i32
      %add3A_52 = arith.constant 2048 : i32
      %add3A_53 = arith.addi %add3A_52, %mul3A_51 : i32
      %dma_start3A_54 = arith.constant 512 : i32
      %dma_start3A_55 = arith.constant 0 : i32
      %dma_start3A_56 = tpu.memref_slice %arg6[%dma_start3A_54, %dma_start3A_55] : memref<1536x16xf32, #tpu.memory_space<vmem>> -> memref<128x16xf32, #tpu.memory_space<vmem>>
      %dma_start3A_57 = tpu.memref_slice %arg5[%add3A_53] : memref<6144xi32, #tpu.memory_space<vmem>> -> memref<128xi32, #tpu.memory_space<vmem>>
      %dma_start3A_58 = arith.constant 0 : i32
      %dma_start3A_59 = arith.constant 0 : i32
      %dma_start3A_60 = tpu.memref_slice %arg2[%dma_start3A_58, %dma_start3A_59] : memref<1200000x16xf32, #tpu.memory_space<hbm>> -> memref<1200000x16xf32, #tpu.memory_space<hbm>>
      tpu.enqueue_indirect_dma source(%dma_start3A_60 : memref<1200000x16xf32, #tpu.memory_space<hbm>>) target(%dma_start3A_56 : memref<128x16xf32, #tpu.memory_space<vmem>>) offsets(%dma_start3A_57 : memref<128xi32, #tpu.memory_space<vmem>>) semaphore(%arg8 : memref<!tpu.dma_semaphore, #tpu.memory_space<semaphore_mem>>)
      %mul3A_61 = arith.constant 128 : i32
      %mul3A_62 = arith.muli %scan3A_6, %mul3A_61 : i32
      %add3A_63 = arith.constant 2560 : i32
      %add3A_64 = arith.addi %add3A_63, %mul3A_62 : i32
      %dma_start3A_65 = arith.constant 640 : i32
      %dma_start3A_66 = arith.constant 0 : i32
      %dma_start3A_67 = tpu.memref_slice %arg6[%dma_start3A_65, %dma_start3A_66] : memref<1536x16xf32, #tpu.memory_space<vmem>> -> memref<128x16xf32, #tpu.memory_space<vmem>>
      %dma_start3A_68 = tpu.memref_slice %arg5[%add3A_64] : memref<6144xi32, #tpu.memory_space<vmem>> -> memref<128xi32, #tpu.memory_space<vmem>>
      %dma_start3A_69 = arith.constant 0 : i32
      %dma_start3A_70 = arith.constant 0 : i32
      %dma_start3A_71 = tpu.memref_slice %arg2[%dma_start3A_69, %dma_start3A_70] : memref<1200000x16xf32, #tpu.memory_space<hbm>> -> memref<1200000x16xf32, #tpu.memory_space<hbm>>
      tpu.enqueue_indirect_dma source(%dma_start3A_71 : memref<1200000x16xf32, #tpu.memory_space<hbm>>) target(%dma_start3A_67 : memref<128x16xf32, #tpu.memory_space<vmem>>) offsets(%dma_start3A_68 : memref<128xi32, #tpu.memory_space<vmem>>) semaphore(%arg8 : memref<!tpu.dma_semaphore, #tpu.memory_space<semaphore_mem>>)
      %mul3A_72 = arith.constant 128 : i32
      %mul3A_73 = arith.muli %scan3A_6, %mul3A_72 : i32
      %add3A_74 = arith.constant 3072 : i32
      %add3A_75 = arith.addi %add3A_74, %mul3A_73 : i32
      %dma_start3A_76 = arith.constant 768 : i32
      %dma_start3A_77 = arith.constant 0 : i32
      %dma_start3A_78 = tpu.memref_slice %arg6[%dma_start3A_76, %dma_start3A_77] : memref<1536x16xf32, #tpu.memory_space<vmem>> -> memref<128x16xf32, #tpu.memory_space<vmem>>
      %dma_start3A_79 = tpu.memref_slice %arg5[%add3A_75] : memref<6144xi32, #tpu.memory_space<vmem>> -> memref<128xi32, #tpu.memory_space<vmem>>
      %dma_start3A_80 = arith.constant 0 : i32
      %dma_start3A_81 = arith.constant 0 : i32
      %dma_start3A_82 = tpu.memref_slice %arg2[%dma_start3A_80, %dma_start3A_81] : memref<1200000x16xf32, #tpu.memory_space<hbm>> -> memref<1200000x16xf32, #tpu.memory_space<hbm>>
      tpu.enqueue_indirect_dma source(%dma_start3A_82 : memref<1200000x16xf32, #tpu.memory_space<hbm>>) target(%dma_start3A_78 : memref<128x16xf32, #tpu.memory_space<vmem>>) offsets(%dma_start3A_79 : memref<128xi32, #tpu.memory_space<vmem>>) semaphore(%arg8 : memref<!tpu.dma_semaphore, #tpu.memory_space<semaphore_mem>>)
      %mul3A_83 = arith.constant 128 : i32
      %mul3A_84 = arith.muli %scan3A_6, %mul3A_83 : i32
      %add3A_85 = arith.constant 3584 : i32
      %add3A_86 = arith.addi %add3A_85, %mul3A_84 : i32
      %dma_start3A_87 = arith.constant 896 : i32
      %dma_start3A_88 = arith.constant 0 : i32
      %dma_start3A_89 = tpu.memref_slice %arg6[%dma_start3A_87, %dma_start3A_88] : memref<1536x16xf32, #tpu.memory_space<vmem>> -> memref<128x16xf32, #tpu.memory_space<vmem>>
      %dma_start3A_90 = tpu.memref_slice %arg5[%add3A_86] : memref<6144xi32, #tpu.memory_space<vmem>> -> memref<128xi32, #tpu.memory_space<vmem>>
      %dma_start3A_91 = arith.constant 0 : i32
      %dma_start3A_92 = arith.constant 0 : i32
      %dma_start3A_93 = tpu.memref_slice %arg2[%dma_start3A_91, %dma_start3A_92] : memref<1200000x16xf32, #tpu.memory_space<hbm>> -> memref<1200000x16xf32, #tpu.memory_space<hbm>>
      tpu.enqueue_indirect_dma source(%dma_start3A_93 : memref<1200000x16xf32, #tpu.memory_space<hbm>>) target(%dma_start3A_89 : memref<128x16xf32, #tpu.memory_space<vmem>>) offsets(%dma_start3A_90 : memref<128xi32, #tpu.memory_space<vmem>>) semaphore(%arg8 : memref<!tpu.dma_semaphore, #tpu.memory_space<semaphore_mem>>)
      %mul3A_94 = arith.constant 128 : i32
      %mul3A_95 = arith.muli %scan3A_6, %mul3A_94 : i32
      %add3A_96 = arith.constant 4096 : i32
      %add3A_97 = arith.addi %add3A_96, %mul3A_95 : i32
      %dma_start3A_98 = arith.constant 1024 : i32
      %dma_start3A_99 = arith.constant 0 : i32
      %dma_start3A_100 = tpu.memref_slice %arg6[%dma_start3A_98, %dma_start3A_99] : memref<1536x16xf32, #tpu.memory_space<vmem>> -> memref<128x16xf32, #tpu.memory_space<vmem>>
      %dma_start3A_101 = tpu.memref_slice %arg5[%add3A_97] : memref<6144xi32, #tpu.memory_space<vmem>> -> memref<128xi32, #tpu.memory_space<vmem>>
      %dma_start3A_102 = arith.constant 0 : i32
      %dma_start3A_103 = arith.constant 0 : i32
      %dma_start3A_104 = tpu.memref_slice %arg2[%dma_start3A_102, %dma_start3A_103] : memref<1200000x16xf32, #tpu.memory_space<hbm>> -> memref<1200000x16xf32, #tpu.memory_space<hbm>>
      tpu.enqueue_indirect_dma source(%dma_start3A_104 : memref<1200000x16xf32, #tpu.memory_space<hbm>>) target(%dma_start3A_100 : memref<128x16xf32, #tpu.memory_space<vmem>>) offsets(%dma_start3A_101 : memref<128xi32, #tpu.memory_space<vmem>>) semaphore(%arg8 : memref<!tpu.dma_semaphore, #tpu.memory_space<semaphore_mem>>)
      %mul3A_105 = arith.constant 128 : i32
      %mul3A_106 = arith.muli %scan3A_6, %mul3A_105 : i32
      %add3A_107 = arith.constant 4608 : i32
      %add3A_108 = arith.addi %add3A_107, %mul3A_106 : i32
      %dma_start3A_109 = arith.constant 1152 : i32
      %dma_start3A_110 = arith.constant 0 : i32
      %dma_start3A_111 = tpu.memref_slice %arg6[%dma_start3A_109, %dma_start3A_110] : memref<1536x16xf32, #tpu.memory_space<vmem>> -> memref<128x16xf32, #tpu.memory_space<vmem>>
      %dma_start3A_112 = tpu.memref_slice %arg5[%add3A_108] : memref<6144xi32, #tpu.memory_space<vmem>> -> memref<128xi32, #tpu.memory_space<vmem>>
      %dma_start3A_113 = arith.constant 0 : i32
      %dma_start3A_114 = arith.constant 0 : i32
      %dma_start3A_115 = tpu.memref_slice %arg2[%dma_start3A_113, %dma_start3A_114] : memref<1200000x16xf32, #tpu.memory_space<hbm>> -> memref<1200000x16xf32, #tpu.memory_space<hbm>>
      tpu.enqueue_indirect_dma source(%dma_start3A_115 : memref<1200000x16xf32, #tpu.memory_space<hbm>>) target(%dma_start3A_111 : memref<128x16xf32, #tpu.memory_space<vmem>>) offsets(%dma_start3A_112 : memref<128xi32, #tpu.memory_space<vmem>>) semaphore(%arg8 : memref<!tpu.dma_semaphore, #tpu.memory_space<semaphore_mem>>)
      %mul3A_116 = arith.constant 128 : i32
      %mul3A_117 = arith.muli %scan3A_6, %mul3A_116 : i32
      %add3A_118 = arith.constant 5120 : i32
      %add3A_119 = arith.addi %add3A_118, %mul3A_117 : i32
      %dma_start3A_120 = arith.constant 1280 : i32
      %dma_start3A_121 = arith.constant 0 : i32
      %dma_start3A_122 = tpu.memref_slice %arg6[%dma_start3A_120, %dma_start3A_121] : memref<1536x16xf32, #tpu.memory_space<vmem>> -> memref<128x16xf32, #tpu.memory_space<vmem>>
      %dma_start3A_123 = tpu.memref_slice %arg5[%add3A_119] : memref<6144xi32, #tpu.memory_space<vmem>> -> memref<128xi32, #tpu.memory_space<vmem>>
      %dma_start3A_124 = arith.constant 0 : i32
      %dma_start3A_125 = arith.constant 0 : i32
      %dma_start3A_126 = tpu.memref_slice %arg2[%dma_start3A_124, %dma_start3A_125] : memref<1200000x16xf32, #tpu.memory_space<hbm>> -> memref<1200000x16xf32, #tpu.memory_space<hbm>>
      tpu.enqueue_indirect_dma source(%dma_start3A_126 : memref<1200000x16xf32, #tpu.memory_space<hbm>>) target(%dma_start3A_122 : memref<128x16xf32, #tpu.memory_space<vmem>>) offsets(%dma_start3A_123 : memref<128xi32, #tpu.memory_space<vmem>>) semaphore(%arg8 : memref<!tpu.dma_semaphore, #tpu.memory_space<semaphore_mem>>)
      %mul3A_127 = arith.constant 128 : i32
      %mul3A_128 = arith.muli %scan3A_6, %mul3A_127 : i32
      %add3A_129 = arith.constant 5632 : i32
      %add3A_130 = arith.addi %add3A_129, %mul3A_128 : i32
      %dma_start3A_131 = arith.constant 1408 : i32
      %dma_start3A_132 = arith.constant 0 : i32
      %dma_start3A_133 = tpu.memref_slice %arg6[%dma_start3A_131, %dma_start3A_132] : memref<1536x16xf32, #tpu.memory_space<vmem>> -> memref<128x16xf32, #tpu.memory_space<vmem>>
      %dma_start3A_134 = tpu.memref_slice %arg5[%add3A_130] : memref<6144xi32, #tpu.memory_space<vmem>> -> memref<128xi32, #tpu.memory_space<vmem>>
      %dma_start3A_135 = arith.constant 0 : i32
      %dma_start3A_136 = arith.constant 0 : i32
      %dma_start3A_137 = tpu.memref_slice %arg2[%dma_start3A_135, %dma_start3A_136] : memref<1200000x16xf32, #tpu.memory_space<hbm>> -> memref<1200000x16xf32, #tpu.memory_space<hbm>>
      tpu.enqueue_indirect_dma source(%dma_start3A_137 : memref<1200000x16xf32, #tpu.memory_space<hbm>>) target(%dma_start3A_133 : memref<128x16xf32, #tpu.memory_space<vmem>>) offsets(%dma_start3A_134 : memref<128xi32, #tpu.memory_space<vmem>>) semaphore(%arg8 : memref<!tpu.dma_semaphore, #tpu.memory_space<semaphore_mem>>)
      %dma_wait3A = arith.constant 0 : i32
      %dma_wait3A_138 = arith.constant 0 : i32
      %dma_wait3A_139 = tpu.memref_slice %arg6[%dma_wait3A, %dma_wait3A_138] : memref<1536x16xf32, #tpu.memory_space<vmem>> -> memref<128x16xf32, #tpu.memory_space<vmem>>
      %dma_wait3A_140 = tpu.memref_slice %arg5[%add3A_10] : memref<6144xi32, #tpu.memory_space<vmem>> -> memref<128xi32, #tpu.memory_space<vmem>>
      %dma_wait3A_141 = arith.constant 0 : i32
      %dma_wait3A_142 = arith.constant 0 : i32
      %dma_wait3A_143 = tpu.memref_slice %arg2[%dma_wait3A_141, %dma_wait3A_142] : memref<1200000x16xf32, #tpu.memory_space<hbm>> -> memref<1200000x16xf32, #tpu.memory_space<hbm>>
      tpu.wait_indirect_dma semaphore(%arg8 : memref<!tpu.dma_semaphore, #tpu.memory_space<semaphore_mem>>) src(%dma_wait3A_143 : memref<1200000x16xf32, #tpu.memory_space<hbm>>) dst(%dma_wait3A_139 : memref<128x16xf32, #tpu.memory_space<vmem>>)
      %dma_wait3A_144 = arith.constant 128 : i32
      %dma_wait3A_145 = arith.constant 0 : i32
      %dma_wait3A_146 = tpu.memref_slice %arg6[%dma_wait3A_144, %dma_wait3A_145] : memref<1536x16xf32, #tpu.memory_space<vmem>> -> memref<128x16xf32, #tpu.memory_space<vmem>>
      %dma_wait3A_147 = tpu.memref_slice %arg5[%add3A_20] : memref<6144xi32, #tpu.memory_space<vmem>> -> memref<128xi32, #tpu.memory_space<vmem>>
      %dma_wait3A_148 = arith.constant 0 : i32
      %dma_wait3A_149 = arith.constant 0 : i32
      %dma_wait3A_150 = tpu.memref_slice %arg2[%dma_wait3A_148, %dma_wait3A_149] : memref<1200000x16xf32, #tpu.memory_space<hbm>> -> memref<1200000x16xf32, #tpu.memory_space<hbm>>
      tpu.wait_indirect_dma semaphore(%arg8 : memref<!tpu.dma_semaphore, #tpu.memory_space<semaphore_mem>>) src(%dma_wait3A_150 : memref<1200000x16xf32, #tpu.memory_space<hbm>>) dst(%dma_wait3A_146 : memref<128x16xf32, #tpu.memory_space<vmem>>)
      %dma_wait3A_151 = arith.constant 256 : i32
      %dma_wait3A_152 = arith.constant 0 : i32
      %dma_wait3A_153 = tpu.memref_slice %arg6[%dma_wait3A_151, %dma_wait3A_152] : memref<1536x16xf32, #tpu.memory_space<vmem>> -> memref<128x16xf32, #tpu.memory_space<vmem>>
      %dma_wait3A_154 = tpu.memref_slice %arg5[%add3A_31] : memref<6144xi32, #tpu.memory_space<vmem>> -> memref<128xi32, #tpu.memory_space<vmem>>
      %dma_wait3A_155 = arith.constant 0 : i32
      %dma_wait3A_156 = arith.constant 0 : i32
      %dma_wait3A_157 = tpu.memref_slice %arg2[%dma_wait3A_155, %dma_wait3A_156] : memref<1200000x16xf32, #tpu.memory_space<hbm>> -> memref<1200000x16xf32, #tpu.memory_space<hbm>>
      tpu.wait_indirect_dma semaphore(%arg8 : memref<!tpu.dma_semaphore, #tpu.memory_space<semaphore_mem>>) src(%dma_wait3A_157 : memref<1200000x16xf32, #tpu.memory_space<hbm>>) dst(%dma_wait3A_153 : memref<128x16xf32, #tpu.memory_space<vmem>>)
      %dma_wait3A_158 = arith.constant 384 : i32
      %dma_wait3A_159 = arith.constant 0 : i32
      %dma_wait3A_160 = tpu.memref_slice %arg6[%dma_wait3A_158, %dma_wait3A_159] : memref<1536x16xf32, #tpu.memory_space<vmem>> -> memref<128x16xf32, #tpu.memory_space<vmem>>
      %dma_wait3A_161 = tpu.memref_slice %arg5[%add3A_42] : memref<6144xi32, #tpu.memory_space<vmem>> -> memref<128xi32, #tpu.memory_space<vmem>>
      %dma_wait3A_162 = arith.constant 0 : i32
      %dma_wait3A_163 = arith.constant 0 : i32
      %dma_wait3A_164 = tpu.memref_slice %arg2[%dma_wait3A_162, %dma_wait3A_163] : memref<1200000x16xf32, #tpu.memory_space<hbm>> -> memref<1200000x16xf32, #tpu.memory_space<hbm>>
      tpu.wait_indirect_dma semaphore(%arg8 : memref<!tpu.dma_semaphore, #tpu.memory_space<semaphore_mem>>) src(%dma_wait3A_164 : memref<1200000x16xf32, #tpu.memory_space<hbm>>) dst(%dma_wait3A_160 : memref<128x16xf32, #tpu.memory_space<vmem>>)
      %dma_wait3A_165 = arith.constant 512 : i32
      %dma_wait3A_166 = arith.constant 0 : i32
      %dma_wait3A_167 = tpu.memref_slice %arg6[%dma_wait3A_165, %dma_wait3A_166] : memref<1536x16xf32, #tpu.memory_space<vmem>> -> memref<128x16xf32, #tpu.memory_space<vmem>>
      %dma_wait3A_168 = tpu.memref_slice %arg5[%add3A_53] : memref<6144xi32, #tpu.memory_space<vmem>> -> memref<128xi32, #tpu.memory_space<vmem>>
      %dma_wait3A_169 = arith.constant 0 : i32
      %dma_wait3A_170 = arith.constant 0 : i32
      %dma_wait3A_171 = tpu.memref_slice %arg2[%dma_wait3A_169, %dma_wait3A_170] : memref<1200000x16xf32, #tpu.memory_space<hbm>> -> memref<1200000x16xf32, #tpu.memory_space<hbm>>
      tpu.wait_indirect_dma semaphore(%arg8 : memref<!tpu.dma_semaphore, #tpu.memory_space<semaphore_mem>>) src(%dma_wait3A_171 : memref<1200000x16xf32, #tpu.memory_space<hbm>>) dst(%dma_wait3A_167 : memref<128x16xf32, #tpu.memory_space<vmem>>)
      %dma_wait3A_172 = arith.constant 640 : i32
      %dma_wait3A_173 = arith.constant 0 : i32
      %dma_wait3A_174 = tpu.memref_slice %arg6[%dma_wait3A_172, %dma_wait3A_173] : memref<1536x16xf32, #tpu.memory_space<vmem>> -> memref<128x16xf32, #tpu.memory_space<vmem>>
      %dma_wait3A_175 = tpu.memref_slice %arg5[%add3A_64] : memref<6144xi32, #tpu.memory_space<vmem>> -> memref<128xi32, #tpu.memory_space<vmem>>
      %dma_wait3A_176 = arith.constant 0 : i32
      %dma_wait3A_177 = arith.constant 0 : i32
      %dma_wait3A_178 = tpu.memref_slice %arg2[%dma_wait3A_176, %dma_wait3A_177] : memref<1200000x16xf32, #tpu.memory_space<hbm>> -> memref<1200000x16xf32, #tpu.memory_space<hbm>>
      tpu.wait_indirect_dma semaphore(%arg8 : memref<!tpu.dma_semaphore, #tpu.memory_space<semaphore_mem>>) src(%dma_wait3A_178 : memref<1200000x16xf32, #tpu.memory_space<hbm>>) dst(%dma_wait3A_174 : memref<128x16xf32, #tpu.memory_space<vmem>>)
      %dma_wait3A_179 = arith.constant 768 : i32
      %dma_wait3A_180 = arith.constant 0 : i32
      %dma_wait3A_181 = tpu.memref_slice %arg6[%dma_wait3A_179, %dma_wait3A_180] : memref<1536x16xf32, #tpu.memory_space<vmem>> -> memref<128x16xf32, #tpu.memory_space<vmem>>
      %dma_wait3A_182 = tpu.memref_slice %arg5[%add3A_75] : memref<6144xi32, #tpu.memory_space<vmem>> -> memref<128xi32, #tpu.memory_space<vmem>>
      %dma_wait3A_183 = arith.constant 0 : i32
      %dma_wait3A_184 = arith.constant 0 : i32
      %dma_wait3A_185 = tpu.memref_slice %arg2[%dma_wait3A_183, %dma_wait3A_184] : memref<1200000x16xf32, #tpu.memory_space<hbm>> -> memref<1200000x16xf32, #tpu.memory_space<hbm>>
      tpu.wait_indirect_dma semaphore(%arg8 : memref<!tpu.dma_semaphore, #tpu.memory_space<semaphore_mem>>) src(%dma_wait3A_185 : memref<1200000x16xf32, #tpu.memory_space<hbm>>) dst(%dma_wait3A_181 : memref<128x16xf32, #tpu.memory_space<vmem>>)
      %dma_wait3A_186 = arith.constant 896 : i32
      %dma_wait3A_187 = arith.constant 0 : i32
      %dma_wait3A_188 = tpu.memref_slice %arg6[%dma_wait3A_186, %dma_wait3A_187] : memref<1536x16xf32, #tpu.memory_space<vmem>> -> memref<128x16xf32, #tpu.memory_space<vmem>>
      %dma_wait3A_189 = tpu.memref_slice %arg5[%add3A_86] : memref<6144xi32, #tpu.memory_space<vmem>> -> memref<128xi32, #tpu.memory_space<vmem>>
      %dma_wait3A_190 = arith.constant 0 : i32
      %dma_wait3A_191 = arith.constant 0 : i32
      %dma_wait3A_192 = tpu.memref_slice %arg2[%dma_wait3A_190, %dma_wait3A_191] : memref<1200000x16xf32, #tpu.memory_space<hbm>> -> memref<1200000x16xf32, #tpu.memory_space<hbm>>
      tpu.wait_indirect_dma semaphore(%arg8 : memref<!tpu.dma_semaphore, #tpu.memory_space<semaphore_mem>>) src(%dma_wait3A_192 : memref<1200000x16xf32, #tpu.memory_space<hbm>>) dst(%dma_wait3A_188 : memref<128x16xf32, #tpu.memory_space<vmem>>)
      %dma_wait3A_193 = arith.constant 1024 : i32
      %dma_wait3A_194 = arith.constant 0 : i32
      %dma_wait3A_195 = tpu.memref_slice %arg6[%dma_wait3A_193, %dma_wait3A_194] : memref<1536x16xf32, #tpu.memory_space<vmem>> -> memref<128x16xf32, #tpu.memory_space<vmem>>
      %dma_wait3A_196 = tpu.memref_slice %arg5[%add3A_97] : memref<6144xi32, #tpu.memory_space<vmem>> -> memref<128xi32, #tpu.memory_space<vmem>>
      %dma_wait3A_197 = arith.constant 0 : i32
      %dma_wait3A_198 = arith.constant 0 : i32
      %dma_wait3A_199 = tpu.memref_slice %arg2[%dma_wait3A_197, %dma_wait3A_198] : memref<1200000x16xf32, #tpu.memory_space<hbm>> -> memref<1200000x16xf32, #tpu.memory_space<hbm>>
      tpu.wait_indirect_dma semaphore(%arg8 : memref<!tpu.dma_semaphore, #tpu.memory_space<semaphore_mem>>) src(%dma_wait3A_199 : memref<1200000x16xf32, #tpu.memory_space<hbm>>) dst(%dma_wait3A_195 : memref<128x16xf32, #tpu.memory_space<vmem>>)
      %dma_wait3A_200 = arith.constant 1152 : i32
      %dma_wait3A_201 = arith.constant 0 : i32
      %dma_wait3A_202 = tpu.memref_slice %arg6[%dma_wait3A_200, %dma_wait3A_201] : memref<1536x16xf32, #tpu.memory_space<vmem>> -> memref<128x16xf32, #tpu.memory_space<vmem>>
      %dma_wait3A_203 = tpu.memref_slice %arg5[%add3A_108] : memref<6144xi32, #tpu.memory_space<vmem>> -> memref<128xi32, #tpu.memory_space<vmem>>
      %dma_wait3A_204 = arith.constant 0 : i32
      %dma_wait3A_205 = arith.constant 0 : i32
      %dma_wait3A_206 = tpu.memref_slice %arg2[%dma_wait3A_204, %dma_wait3A_205] : memref<1200000x16xf32, #tpu.memory_space<hbm>> -> memref<1200000x16xf32, #tpu.memory_space<hbm>>
      tpu.wait_indirect_dma semaphore(%arg8 : memref<!tpu.dma_semaphore, #tpu.memory_space<semaphore_mem>>) src(%dma_wait3A_206 : memref<1200000x16xf32, #tpu.memory_space<hbm>>) dst(%dma_wait3A_202 : memref<128x16xf32, #tpu.memory_space<vmem>>)
      %dma_wait3A_207 = arith.constant 1280 : i32
      %dma_wait3A_208 = arith.constant 0 : i32
      %dma_wait3A_209 = tpu.memref_slice %arg6[%dma_wait3A_207, %dma_wait3A_208] : memref<1536x16xf32, #tpu.memory_space<vmem>> -> memref<128x16xf32, #tpu.memory_space<vmem>>
      %dma_wait3A_210 = tpu.memref_slice %arg5[%add3A_119] : memref<6144xi32, #tpu.memory_space<vmem>> -> memref<128xi32, #tpu.memory_space<vmem>>
      %dma_wait3A_211 = arith.constant 0 : i32
      %dma_wait3A_212 = arith.constant 0 : i32
      %dma_wait3A_213 = tpu.memref_slice %arg2[%dma_wait3A_211, %dma_wait3A_212] : memref<1200000x16xf32, #tpu.memory_space<hbm>> -> memref<1200000x16xf32, #tpu.memory_space<hbm>>
      tpu.wait_indirect_dma semaphore(%arg8 : memref<!tpu.dma_semaphore, #tpu.memory_space<semaphore_mem>>) src(%dma_wait3A_213 : memref<1200000x16xf32, #tpu.memory_space<hbm>>) dst(%dma_wait3A_209 : memref<128x16xf32, #tpu.memory_space<vmem>>)
      %dma_wait3A_214 = arith.constant 1408 : i32
      %dma_wait3A_215 = arith.constant 0 : i32
      %dma_wait3A_216 = tpu.memref_slice %arg6[%dma_wait3A_214, %dma_wait3A_215] : memref<1536x16xf32, #tpu.memory_space<vmem>> -> memref<128x16xf32, #tpu.memory_space<vmem>>
      %dma_wait3A_217 = tpu.memref_slice %arg5[%add3A_130] : memref<6144xi32, #tpu.memory_space<vmem>> -> memref<128xi32, #tpu.memory_space<vmem>>
      %dma_wait3A_218 = arith.constant 0 : i32
      %dma_wait3A_219 = arith.constant 0 : i32
      %dma_wait3A_220 = tpu.memref_slice %arg2[%dma_wait3A_218, %dma_wait3A_219] : memref<1200000x16xf32, #tpu.memory_space<hbm>> -> memref<1200000x16xf32, #tpu.memory_space<hbm>>
      tpu.wait_indirect_dma semaphore(%arg8 : memref<!tpu.dma_semaphore, #tpu.memory_space<semaphore_mem>>) src(%dma_wait3A_220 : memref<1200000x16xf32, #tpu.memory_space<hbm>>) dst(%dma_wait3A_216 : memref<128x16xf32, #tpu.memory_space<vmem>>)
      %scan3A_221 = arith.constant 0 : i32
      %scan3A_222 = arith.constant 0 : i32
      %scan3A_223 = arith.constant 128 : i32
      %scan3A_224 = arith.addi %scan3A_222, %scan3A_223 : i32
      %scan3A_225 = arith.constant 2 : i32
      scf.for %scan3A_232 = %scan3A_222 to %scan3A_224 step %scan3A_225  : i32 {
        %get3A = arith.index_cast %scan3A_232 : i32 to index
        %get3A_233 = arith.constant 0 : index
        %get3A_234 = tpu.vector_load %arg6[%get3A, %get3A_233] {strides = array<i32>} : memref<1536x16xf32, #tpu.memory_space<vmem>>, vector<1x16xf32>,
        %get3A_235 = vector.shape_cast %get3A_234 : vector<1x16xf32> to vector<16xf32>
        %add3A_236 = arith.constant 128 : i32
        %add3A_237 = arith.addi %add3A_236, %scan3A_232 : i32
        %get3A_238 = arith.index_cast %add3A_237 : i32 to index
        %get3A_239 = arith.constant 0 : index
        %get3A_240 = tpu.vector_load %arg6[%get3A_238, %get3A_239] {strides = array<i32>} : memref<1536x16xf32, #tpu.memory_space<vmem>>, vector<1x16xf32>,
        %get3A_241 = vector.shape_cast %get3A_240 : vector<1x16xf32> to vector<16xf32>
        %add3A_242 = arith.addf %get3A_235, %get3A_241 : vector<16xf32>
        %add3A_243 = arith.constant 256 : i32
        %add3A_244 = arith.addi %add3A_243, %scan3A_232 : i32
        %get3A_245 = arith.index_cast %add3A_244 : i32 to index
        %get3A_246 = arith.constant 0 : index
        %get3A_247 = tpu.vector_load %arg6[%get3A_245, %get3A_246] {strides = array<i32>} : memref<1536x16xf32, #tpu.memory_space<vmem>>, vector<1x16xf32>,
        %get3A_248 = vector.shape_cast %get3A_247 : vector<1x16xf32> to vector<16xf32>
        %add3A_249 = arith.addf %add3A_242, %get3A_248 : vector<16xf32>
        %add3A_250 = arith.constant 384 : i32
        %add3A_251 = arith.addi %add3A_250, %scan3A_232 : i32
        %get3A_252 = arith.index_cast %add3A_251 : i32 to index
        %get3A_253 = arith.constant 0 : index
        %get3A_254 = tpu.vector_load %arg6[%get3A_252, %get3A_253] {strides = array<i32>} : memref<1536x16xf32, #tpu.memory_space<vmem>>, vector<1x16xf32>,
        %get3A_255 = vector.shape_cast %get3A_254 : vector<1x16xf32> to vector<16xf32>
        %add3A_256 = arith.addf %add3A_249, %get3A_255 : vector<16xf32>
        %add3A_257 = arith.constant 512 : i32
        %add3A_258 = arith.addi %add3A_257, %scan3A_232 : i32
        %get3A_259 = arith.index_cast %add3A_258 : i32 to index
        %get3A_260 = arith.constant 0 : index
        %get3A_261 = tpu.vector_load %arg6[%get3A_259, %get3A_260] {strides = array<i32>} : memref<1536x16xf32, #tpu.memory_space<vmem>>, vector<1x16xf32>,
        %get3A_262 = vector.shape_cast %get3A_261 : vector<1x16xf32> to vector<16xf32>
        %add3A_263 = arith.addf %add3A_256, %get3A_262 : vector<16xf32>
        %add3A_264 = arith.constant 640 : i32
        %add3A_265 = arith.addi %add3A_264, %scan3A_232 : i32
        %get3A_266 = arith.index_cast %add3A_265 : i32 to index
        %get3A_267 = arith.constant 0 : index
        %get3A_268 = tpu.vector_load %arg6[%get3A_266, %get3A_267] {strides = array<i32>} : memref<1536x16xf32, #tpu.memory_space<vmem>>, vector<1x16xf32>,
        %get3A_269 = vector.shape_cast %get3A_268 : vector<1x16xf32> to vector<16xf32>
        %add3A_270 = arith.addf %add3A_263, %get3A_269 : vector<16xf32>
        %add3A_271 = arith.constant 768 : i32
        %add3A_272 = arith.addi %add3A_271, %scan3A_232 : i32
        %get3A_273 = arith.index_cast %add3A_272 : i32 to index
        %get3A_274 = arith.constant 0 : index
        %get3A_275 = tpu.vector_load %arg6[%get3A_273, %get3A_274] {strides = array<i32>} : memref<1536x16xf32, #tpu.memory_space<vmem>>, vector<1x16xf32>,
        %get3A_276 = vector.shape_cast %get3A_275 : vector<1x16xf32> to vector<16xf32>
        %add3A_277 = arith.addf %add3A_270, %get3A_276 : vector<16xf32>
        %add3A_278 = arith.constant 896 : i32
        %add3A_279 = arith.addi %add3A_278, %scan3A_232 : i32
        %get3A_280 = arith.index_cast %add3A_279 : i32 to index
        %get3A_281 = arith.constant 0 : index
        %get3A_282 = tpu.vector_load %arg6[%get3A_280, %get3A_281] {strides = array<i32>} : memref<1536x16xf32, #tpu.memory_space<vmem>>, vector<1x16xf32>,
        %get3A_283 = vector.shape_cast %get3A_282 : vector<1x16xf32> to vector<16xf32>
        %add3A_284 = arith.addf %add3A_277, %get3A_283 : vector<16xf32>
        %add3A_285 = arith.constant 1024 : i32
        %add3A_286 = arith.addi %add3A_285, %scan3A_232 : i32
        %get3A_287 = arith.index_cast %add3A_286 : i32 to index
        %get3A_288 = arith.constant 0 : index
        %get3A_289 = tpu.vector_load %arg6[%get3A_287, %get3A_288] {strides = array<i32>} : memref<1536x16xf32, #tpu.memory_space<vmem>>, vector<1x16xf32>,
        %get3A_290 = vector.shape_cast %get3A_289 : vector<1x16xf32> to vector<16xf32>
        %add3A_291 = arith.addf %add3A_284, %get3A_290 : vector<16xf32>
        %add3A_292 = arith.constant 1152 : i32
        %add3A_293 = arith.addi %add3A_292, %scan3A_232 : i32
        %get3A_294 = arith.index_cast %add3A_293 : i32 to index
        %get3A_295 = arith.constant 0 : index
        %get3A_296 = tpu.vector_load %arg6[%get3A_294, %get3A_295] {strides = array<i32>} : memref<1536x16xf32, #tpu.memory_space<vmem>>, vector<1x16xf32>,
        %get3A_297 = vector.shape_cast %get3A_296 : vector<1x16xf32> to vector<16xf32>
        %add3A_298 = arith.addf %add3A_291, %get3A_297 : vector<16xf32>
        %add3A_299 = arith.constant 1280 : i32
        %add3A_300 = arith.addi %add3A_299, %scan3A_232 : i32
        %get3A_301 = arith.index_cast %add3A_300 : i32 to index
        %get3A_302 = arith.constant 0 : index
        %get3A_303 = tpu.vector_load %arg6[%get3A_301, %get3A_302] {strides = array<i32>} : memref<1536x16xf32, #tpu.memory_space<vmem>>, vector<1x16xf32>,
        %get3A_304 = vector.shape_cast %get3A_303 : vector<1x16xf32> to vector<16xf32>
        %add3A_305 = arith.addf %add3A_298, %get3A_304 : vector<16xf32>
        %add3A_306 = arith.constant 1408 : i32
        %add3A_307 = arith.addi %add3A_306, %scan3A_232 : i32
        %get3A_308 = arith.index_cast %add3A_307 : i32 to index
        %get3A_309 = arith.constant 0 : index
        %get3A_310 = tpu.vector_load %arg6[%get3A_308, %get3A_309] {strides = array<i32>} : memref<1536x16xf32, #tpu.memory_space<vmem>>, vector<1x16xf32>,
        %get3A_311 = vector.shape_cast %get3A_310 : vector<1x16xf32> to vector<16xf32>
        %add3A_312 = arith.addf %add3A_305, %get3A_311 : vector<16xf32>
        %swap3A = arith.index_cast %scan3A_232 : i32 to index
        %swap3A_313 = arith.constant 0 : index
        %swap3A_314 = tpu.vector_load %arg7[%swap3A, %swap3A_313] {strides = array<i32>} : memref<128x16xf32, #tpu.memory_space<vmem>>, vector<1x16xf32>,
        %swap3A_315 = vector.shape_cast %swap3A_314 : vector<1x16xf32> to vector<16xf32>
        %swap3A_316 = vector.shape_cast %add3A_312 : vector<16xf32> to vector<1x16xf32>
        tpu.vector_store %arg7[%swap3A, %swap3A_313], %swap3A_316 {strides = array<i32>} : memref<128x16xf32, #tpu.memory_space<vmem>>, vector<1x16xf32>,
        %scan3A_317 = arith.constant 1 : i32
        %scan3A_318 = arith.addi %scan3A_232, %scan3A_317 : i32
        %get3A_319 = arith.index_cast %scan3A_318 : i32 to index
        %get3A_320 = arith.constant 0 : index
        %get3A_321 = tpu.vector_load %arg6[%get3A_319, %get3A_320] {strides = array<i32>} : memref<1536x16xf32, #tpu.memory_space<vmem>>, vector<1x16xf32>,
        %get3A_322 = vector.shape_cast %get3A_321 : vector<1x16xf32> to vector<16xf32>
        %add3A_323 = arith.constant 128 : i32
        %add3A_324 = arith.addi %add3A_323, %scan3A_318 : i32
        %get3A_325 = arith.index_cast %add3A_324 : i32 to index
        %get3A_326 = arith.constant 0 : index
        %get3A_327 = tpu.vector_load %arg6[%get3A_325, %get3A_326] {strides = array<i32>} : memref<1536x16xf32, #tpu.memory_space<vmem>>, vector<1x16xf32>,
        %get3A_328 = vector.shape_cast %get3A_327 : vector<1x16xf32> to vector<16xf32>
        %add3A_329 = arith.addf %get3A_322, %get3A_328 : vector<16xf32>
        %add3A_330 = arith.constant 256 : i32
        %add3A_331 = arith.addi %add3A_330, %scan3A_318 : i32
        %get3A_332 = arith.index_cast %add3A_331 : i32 to index
        %get3A_333 = arith.constant 0 : index
        %get3A_334 = tpu.vector_load %arg6[%get3A_332, %get3A_333] {strides = array<i32>} : memref<1536x16xf32, #tpu.memory_space<vmem>>, vector<1x16xf32>,
        %get3A_335 = vector.shape_cast %get3A_334 : vector<1x16xf32> to vector<16xf32>
        %add3A_336 = arith.addf %add3A_329, %get3A_335 : vector<16xf32>
        %add3A_337 = arith.constant 384 : i32
        %add3A_338 = arith.addi %add3A_337, %scan3A_318 : i32
        %get3A_339 = arith.index_cast %add3A_338 : i32 to index
        %get3A_340 = arith.constant 0 : index
        %get3A_341 = tpu.vector_load %arg6[%get3A_339, %get3A_340] {strides = array<i32>} : memref<1536x16xf32, #tpu.memory_space<vmem>>, vector<1x16xf32>,
        %get3A_342 = vector.shape_cast %get3A_341 : vector<1x16xf32> to vector<16xf32>
        %add3A_343 = arith.addf %add3A_336, %get3A_342 : vector<16xf32>
        %add3A_344 = arith.constant 512 : i32
        %add3A_345 = arith.addi %add3A_344, %scan3A_318 : i32
        %get3A_346 = arith.index_cast %add3A_345 : i32 to index
        %get3A_347 = arith.constant 0 : index
        %get3A_348 = tpu.vector_load %arg6[%get3A_346, %get3A_347] {strides = array<i32>} : memref<1536x16xf32, #tpu.memory_space<vmem>>, vector<1x16xf32>,
        %get3A_349 = vector.shape_cast %get3A_348 : vector<1x16xf32> to vector<16xf32>
        %add3A_350 = arith.addf %add3A_343, %get3A_349 : vector<16xf32>
        %add3A_351 = arith.constant 640 : i32
        %add3A_352 = arith.addi %add3A_351, %scan3A_318 : i32
        %get3A_353 = arith.index_cast %add3A_352 : i32 to index
        %get3A_354 = arith.constant 0 : index
        %get3A_355 = tpu.vector_load %arg6[%get3A_353, %get3A_354] {strides = array<i32>} : memref<1536x16xf32, #tpu.memory_space<vmem>>, vector<1x16xf32>,
        %get3A_356 = vector.shape_cast %get3A_355 : vector<1x16xf32> to vector<16xf32>
        %add3A_357 = arith.addf %add3A_350, %get3A_356 : vector<16xf32>
        %add3A_358 = arith.constant 768 : i32
        %add3A_359 = arith.addi %add3A_358, %scan3A_318 : i32
        %get3A_360 = arith.index_cast %add3A_359 : i32 to index
        %get3A_361 = arith.constant 0 : index
        %get3A_362 = tpu.vector_load %arg6[%get3A_360, %get3A_361] {strides = array<i32>} : memref<1536x16xf32, #tpu.memory_space<vmem>>, vector<1x16xf32>,
        %get3A_363 = vector.shape_cast %get3A_362 : vector<1x16xf32> to vector<16xf32>
        %add3A_364 = arith.addf %add3A_357, %get3A_363 : vector<16xf32>
        %add3A_365 = arith.constant 896 : i32
        %add3A_366 = arith.addi %add3A_365, %scan3A_318 : i32
        %get3A_367 = arith.index_cast %add3A_366 : i32 to index
        %get3A_368 = arith.constant 0 : index
        %get3A_369 = tpu.vector_load %arg6[%get3A_367, %get3A_368] {strides = array<i32>} : memref<1536x16xf32, #tpu.memory_space<vmem>>, vector<1x16xf32>,
        %get3A_370 = vector.shape_cast %get3A_369 : vector<1x16xf32> to vector<16xf32>
        %add3A_371 = arith.addf %add3A_364, %get3A_370 : vector<16xf32>
        %add3A_372 = arith.constant 1024 : i32
        %add3A_373 = arith.addi %add3A_372, %scan3A_318 : i32
        %get3A_374 = arith.index_cast %add3A_373 : i32 to index
        %get3A_375 = arith.constant 0 : index
        %get3A_376 = tpu.vector_load %arg6[%get3A_374, %get3A_375] {strides = array<i32>} : memref<1536x16xf32, #tpu.memory_space<vmem>>, vector<1x16xf32>,
        %get3A_377 = vector.shape_cast %get3A_376 : vector<1x16xf32> to vector<16xf32>
        %add3A_378 = arith.addf %add3A_371, %get3A_377 : vector<16xf32>
        %add3A_379 = arith.constant 1152 : i32
        %add3A_380 = arith.addi %add3A_379, %scan3A_318 : i32
        %get3A_381 = arith.index_cast %add3A_380 : i32 to index
        %get3A_382 = arith.constant 0 : index
        %get3A_383 = tpu.vector_load %arg6[%get3A_381, %get3A_382] {strides = array<i32>} : memref<1536x16xf32, #tpu.memory_space<vmem>>, vector<1x16xf32>,
        %get3A_384 = vector.shape_cast %get3A_383 : vector<1x16xf32> to vector<16xf32>
        %add3A_385 = arith.addf %add3A_378, %get3A_384 : vector<16xf32>
        %add3A_386 = arith.constant 1280 : i32
        %add3A_387 = arith.addi %add3A_386, %scan3A_318 : i32
        %get3A_388 = arith.index_cast %add3A_387 : i32 to index
        %get3A_389 = arith.constant 0 : index
        %get3A_390 = tpu.vector_load %arg6[%get3A_388, %get3A_389] {strides = array<i32>} : memref<1536x16xf32, #tpu.memory_space<vmem>>, vector<1x16xf32>,
        %get3A_391 = vector.shape_cast %get3A_390 : vector<1x16xf32> to vector<16xf32>
        %add3A_392 = arith.addf %add3A_385, %get3A_391 : vector<16xf32>
        %add3A_393 = arith.constant 1408 : i32
        %add3A_394 = arith.addi %add3A_393, %scan3A_318 : i32
        %get3A_395 = arith.index_cast %add3A_394 : i32 to index
        %get3A_396 = arith.constant 0 : index
        %get3A_397 = tpu.vector_load %arg6[%get3A_395, %get3A_396] {strides = array<i32>} : memref<1536x16xf32, #tpu.memory_space<vmem>>, vector<1x16xf32>,
        %get3A_398 = vector.shape_cast %get3A_397 : vector<1x16xf32> to vector<16xf32>
        %add3A_399 = arith.addf %add3A_392, %get3A_398 : vector<16xf32>
        %swap3A_400 = arith.index_cast %scan3A_318 : i32 to index
        %swap3A_401 = arith.constant 0 : index
        %swap3A_402 = tpu.vector_load %arg7[%swap3A_400, %swap3A_401] {strides = array<i32>} : memref<128x16xf32, #tpu.memory_space<vmem>>, vector<1x16xf32>,
        %swap3A_403 = vector.shape_cast %swap3A_402 : vector<1x16xf32> to vector<16xf32>
        %swap3A_404 = vector.shape_cast %add3A_399 : vector<16xf32> to vector<1x16xf32>
        tpu.vector_store %arg7[%swap3A_400, %swap3A_401], %swap3A_404 {strides = array<i32>} : memref<128x16xf32, #tpu.memory_space<vmem>>, vector<1x16xf32>,
      }
      %scan3A_226 = arith.constant 128 : i32
      %mul3A_227 = arith.constant 512 : i32
      %mul3A_228 = arith.muli %add3A, %mul3A_227 : i32
      %mul3A_229 = arith.constant 128 : i32
      %mul3A_230 = arith.muli %scan3A_6, %mul3A_229 : i32
      %add3A_231 = arith.addi %mul3A_228, %mul3A_230 : i32
      "tpu.region"() ({
        %run_scoped3A = tpu.sem_alloc : memref<!tpu.dma_semaphore, #tpu.memory_space<semaphore_mem>>
        %dma_start3A_232 = arith.constant 0 : i32
        %dma_start3A_233 = tpu.memref_slice %arg4[%add3A_231, %dma_start3A_232] : memref<16384x16xf32, #tpu.memory_space<hbm>> -> memref<128x16xf32, #tpu.memory_space<hbm>>
        %dma_start3A_234 = arith.constant 0 : i32
        %dma_start3A_235 = tpu.memref_slice %arg4[%add3A_231, %dma_start3A_234] : memref<16384x16xf32, #tpu.memory_space<hbm>> -> memref<128x16xf32, #tpu.memory_space<hbm>>
        tpu.enqueue_dma source(%arg7 : memref<128x16xf32, #tpu.memory_space<vmem>>) target(%dma_start3A_235 : memref<128x16xf32, #tpu.memory_space<hbm>>) target_semaphore(%run_scoped3A : memref<!tpu.dma_semaphore, #tpu.memory_space<semaphore_mem>>)
        %dma_wait3A_236 = arith.constant 0 : i32
        %dma_wait3A_237 = tpu.memref_slice %arg4[%add3A_231, %dma_wait3A_236] : memref<16384x16xf32, #tpu.memory_space<hbm>> -> memref<128x16xf32, #tpu.memory_space<hbm>>
        %dma_wait3A_238 = arith.constant 0 : i32
        %dma_wait3A_239 = tpu.memref_slice %arg4[%add3A_231, %dma_wait3A_238] : memref<16384x16xf32, #tpu.memory_space<hbm>> -> memref<128x16xf32, #tpu.memory_space<hbm>>
        tpu.wait_dma2 semaphore(%run_scoped3A : memref<!tpu.dma_semaphore, #tpu.memory_space<semaphore_mem>>) src(%arg7 : memref<128x16xf32, #tpu.memory_space<vmem>>) dst(%dma_wait3A_239 : memref<128x16xf32, #tpu.memory_space<hbm>>)
        tpu.yield
      }) : () -> ()
    }
    %scan3A_5 = arith.constant 4 : i32
    return
  }
}

module attributes {stable_mosaic.version = 14 : i64} {
  func.func @_tr_body(%arg0: i32, %arg1: memref<2x16x100000xf32, #tpu.memory_space<vmem>>, %arg2: memref<256x256xf32, #tpu.memory_space<vmem>>, %arg3: memref<1x25000x128xf32, #tpu.memory_space<vmem>>) attributes {dimension_semantics = [#tpu.dimension_semantics<arbitrary>], iteration_bounds = array<i64: 7>, scalar_prefetch = 0 : i64, scratch_operands = 0 : i64, tpu.core_type = #tpu.core_type<tc>, window_params = [{transform_indices = @transform_0, window_bounds = array<i64: 2, 16, 100000>}, {pipeline_mode = #tpu.pipeline_mode<synchronous>, transform_indices = @transform_1, window_bounds = array<i64: 256, 256>}, {transform_indices = @transform_2, window_bounds = array<i64: 1, 25000, 128>}]} {
    %get3A = arith.constant 0 : index
    %get3A_0 = arith.constant 0 : index
    %get3A_1 = vector.load %arg2[%get3A, %get3A_0] : memref<256x256xf32, #tpu.memory_space<vmem>>, vector<256x256xf32>
    %convert_element_type3A = arith.truncf %get3A_1 : vector<256x256xf32> to vector<256x256xbf16>
    %get3A_2 = arith.constant 0 : index
    %get3A_3 = arith.constant 0 : index
    %get3A_4 = arith.constant 0 : index
    %get3A_5 = vector.load %arg1[%get3A_2, %get3A_3, %get3A_4] : memref<2x16x100000xf32, #tpu.memory_space<vmem>>, vector<2x16x1024xf32>
    %get3A_6 = arith.constant 0 : index
    %get3A_7 = arith.constant 0 : index
    %get3A_8 = arith.constant 12500 : index
    %get3A_9 = vector.load %arg1[%get3A_6, %get3A_7, %get3A_8] : memref<2x16x100000xf32, #tpu.memory_space<vmem>>, vector<2x16x1024xf32>
    %get3A_10 = arith.constant 0 : index
    %get3A_11 = arith.constant 0 : index
    %get3A_12 = arith.constant 25000 : index
    %get3A_13 = vector.load %arg1[%get3A_10, %get3A_11, %get3A_12] : memref<2x16x100000xf32, #tpu.memory_space<vmem>>, vector<2x16x1024xf32>
    %get3A_14 = arith.constant 0 : index
    %get3A_15 = arith.constant 0 : index
    %get3A_16 = arith.constant 37500 : index
    %get3A_17 = vector.load %arg1[%get3A_14, %get3A_15, %get3A_16] : memref<2x16x100000xf32, #tpu.memory_space<vmem>>, vector<2x16x1024xf32>
    %get3A_18 = arith.constant 0 : index
    %get3A_19 = arith.constant 0 : index
    %get3A_20 = arith.constant 50000 : index
    %get3A_21 = vector.load %arg1[%get3A_18, %get3A_19, %get3A_20] : memref<2x16x100000xf32, #tpu.memory_space<vmem>>, vector<2x16x1024xf32>
    %get3A_22 = arith.constant 0 : index
    %get3A_23 = arith.constant 0 : index
    %get3A_24 = arith.constant 62500 : index
    %get3A_25 = vector.load %arg1[%get3A_22, %get3A_23, %get3A_24] : memref<2x16x100000xf32, #tpu.memory_space<vmem>>, vector<2x16x1024xf32>
    %get3A_26 = arith.constant 0 : index
    %get3A_27 = arith.constant 0 : index
    %get3A_28 = arith.constant 75000 : index
    %get3A_29 = vector.load %arg1[%get3A_26, %get3A_27, %get3A_28] : memref<2x16x100000xf32, #tpu.memory_space<vmem>>, vector<2x16x1024xf32>
    %get3A_30 = arith.constant 0 : index
    %get3A_31 = arith.constant 0 : index
    %get3A_32 = arith.constant 87500 : index
    %get3A_33 = vector.load %arg1[%get3A_30, %get3A_31, %get3A_32] : memref<2x16x100000xf32, #tpu.memory_space<vmem>>, vector<2x16x1024xf32>
    %concatenate3A = tpu.concatenate %get3A_5, %get3A_9, %get3A_13, %get3A_17, %get3A_21, %get3A_25, %get3A_29, %get3A_33 in 0 : vector<2x16x1024xf32>, vector<2x16x1024xf32>, vector<2x16x1024xf32>, vector<2x16x1024xf32>, vector<2x16x1024xf32>, vector<2x16x1024xf32>, vector<2x16x1024xf32>, vector<2x16x1024xf32> -> vector<16x16x1024xf32>
    %reshape3A = vector.shape_cast %concatenate3A : vector<16x16x1024xf32> to vector<256x1024xf32>
    %convert_element_type3A_34 = arith.truncf %reshape3A : vector<256x1024xf32> to vector<256x1024xbf16>
    %convert_element_type3A_35 = arith.extf %convert_element_type3A_34 : vector<256x1024xbf16> to vector<256x1024xf32>
    %sub3A = arith.subf %reshape3A, %convert_element_type3A_35 : vector<256x1024xf32>
    %convert_element_type3A_36 = arith.truncf %sub3A : vector<256x1024xf32> to vector<256x1024xbf16>
    %dot_general3A = arith.constant dense<0.000000e+00> : vector<1024x256xf32>
    %dot_general3A_37 = tpu.matmul %convert_element_type3A_34, %convert_element_type3A, %dot_general3A {dimension_numbers = #tpu.dot_dimension_numbers<[0], [0], [1], [1], [0, 1, 1, 1], [], []>, transpose_lhs_hint = false} : vector<256x1024xbf16>, vector<256x256xbf16>, vector<1024x256xf32> -> vector<1024x256xf32>
    %dot_general3A_38 = arith.constant dense<0.000000e+00> : vector<1024x256xf32>
    %dot_general3A_39 = tpu.matmul %convert_element_type3A_36, %convert_element_type3A, %dot_general3A_38 {dimension_numbers = #tpu.dot_dimension_numbers<[0], [0], [1], [1], [0, 1, 1, 1], [], []>, transpose_lhs_hint = false} : vector<256x1024xbf16>, vector<256x256xbf16>, vector<1024x256xf32> -> vector<1024x256xf32>
    %add3A = arith.addf %dot_general3A_37, %dot_general3A_39 : vector<1024x256xf32>
    %slice3A = vector.extract_strided_slice %add3A {offsets = [0, 0], sizes = [1024, 128], strides = [1, 1]} : vector<1024x256xf32> to vector<1024x128xf32>
    %swap3A = arith.constant 0 : index
    %swap3A_40 = arith.constant 0 : index
    %swap3A_41 = arith.constant 0 : index
    %swap3A_42 = vector.load %arg3[%swap3A, %swap3A_40, %swap3A_41] : memref<1x25000x128xf32, #tpu.memory_space<vmem>>, vector<1x1024x128xf32>
    %swap3A_43 = vector.shape_cast %swap3A_42 : vector<1x1024x128xf32> to vector<1024x128xf32>
    %swap3A_44 = vector.shape_cast %slice3A : vector<1024x128xf32> to vector<1x1024x128xf32>
    tpu.vector_store %arg3[%swap3A, %swap3A_40, %swap3A_41], %swap3A_44 {strides = array<i32>} : memref<1x25000x128xf32, #tpu.memory_space<vmem>>, vector<1x1024x128xf32>,
    %slice3A_45 = vector.extract_strided_slice %add3A {offsets = [0, 128], sizes = [1024, 128], strides = [1, 1]} : vector<1024x256xf32> to vector<1024x128xf32>
    %swap3A_46 = arith.constant 0 : index
    %swap3A_47 = arith.constant 12500 : index
    %swap3A_48 = arith.constant 0 : index
    %swap3A_49 = vector.load %arg3[%swap3A_46, %swap3A_47, %swap3A_48] : memref<1x25000x128xf32, #tpu.memory_space<vmem>>, vector<1x1024x128xf32>
    %swap3A_50 = vector.shape_cast %swap3A_49 : vector<1x1024x128xf32> to vector<1024x128xf32>
    %swap3A_51 = vector.shape_cast %slice3A_45 : vector<1024x128xf32> to vector<1x1024x128xf32>
    tpu.vector_store %arg3[%swap3A_46, %swap3A_47, %swap3A_48], %swap3A_51 {strides = array<i32>} : memref<1x25000x128xf32, #tpu.memory_space<vmem>>, vector<1x1024x128xf32>,
    %get3A_52 = arith.constant 0 : index
    %get3A_53 = arith.constant 0 : index
    %get3A_54 = arith.constant 1024 : index
    %get3A_55 = vector.load %arg1[%get3A_52, %get3A_53, %get3A_54] : memref<2x16x100000xf32, #tpu.memory_space<vmem>>, vector<2x16x1024xf32>
    %get3A_56 = arith.constant 0 : index
    %get3A_57 = arith.constant 0 : index
    %get3A_58 = arith.constant 13524 : index
    %get3A_59 = vector.load %arg1[%get3A_56, %get3A_57, %get3A_58] : memref<2x16x100000xf32, #tpu.memory_space<vmem>>, vector<2x16x1024xf32>
    %get3A_60 = arith.constant 0 : index
    %get3A_61 = arith.constant 0 : index
    %get3A_62 = arith.constant 26024 : index
    %get3A_63 = vector.load %arg1[%get3A_60, %get3A_61, %get3A_62] : memref<2x16x100000xf32, #tpu.memory_space<vmem>>, vector<2x16x1024xf32>
    %get3A_64 = arith.constant 0 : index
    %get3A_65 = arith.constant 0 : index
    %get3A_66 = arith.constant 38524 : index
    %get3A_67 = vector.load %arg1[%get3A_64, %get3A_65, %get3A_66] : memref<2x16x100000xf32, #tpu.memory_space<vmem>>, vector<2x16x1024xf32>
    %get3A_68 = arith.constant 0 : index
    %get3A_69 = arith.constant 0 : index
    %get3A_70 = arith.constant 51024 : index
    %get3A_71 = vector.load %arg1[%get3A_68, %get3A_69, %get3A_70] : memref<2x16x100000xf32, #tpu.memory_space<vmem>>, vector<2x16x1024xf32>
    %get3A_72 = arith.constant 0 : index
    %get3A_73 = arith.constant 0 : index
    %get3A_74 = arith.constant 63524 : index
    %get3A_75 = vector.load %arg1[%get3A_72, %get3A_73, %get3A_74] : memref<2x16x100000xf32, #tpu.memory_space<vmem>>, vector<2x16x1024xf32>
    %get3A_76 = arith.constant 0 : index
    %get3A_77 = arith.constant 0 : index
    %get3A_78 = arith.constant 76024 : index
    %get3A_79 = vector.load %arg1[%get3A_76, %get3A_77, %get3A_78] : memref<2x16x100000xf32, #tpu.memory_space<vmem>>, vector<2x16x1024xf32>
    %get3A_80 = arith.constant 0 : index
    %get3A_81 = arith.constant 0 : index
    %get3A_82 = arith.constant 88524 : index
    %get3A_83 = vector.load %arg1[%get3A_80, %get3A_81, %get3A_82] : memref<2x16x100000xf32, #tpu.memory_space<vmem>>, vector<2x16x1024xf32>
    %concatenate3A_84 = tpu.concatenate %get3A_55, %get3A_59, %get3A_63, %get3A_67, %get3A_71, %get3A_75, %get3A_79, %get3A_83 in 0 : vector<2x16x1024xf32>, vector<2x16x1024xf32>, vector<2x16x1024xf32>, vector<2x16x1024xf32>, vector<2x16x1024xf32>, vector<2x16x1024xf32>, vector<2x16x1024xf32>, vector<2x16x1024xf32> -> vector<16x16x1024xf32>
    %reshape3A_85 = vector.shape_cast %concatenate3A_84 : vector<16x16x1024xf32> to vector<256x1024xf32>
    %convert_element_type3A_86 = arith.truncf %reshape3A_85 : vector<256x1024xf32> to vector<256x1024xbf16>
    %convert_element_type3A_87 = arith.extf %convert_element_type3A_86 : vector<256x1024xbf16> to vector<256x1024xf32>
    %sub3A_88 = arith.subf %reshape3A_85, %convert_element_type3A_87 : vector<256x1024xf32>
    %convert_element_type3A_89 = arith.truncf %sub3A_88 : vector<256x1024xf32> to vector<256x1024xbf16>
    %dot_general3A_90 = arith.constant dense<0.000000e+00> : vector<1024x256xf32>
    %dot_general3A_91 = tpu.matmul %convert_element_type3A_86, %convert_element_type3A, %dot_general3A_90 {dimension_numbers = #tpu.dot_dimension_numbers<[0], [0], [1], [1], [0, 1, 1, 1], [], []>, transpose_lhs_hint = false} : vector<256x1024xbf16>, vector<256x256xbf16>, vector<1024x256xf32> -> vector<1024x256xf32>
    %dot_general3A_92 = arith.constant dense<0.000000e+00> : vector<1024x256xf32>
    %dot_general3A_93 = tpu.matmul %convert_element_type3A_89, %convert_element_type3A, %dot_general3A_92 {dimension_numbers = #tpu.dot_dimension_numbers<[0], [0], [1], [1], [0, 1, 1, 1], [], []>, transpose_lhs_hint = false} : vector<256x1024xbf16>, vector<256x256xbf16>, vector<1024x256xf32> -> vector<1024x256xf32>
    %add3A_94 = arith.addf %dot_general3A_91, %dot_general3A_93 : vector<1024x256xf32>
    %slice3A_95 = vector.extract_strided_slice %add3A_94 {offsets = [0, 0], sizes = [1024, 128], strides = [1, 1]} : vector<1024x256xf32> to vector<1024x128xf32>
    %swap3A_96 = arith.constant 0 : index
    %swap3A_97 = arith.constant 1024 : index
    %swap3A_98 = arith.constant 0 : index
    %swap3A_99 = vector.load %arg3[%swap3A_96, %swap3A_97, %swap3A_98] : memref<1x25000x128xf32, #tpu.memory_space<vmem>>, vector<1x1024x128xf32>
    %swap3A_100 = vector.shape_cast %swap3A_99 : vector<1x1024x128xf32> to vector<1024x128xf32>
    %swap3A_101 = vector.shape_cast %slice3A_95 : vector<1024x128xf32> to vector<1x1024x128xf32>
    tpu.vector_store %arg3[%swap3A_96, %swap3A_97, %swap3A_98], %swap3A_101 {strides = array<i32>} : memref<1x25000x128xf32, #tpu.memory_space<vmem>>, vector<1x1024x128xf32>,
    %slice3A_102 = vector.extract_strided_slice %add3A_94 {offsets = [0, 128], sizes = [1024, 128], strides = [1, 1]} : vector<1024x256xf32> to vector<1024x128xf32>
    %swap3A_103 = arith.constant 0 : index
    %swap3A_104 = arith.constant 13524 : index
    %swap3A_105 = arith.constant 0 : index
    %swap3A_106 = vector.load %arg3[%swap3A_103, %swap3A_104, %swap3A_105] : memref<1x25000x128xf32, #tpu.memory_space<vmem>>, vector<1x1024x128xf32>
    %swap3A_107 = vector.shape_cast %swap3A_106 : vector<1x1024x128xf32> to vector<1024x128xf32>
    %swap3A_108 = vector.shape_cast %slice3A_102 : vector<1024x128xf32> to vector<1x1024x128xf32>
    tpu.vector_store %arg3[%swap3A_103, %swap3A_104, %swap3A_105], %swap3A_108 {strides = array<i32>} : memref<1x25000x128xf32, #tpu.memory_space<vmem>>, vector<1x1024x128xf32>,
    %get3A_109 = arith.constant 0 : index
    %get3A_110 = arith.constant 0 : index
    %get3A_111 = arith.constant 2048 : index
    %get3A_112 = vector.load %arg1[%get3A_109, %get3A_110, %get3A_111] : memref<2x16x100000xf32, #tpu.memory_space<vmem>>, vector<2x16x1024xf32>
    %get3A_113 = arith.constant 0 : index
    %get3A_114 = arith.constant 0 : index
    %get3A_115 = arith.constant 14548 : index
    %get3A_116 = vector.load %arg1[%get3A_113, %get3A_114, %get3A_115] : memref<2x16x100000xf32, #tpu.memory_space<vmem>>, vector<2x16x1024xf32>
    %get3A_117 = arith.constant 0 : index
    %get3A_118 = arith.constant 0 : index
    %get3A_119 = arith.constant 27048 : index
    %get3A_120 = vector.load %arg1[%get3A_117, %get3A_118, %get3A_119] : memref<2x16x100000xf32, #tpu.memory_space<vmem>>, vector<2x16x1024xf32>
    %get3A_121 = arith.constant 0 : index
    %get3A_122 = arith.constant 0 : index
    %get3A_123 = arith.constant 39548 : index
    %get3A_124 = vector.load %arg1[%get3A_121, %get3A_122, %get3A_123] : memref<2x16x100000xf32, #tpu.memory_space<vmem>>, vector<2x16x1024xf32>
    %get3A_125 = arith.constant 0 : index
    %get3A_126 = arith.constant 0 : index
    %get3A_127 = arith.constant 52048 : index
    %get3A_128 = vector.load %arg1[%get3A_125, %get3A_126, %get3A_127] : memref<2x16x100000xf32, #tpu.memory_space<vmem>>, vector<2x16x1024xf32>
    %get3A_129 = arith.constant 0 : index
    %get3A_130 = arith.constant 0 : index
    %get3A_131 = arith.constant 64548 : index
    %get3A_132 = vector.load %arg1[%get3A_129, %get3A_130, %get3A_131] : memref<2x16x100000xf32, #tpu.memory_space<vmem>>, vector<2x16x1024xf32>
    %get3A_133 = arith.constant 0 : index
    %get3A_134 = arith.constant 0 : index
    %get3A_135 = arith.constant 77048 : index
    %get3A_136 = vector.load %arg1[%get3A_133, %get3A_134, %get3A_135] : memref<2x16x100000xf32, #tpu.memory_space<vmem>>, vector<2x16x1024xf32>
    %get3A_137 = arith.constant 0 : index
    %get3A_138 = arith.constant 0 : index
    %get3A_139 = arith.constant 89548 : index
    %get3A_140 = vector.load %arg1[%get3A_137, %get3A_138, %get3A_139] : memref<2x16x100000xf32, #tpu.memory_space<vmem>>, vector<2x16x1024xf32>
    %concatenate3A_141 = tpu.concatenate %get3A_112, %get3A_116, %get3A_120, %get3A_124, %get3A_128, %get3A_132, %get3A_136, %get3A_140 in 0 : vector<2x16x1024xf32>, vector<2x16x1024xf32>, vector<2x16x1024xf32>, vector<2x16x1024xf32>, vector<2x16x1024xf32>, vector<2x16x1024xf32>, vector<2x16x1024xf32>, vector<2x16x1024xf32> -> vector<16x16x1024xf32>
    %reshape3A_142 = vector.shape_cast %concatenate3A_141 : vector<16x16x1024xf32> to vector<256x1024xf32>
    %convert_element_type3A_143 = arith.truncf %reshape3A_142 : vector<256x1024xf32> to vector<256x1024xbf16>
    %convert_element_type3A_144 = arith.extf %convert_element_type3A_143 : vector<256x1024xbf16> to vector<256x1024xf32>
    %sub3A_145 = arith.subf %reshape3A_142, %convert_element_type3A_144 : vector<256x1024xf32>
    %convert_element_type3A_146 = arith.truncf %sub3A_145 : vector<256x1024xf32> to vector<256x1024xbf16>
    %dot_general3A_147 = arith.constant dense<0.000000e+00> : vector<1024x256xf32>
    %dot_general3A_148 = tpu.matmul %convert_element_type3A_143, %convert_element_type3A, %dot_general3A_147 {dimension_numbers = #tpu.dot_dimension_numbers<[0], [0], [1], [1], [0, 1, 1, 1], [], []>, transpose_lhs_hint = false} : vector<256x1024xbf16>, vector<256x256xbf16>, vector<1024x256xf32> -> vector<1024x256xf32>
    %dot_general3A_149 = arith.constant dense<0.000000e+00> : vector<1024x256xf32>
    %dot_general3A_150 = tpu.matmul %convert_element_type3A_146, %convert_element_type3A, %dot_general3A_149 {dimension_numbers = #tpu.dot_dimension_numbers<[0], [0], [1], [1], [0, 1, 1, 1], [], []>, transpose_lhs_hint = false} : vector<256x1024xbf16>, vector<256x256xbf16>, vector<1024x256xf32> -> vector<1024x256xf32>
    %add3A_151 = arith.addf %dot_general3A_148, %dot_general3A_150 : vector<1024x256xf32>
    %slice3A_152 = vector.extract_strided_slice %add3A_151 {offsets = [0, 0], sizes = [1024, 128], strides = [1, 1]} : vector<1024x256xf32> to vector<1024x128xf32>
    %swap3A_153 = arith.constant 0 : index
    %swap3A_154 = arith.constant 2048 : index
    %swap3A_155 = arith.constant 0 : index
    %swap3A_156 = vector.load %arg3[%swap3A_153, %swap3A_154, %swap3A_155] : memref<1x25000x128xf32, #tpu.memory_space<vmem>>, vector<1x1024x128xf32>
    %swap3A_157 = vector.shape_cast %swap3A_156 : vector<1x1024x128xf32> to vector<1024x128xf32>
    %swap3A_158 = vector.shape_cast %slice3A_152 : vector<1024x128xf32> to vector<1x1024x128xf32>
    tpu.vector_store %arg3[%swap3A_153, %swap3A_154, %swap3A_155], %swap3A_158 {strides = array<i32>} : memref<1x25000x128xf32, #tpu.memory_space<vmem>>, vector<1x1024x128xf32>,
    %slice3A_159 = vector.extract_strided_slice %add3A_151 {offsets = [0, 128], sizes = [1024, 128], strides = [1, 1]} : vector<1024x256xf32> to vector<1024x128xf32>
    %swap3A_160 = arith.constant 0 : index
    %swap3A_161 = arith.constant 14548 : index
    %swap3A_162 = arith.constant 0 : index
    %swap3A_163 = vector.load %arg3[%swap3A_160, %swap3A_161, %swap3A_162] : memref<1x25000x128xf32, #tpu.memory_space<vmem>>, vector<1x1024x128xf32>
    %swap3A_164 = vector.shape_cast %swap3A_163 : vector<1x1024x128xf32> to vector<1024x128xf32>
    %swap3A_165 = vector.shape_cast %slice3A_159 : vector<1024x128xf32> to vector<1x1024x128xf32>
    tpu.vector_store %arg3[%swap3A_160, %swap3A_161, %swap3A_162], %swap3A_165 {strides = array<i32>} : memref<1x25000x128xf32, #tpu.memory_space<vmem>>, vector<1x1024x128xf32>,
    %get3A_166 = arith.constant 0 : index
    %get3A_167 = arith.constant 0 : index
    %get3A_168 = arith.constant 3072 : index
    %get3A_169 = vector.load %arg1[%get3A_166, %get3A_167, %get3A_168] : memref<2x16x100000xf32, #tpu.memory_space<vmem>>, vector<2x16x1024xf32>
    %get3A_170 = arith.constant 0 : index
    %get3A_171 = arith.constant 0 : index
    %get3A_172 = arith.constant 15572 : index
    %get3A_173 = vector.load %arg1[%get3A_170, %get3A_171, %get3A_172] : memref<2x16x100000xf32, #tpu.memory_space<vmem>>, vector<2x16x1024xf32>
    %get3A_174 = arith.constant 0 : index
    %get3A_175 = arith.constant 0 : index
    %get3A_176 = arith.constant 28072 : index
    %get3A_177 = vector.load %arg1[%get3A_174, %get3A_175, %get3A_176] : memref<2x16x100000xf32, #tpu.memory_space<vmem>>, vector<2x16x1024xf32>
    %get3A_178 = arith.constant 0 : index
    %get3A_179 = arith.constant 0 : index
    %get3A_180 = arith.constant 40572 : index
    %get3A_181 = vector.load %arg1[%get3A_178, %get3A_179, %get3A_180] : memref<2x16x100000xf32, #tpu.memory_space<vmem>>, vector<2x16x1024xf32>
    %get3A_182 = arith.constant 0 : index
    %get3A_183 = arith.constant 0 : index
    %get3A_184 = arith.constant 53072 : index
    %get3A_185 = vector.load %arg1[%get3A_182, %get3A_183, %get3A_184] : memref<2x16x100000xf32, #tpu.memory_space<vmem>>, vector<2x16x1024xf32>
    %get3A_186 = arith.constant 0 : index
    %get3A_187 = arith.constant 0 : index
    %get3A_188 = arith.constant 65572 : index
    %get3A_189 = vector.load %arg1[%get3A_186, %get3A_187, %get3A_188] : memref<2x16x100000xf32, #tpu.memory_space<vmem>>, vector<2x16x1024xf32>
    %get3A_190 = arith.constant 0 : index
    %get3A_191 = arith.constant 0 : index
    %get3A_192 = arith.constant 78072 : index
    %get3A_193 = vector.load %arg1[%get3A_190, %get3A_191, %get3A_192] : memref<2x16x100000xf32, #tpu.memory_space<vmem>>, vector<2x16x1024xf32>
    %get3A_194 = arith.constant 0 : index
    %get3A_195 = arith.constant 0 : index
    %get3A_196 = arith.constant 90572 : index
    %get3A_197 = vector.load %arg1[%get3A_194, %get3A_195, %get3A_196] : memref<2x16x100000xf32, #tpu.memory_space<vmem>>, vector<2x16x1024xf32>
    %concatenate3A_198 = tpu.concatenate %get3A_169, %get3A_173, %get3A_177, %get3A_181, %get3A_185, %get3A_189, %get3A_193, %get3A_197 in 0 : vector<2x16x1024xf32>, vector<2x16x1024xf32>, vector<2x16x1024xf32>, vector<2x16x1024xf32>, vector<2x16x1024xf32>, vector<2x16x1024xf32>, vector<2x16x1024xf32>, vector<2x16x1024xf32> -> vector<16x16x1024xf32>
    %reshape3A_199 = vector.shape_cast %concatenate3A_198 : vector<16x16x1024xf32> to vector<256x1024xf32>
    %convert_element_type3A_200 = arith.truncf %reshape3A_199 : vector<256x1024xf32> to vector<256x1024xbf16>
    %convert_element_type3A_201 = arith.extf %convert_element_type3A_200 : vector<256x1024xbf16> to vector<256x1024xf32>
    %sub3A_202 = arith.subf %reshape3A_199, %convert_element_type3A_201 : vector<256x1024xf32>
    %convert_element_type3A_203 = arith.truncf %sub3A_202 : vector<256x1024xf32> to vector<256x1024xbf16>
    %dot_general3A_204 = arith.constant dense<0.000000e+00> : vector<1024x256xf32>
    %dot_general3A_205 = tpu.matmul %convert_element_type3A_200, %convert_element_type3A, %dot_general3A_204 {dimension_numbers = #tpu.dot_dimension_numbers<[0], [0], [1], [1], [0, 1, 1, 1], [], []>, transpose_lhs_hint = false} : vector<256x1024xbf16>, vector<256x256xbf16>, vector<1024x256xf32> -> vector<1024x256xf32>
    %dot_general3A_206 = arith.constant dense<0.000000e+00> : vector<1024x256xf32>
    %dot_general3A_207 = tpu.matmul %convert_element_type3A_203, %convert_element_type3A, %dot_general3A_206 {dimension_numbers = #tpu.dot_dimension_numbers<[0], [0], [1], [1], [0, 1, 1, 1], [], []>, transpose_lhs_hint = false} : vector<256x1024xbf16>, vector<256x256xbf16>, vector<1024x256xf32> -> vector<1024x256xf32>
    %add3A_208 = arith.addf %dot_general3A_205, %dot_general3A_207 : vector<1024x256xf32>
    %slice3A_209 = vector.extract_strided_slice %add3A_208 {offsets = [0, 0], sizes = [1024, 128], strides = [1, 1]} : vector<1024x256xf32> to vector<1024x128xf32>
    %swap3A_210 = arith.constant 0 : index
    %swap3A_211 = arith.constant 3072 : index
    %swap3A_212 = arith.constant 0 : index
    %swap3A_213 = vector.load %arg3[%swap3A_210, %swap3A_211, %swap3A_212] : memref<1x25000x128xf32, #tpu.memory_space<vmem>>, vector<1x1024x128xf32>
    %swap3A_214 = vector.shape_cast %swap3A_213 : vector<1x1024x128xf32> to vector<1024x128xf32>
    %swap3A_215 = vector.shape_cast %slice3A_209 : vector<1024x128xf32> to vector<1x1024x128xf32>
    tpu.vector_store %arg3[%swap3A_210, %swap3A_211, %swap3A_212], %swap3A_215 {strides = array<i32>} : memref<1x25000x128xf32, #tpu.memory_space<vmem>>, vector<1x1024x128xf32>,
    %slice3A_216 = vector.extract_strided_slice %add3A_208 {offsets = [0, 128], sizes = [1024, 128], strides = [1, 1]} : vector<1024x256xf32> to vector<1024x128xf32>
    %swap3A_217 = arith.constant 0 : index
    %swap3A_218 = arith.constant 15572 : index
    %swap3A_219 = arith.constant 0 : index
    %swap3A_220 = vector.load %arg3[%swap3A_217, %swap3A_218, %swap3A_219] : memref<1x25000x128xf32, #tpu.memory_space<vmem>>, vector<1x1024x128xf32>
    %swap3A_221 = vector.shape_cast %swap3A_220 : vector<1x1024x128xf32> to vector<1024x128xf32>
    %swap3A_222 = vector.shape_cast %slice3A_216 : vector<1024x128xf32> to vector<1x1024x128xf32>
    tpu.vector_store %arg3[%swap3A_217, %swap3A_218, %swap3A_219], %swap3A_222 {strides = array<i32>} : memref<1x25000x128xf32, #tpu.memory_space<vmem>>, vector<1x1024x128xf32>,
    %get3A_223 = arith.constant 0 : index
    %get3A_224 = arith.constant 0 : index
    %get3A_225 = arith.constant 4096 : index
    %get3A_226 = vector.load %arg1[%get3A_223, %get3A_224, %get3A_225] : memref<2x16x100000xf32, #tpu.memory_space<vmem>>, vector<2x16x1024xf32>
    %get3A_227 = arith.constant 0 : index
    %get3A_228 = arith.constant 0 : index
    %get3A_229 = arith.constant 16596 : index
    %get3A_230 = vector.load %arg1[%get3A_227, %get3A_228, %get3A_229] : memref<2x16x100000xf32, #tpu.memory_space<vmem>>, vector<2x16x1024xf32>
    %get3A_231 = arith.constant 0 : index
    %get3A_232 = arith.constant 0 : index
    %get3A_233 = arith.constant 29096 : index
    %get3A_234 = vector.load %arg1[%get3A_231, %get3A_232, %get3A_233] : memref<2x16x100000xf32, #tpu.memory_space<vmem>>, vector<2x16x1024xf32>
    %get3A_235 = arith.constant 0 : index
    %get3A_236 = arith.constant 0 : index
    %get3A_237 = arith.constant 41596 : index
    %get3A_238 = vector.load %arg1[%get3A_235, %get3A_236, %get3A_237] : memref<2x16x100000xf32, #tpu.memory_space<vmem>>, vector<2x16x1024xf32>
    %get3A_239 = arith.constant 0 : index
    %get3A_240 = arith.constant 0 : index
    %get3A_241 = arith.constant 54096 : index
    %get3A_242 = vector.load %arg1[%get3A_239, %get3A_240, %get3A_241] : memref<2x16x100000xf32, #tpu.memory_space<vmem>>, vector<2x16x1024xf32>
    %get3A_243 = arith.constant 0 : index
    %get3A_244 = arith.constant 0 : index
    %get3A_245 = arith.constant 66596 : index
    %get3A_246 = vector.load %arg1[%get3A_243, %get3A_244, %get3A_245] : memref<2x16x100000xf32, #tpu.memory_space<vmem>>, vector<2x16x1024xf32>
    %get3A_247 = arith.constant 0 : index
    %get3A_248 = arith.constant 0 : index
    %get3A_249 = arith.constant 79096 : index
    %get3A_250 = vector.load %arg1[%get3A_247, %get3A_248, %get3A_249] : memref<2x16x100000xf32, #tpu.memory_space<vmem>>, vector<2x16x1024xf32>
    %get3A_251 = arith.constant 0 : index
    %get3A_252 = arith.constant 0 : index
    %get3A_253 = arith.constant 91596 : index
    %get3A_254 = vector.load %arg1[%get3A_251, %get3A_252, %get3A_253] : memref<2x16x100000xf32, #tpu.memory_space<vmem>>, vector<2x16x1024xf32>
    %concatenate3A_255 = tpu.concatenate %get3A_226, %get3A_230, %get3A_234, %get3A_238, %get3A_242, %get3A_246, %get3A_250, %get3A_254 in 0 : vector<2x16x1024xf32>, vector<2x16x1024xf32>, vector<2x16x1024xf32>, vector<2x16x1024xf32>, vector<2x16x1024xf32>, vector<2x16x1024xf32>, vector<2x16x1024xf32>, vector<2x16x1024xf32> -> vector<16x16x1024xf32>
    %reshape3A_256 = vector.shape_cast %concatenate3A_255 : vector<16x16x1024xf32> to vector<256x1024xf32>
    %convert_element_type3A_257 = arith.truncf %reshape3A_256 : vector<256x1024xf32> to vector<256x1024xbf16>
    %convert_element_type3A_258 = arith.extf %convert_element_type3A_257 : vector<256x1024xbf16> to vector<256x1024xf32>
    %sub3A_259 = arith.subf %reshape3A_256, %convert_element_type3A_258 : vector<256x1024xf32>
    %convert_element_type3A_260 = arith.truncf %sub3A_259 : vector<256x1024xf32> to vector<256x1024xbf16>
    %dot_general3A_261 = arith.constant dense<0.000000e+00> : vector<1024x256xf32>
    %dot_general3A_262 = tpu.matmul %convert_element_type3A_257, %convert_element_type3A, %dot_general3A_261 {dimension_numbers = #tpu.dot_dimension_numbers<[0], [0], [1], [1], [0, 1, 1, 1], [], []>, transpose_lhs_hint = false} : vector<256x1024xbf16>, vector<256x256xbf16>, vector<1024x256xf32> -> vector<1024x256xf32>
    %dot_general3A_263 = arith.constant dense<0.000000e+00> : vector<1024x256xf32>
    %dot_general3A_264 = tpu.matmul %convert_element_type3A_260, %convert_element_type3A, %dot_general3A_263 {dimension_numbers = #tpu.dot_dimension_numbers<[0], [0], [1], [1], [0, 1, 1, 1], [], []>, transpose_lhs_hint = false} : vector<256x1024xbf16>, vector<256x256xbf16>, vector<1024x256xf32> -> vector<1024x256xf32>
    %add3A_265 = arith.addf %dot_general3A_262, %dot_general3A_264 : vector<1024x256xf32>
    %slice3A_266 = vector.extract_strided_slice %add3A_265 {offsets = [0, 0], sizes = [1024, 128], strides = [1, 1]} : vector<1024x256xf32> to vector<1024x128xf32>
    %swap3A_267 = arith.constant 0 : index
    %swap3A_268 = arith.constant 4096 : index
    %swap3A_269 = arith.constant 0 : index
    %swap3A_270 = vector.load %arg3[%swap3A_267, %swap3A_268, %swap3A_269] : memref<1x25000x128xf32, #tpu.memory_space<vmem>>, vector<1x1024x128xf32>
    %swap3A_271 = vector.shape_cast %swap3A_270 : vector<1x1024x128xf32> to vector<1024x128xf32>
    %swap3A_272 = vector.shape_cast %slice3A_266 : vector<1024x128xf32> to vector<1x1024x128xf32>
    tpu.vector_store %arg3[%swap3A_267, %swap3A_268, %swap3A_269], %swap3A_272 {strides = array<i32>} : memref<1x25000x128xf32, #tpu.memory_space<vmem>>, vector<1x1024x128xf32>,
    %slice3A_273 = vector.extract_strided_slice %add3A_265 {offsets = [0, 128], sizes = [1024, 128], strides = [1, 1]} : vector<1024x256xf32> to vector<1024x128xf32>
    %swap3A_274 = arith.constant 0 : index
    %swap3A_275 = arith.constant 16596 : index
    %swap3A_276 = arith.constant 0 : index
    %swap3A_277 = vector.load %arg3[%swap3A_274, %swap3A_275, %swap3A_276] : memref<1x25000x128xf32, #tpu.memory_space<vmem>>, vector<1x1024x128xf32>
    %swap3A_278 = vector.shape_cast %swap3A_277 : vector<1x1024x128xf32> to vector<1024x128xf32>
    %swap3A_279 = vector.shape_cast %slice3A_273 : vector<1024x128xf32> to vector<1x1024x128xf32>
    tpu.vector_store %arg3[%swap3A_274, %swap3A_275, %swap3A_276], %swap3A_279 {strides = array<i32>} : memref<1x25000x128xf32, #tpu.memory_space<vmem>>, vector<1x1024x128xf32>,
    %get3A_280 = arith.constant 0 : index
    %get3A_281 = arith.constant 0 : index
    %get3A_282 = arith.constant 5120 : index
    %get3A_283 = vector.load %arg1[%get3A_280, %get3A_281, %get3A_282] : memref<2x16x100000xf32, #tpu.memory_space<vmem>>, vector<2x16x1024xf32>
    %get3A_284 = arith.constant 0 : index
    %get3A_285 = arith.constant 0 : index
    %get3A_286 = arith.constant 17620 : index
    %get3A_287 = vector.load %arg1[%get3A_284, %get3A_285, %get3A_286] : memref<2x16x100000xf32, #tpu.memory_space<vmem>>, vector<2x16x1024xf32>
    %get3A_288 = arith.constant 0 : index
    %get3A_289 = arith.constant 0 : index
    %get3A_290 = arith.constant 30120 : index
    %get3A_291 = vector.load %arg1[%get3A_288, %get3A_289, %get3A_290] : memref<2x16x100000xf32, #tpu.memory_space<vmem>>, vector<2x16x1024xf32>
    %get3A_292 = arith.constant 0 : index
    %get3A_293 = arith.constant 0 : index
    %get3A_294 = arith.constant 42620 : index
    %get3A_295 = vector.load %arg1[%get3A_292, %get3A_293, %get3A_294] : memref<2x16x100000xf32, #tpu.memory_space<vmem>>, vector<2x16x1024xf32>
    %get3A_296 = arith.constant 0 : index
    %get3A_297 = arith.constant 0 : index
    %get3A_298 = arith.constant 55120 : index
    %get3A_299 = vector.load %arg1[%get3A_296, %get3A_297, %get3A_298] : memref<2x16x100000xf32, #tpu.memory_space<vmem>>, vector<2x16x1024xf32>
    %get3A_300 = arith.constant 0 : index
    %get3A_301 = arith.constant 0 : index
    %get3A_302 = arith.constant 67620 : index
    %get3A_303 = vector.load %arg1[%get3A_300, %get3A_301, %get3A_302] : memref<2x16x100000xf32, #tpu.memory_space<vmem>>, vector<2x16x1024xf32>
    %get3A_304 = arith.constant 0 : index
    %get3A_305 = arith.constant 0 : index
    %get3A_306 = arith.constant 80120 : index
    %get3A_307 = vector.load %arg1[%get3A_304, %get3A_305, %get3A_306] : memref<2x16x100000xf32, #tpu.memory_space<vmem>>, vector<2x16x1024xf32>
    %get3A_308 = arith.constant 0 : index
    %get3A_309 = arith.constant 0 : index
    %get3A_310 = arith.constant 92620 : index
    %get3A_311 = vector.load %arg1[%get3A_308, %get3A_309, %get3A_310] : memref<2x16x100000xf32, #tpu.memory_space<vmem>>, vector<2x16x1024xf32>
    %concatenate3A_312 = tpu.concatenate %get3A_283, %get3A_287, %get3A_291, %get3A_295, %get3A_299, %get3A_303, %get3A_307, %get3A_311 in 0 : vector<2x16x1024xf32>, vector<2x16x1024xf32>, vector<2x16x1024xf32>, vector<2x16x1024xf32>, vector<2x16x1024xf32>, vector<2x16x1024xf32>, vector<2x16x1024xf32>, vector<2x16x1024xf32> -> vector<16x16x1024xf32>
    %reshape3A_313 = vector.shape_cast %concatenate3A_312 : vector<16x16x1024xf32> to vector<256x1024xf32>
    %convert_element_type3A_314 = arith.truncf %reshape3A_313 : vector<256x1024xf32> to vector<256x1024xbf16>
    %convert_element_type3A_315 = arith.extf %convert_element_type3A_314 : vector<256x1024xbf16> to vector<256x1024xf32>
    %sub3A_316 = arith.subf %reshape3A_313, %convert_element_type3A_315 : vector<256x1024xf32>
    %convert_element_type3A_317 = arith.truncf %sub3A_316 : vector<256x1024xf32> to vector<256x1024xbf16>
    %dot_general3A_318 = arith.constant dense<0.000000e+00> : vector<1024x256xf32>
    %dot_general3A_319 = tpu.matmul %convert_element_type3A_314, %convert_element_type3A, %dot_general3A_318 {dimension_numbers = #tpu.dot_dimension_numbers<[0], [0], [1], [1], [0, 1, 1, 1], [], []>, transpose_lhs_hint = false} : vector<256x1024xbf16>, vector<256x256xbf16>, vector<1024x256xf32> -> vector<1024x256xf32>
    %dot_general3A_320 = arith.constant dense<0.000000e+00> : vector<1024x256xf32>
    %dot_general3A_321 = tpu.matmul %convert_element_type3A_317, %convert_element_type3A, %dot_general3A_320 {dimension_numbers = #tpu.dot_dimension_numbers<[0], [0], [1], [1], [0, 1, 1, 1], [], []>, transpose_lhs_hint = false} : vector<256x1024xbf16>, vector<256x256xbf16>, vector<1024x256xf32> -> vector<1024x256xf32>
    %add3A_322 = arith.addf %dot_general3A_319, %dot_general3A_321 : vector<1024x256xf32>
    %slice3A_323 = vector.extract_strided_slice %add3A_322 {offsets = [0, 0], sizes = [1024, 128], strides = [1, 1]} : vector<1024x256xf32> to vector<1024x128xf32>
    %swap3A_324 = arith.constant 0 : index
    %swap3A_325 = arith.constant 5120 : index
    %swap3A_326 = arith.constant 0 : index
    %swap3A_327 = vector.load %arg3[%swap3A_324, %swap3A_325, %swap3A_326] : memref<1x25000x128xf32, #tpu.memory_space<vmem>>, vector<1x1024x128xf32>
    %swap3A_328 = vector.shape_cast %swap3A_327 : vector<1x1024x128xf32> to vector<1024x128xf32>
    %swap3A_329 = vector.shape_cast %slice3A_323 : vector<1024x128xf32> to vector<1x1024x128xf32>
    tpu.vector_store %arg3[%swap3A_324, %swap3A_325, %swap3A_326], %swap3A_329 {strides = array<i32>} : memref<1x25000x128xf32, #tpu.memory_space<vmem>>, vector<1x1024x128xf32>,
    %slice3A_330 = vector.extract_strided_slice %add3A_322 {offsets = [0, 128], sizes = [1024, 128], strides = [1, 1]} : vector<1024x256xf32> to vector<1024x128xf32>
    %swap3A_331 = arith.constant 0 : index
    %swap3A_332 = arith.constant 17620 : index
    %swap3A_333 = arith.constant 0 : index
    %swap3A_334 = vector.load %arg3[%swap3A_331, %swap3A_332, %swap3A_333] : memref<1x25000x128xf32, #tpu.memory_space<vmem>>, vector<1x1024x128xf32>
    %swap3A_335 = vector.shape_cast %swap3A_334 : vector<1x1024x128xf32> to vector<1024x128xf32>
    %swap3A_336 = vector.shape_cast %slice3A_330 : vector<1024x128xf32> to vector<1x1024x128xf32>
    tpu.vector_store %arg3[%swap3A_331, %swap3A_332, %swap3A_333], %swap3A_336 {strides = array<i32>} : memref<1x25000x128xf32, #tpu.memory_space<vmem>>, vector<1x1024x128xf32>,
    %get3A_337 = arith.constant 0 : index
    %get3A_338 = arith.constant 0 : index
    %get3A_339 = arith.constant 6144 : index
    %get3A_340 = vector.load %arg1[%get3A_337, %get3A_338, %get3A_339] : memref<2x16x100000xf32, #tpu.memory_space<vmem>>, vector<2x16x1024xf32>
    %get3A_341 = arith.constant 0 : index
    %get3A_342 = arith.constant 0 : index
    %get3A_343 = arith.constant 18644 : index
    %get3A_344 = vector.load %arg1[%get3A_341, %get3A_342, %get3A_343] : memref<2x16x100000xf32, #tpu.memory_space<vmem>>, vector<2x16x1024xf32>
    %get3A_345 = arith.constant 0 : index
    %get3A_346 = arith.constant 0 : index
    %get3A_347 = arith.constant 31144 : index
    %get3A_348 = vector.load %arg1[%get3A_345, %get3A_346, %get3A_347] : memref<2x16x100000xf32, #tpu.memory_space<vmem>>, vector<2x16x1024xf32>
    %get3A_349 = arith.constant 0 : index
    %get3A_350 = arith.constant 0 : index
    %get3A_351 = arith.constant 43644 : index
    %get3A_352 = vector.load %arg1[%get3A_349, %get3A_350, %get3A_351] : memref<2x16x100000xf32, #tpu.memory_space<vmem>>, vector<2x16x1024xf32>
    %get3A_353 = arith.constant 0 : index
    %get3A_354 = arith.constant 0 : index
    %get3A_355 = arith.constant 56144 : index
    %get3A_356 = vector.load %arg1[%get3A_353, %get3A_354, %get3A_355] : memref<2x16x100000xf32, #tpu.memory_space<vmem>>, vector<2x16x1024xf32>
    %get3A_357 = arith.constant 0 : index
    %get3A_358 = arith.constant 0 : index
    %get3A_359 = arith.constant 68644 : index
    %get3A_360 = vector.load %arg1[%get3A_357, %get3A_358, %get3A_359] : memref<2x16x100000xf32, #tpu.memory_space<vmem>>, vector<2x16x1024xf32>
    %get3A_361 = arith.constant 0 : index
    %get3A_362 = arith.constant 0 : index
    %get3A_363 = arith.constant 81144 : index
    %get3A_364 = vector.load %arg1[%get3A_361, %get3A_362, %get3A_363] : memref<2x16x100000xf32, #tpu.memory_space<vmem>>, vector<2x16x1024xf32>
    %get3A_365 = arith.constant 0 : index
    %get3A_366 = arith.constant 0 : index
    %get3A_367 = arith.constant 93644 : index
    %get3A_368 = vector.load %arg1[%get3A_365, %get3A_366, %get3A_367] : memref<2x16x100000xf32, #tpu.memory_space<vmem>>, vector<2x16x1024xf32>
    %concatenate3A_369 = tpu.concatenate %get3A_340, %get3A_344, %get3A_348, %get3A_352, %get3A_356, %get3A_360, %get3A_364, %get3A_368 in 0 : vector<2x16x1024xf32>, vector<2x16x1024xf32>, vector<2x16x1024xf32>, vector<2x16x1024xf32>, vector<2x16x1024xf32>, vector<2x16x1024xf32>, vector<2x16x1024xf32>, vector<2x16x1024xf32> -> vector<16x16x1024xf32>
    %reshape3A_370 = vector.shape_cast %concatenate3A_369 : vector<16x16x1024xf32> to vector<256x1024xf32>
    %convert_element_type3A_371 = arith.truncf %reshape3A_370 : vector<256x1024xf32> to vector<256x1024xbf16>
    %convert_element_type3A_372 = arith.extf %convert_element_type3A_371 : vector<256x1024xbf16> to vector<256x1024xf32>
    %sub3A_373 = arith.subf %reshape3A_370, %convert_element_type3A_372 : vector<256x1024xf32>
    %convert_element_type3A_374 = arith.truncf %sub3A_373 : vector<256x1024xf32> to vector<256x1024xbf16>
    %dot_general3A_375 = arith.constant dense<0.000000e+00> : vector<1024x256xf32>
    %dot_general3A_376 = tpu.matmul %convert_element_type3A_371, %convert_element_type3A, %dot_general3A_375 {dimension_numbers = #tpu.dot_dimension_numbers<[0], [0], [1], [1], [0, 1, 1, 1], [], []>, transpose_lhs_hint = false} : vector<256x1024xbf16>, vector<256x256xbf16>, vector<1024x256xf32> -> vector<1024x256xf32>
    %dot_general3A_377 = arith.constant dense<0.000000e+00> : vector<1024x256xf32>
    %dot_general3A_378 = tpu.matmul %convert_element_type3A_374, %convert_element_type3A, %dot_general3A_377 {dimension_numbers = #tpu.dot_dimension_numbers<[0], [0], [1], [1], [0, 1, 1, 1], [], []>, transpose_lhs_hint = false} : vector<256x1024xbf16>, vector<256x256xbf16>, vector<1024x256xf32> -> vector<1024x256xf32>
    %add3A_379 = arith.addf %dot_general3A_376, %dot_general3A_378 : vector<1024x256xf32>
    %slice3A_380 = vector.extract_strided_slice %add3A_379 {offsets = [0, 0], sizes = [1024, 128], strides = [1, 1]} : vector<1024x256xf32> to vector<1024x128xf32>
    %swap3A_381 = arith.constant 0 : index
    %swap3A_382 = arith.constant 6144 : index
    %swap3A_383 = arith.constant 0 : index
    %swap3A_384 = vector.load %arg3[%swap3A_381, %swap3A_382, %swap3A_383] : memref<1x25000x128xf32, #tpu.memory_space<vmem>>, vector<1x1024x128xf32>
    %swap3A_385 = vector.shape_cast %swap3A_384 : vector<1x1024x128xf32> to vector<1024x128xf32>
    %swap3A_386 = vector.shape_cast %slice3A_380 : vector<1024x128xf32> to vector<1x1024x128xf32>
    tpu.vector_store %arg3[%swap3A_381, %swap3A_382, %swap3A_383], %swap3A_386 {strides = array<i32>} : memref<1x25000x128xf32, #tpu.memory_space<vmem>>, vector<1x1024x128xf32>,
    %slice3A_387 = vector.extract_strided_slice %add3A_379 {offsets = [0, 128], sizes = [1024, 128], strides = [1, 1]} : vector<1024x256xf32> to vector<1024x128xf32>
    %swap3A_388 = arith.constant 0 : index
    %swap3A_389 = arith.constant 18644 : index
    %swap3A_390 = arith.constant 0 : index
    %swap3A_391 = vector.load %arg3[%swap3A_388, %swap3A_389, %swap3A_390] : memref<1x25000x128xf32, #tpu.memory_space<vmem>>, vector<1x1024x128xf32>
    %swap3A_392 = vector.shape_cast %swap3A_391 : vector<1x1024x128xf32> to vector<1024x128xf32>
    %swap3A_393 = vector.shape_cast %slice3A_387 : vector<1024x128xf32> to vector<1x1024x128xf32>
    tpu.vector_store %arg3[%swap3A_388, %swap3A_389, %swap3A_390], %swap3A_393 {strides = array<i32>} : memref<1x25000x128xf32, #tpu.memory_space<vmem>>, vector<1x1024x128xf32>,
    %get3A_394 = arith.constant 0 : index
    %get3A_395 = arith.constant 0 : index
    %get3A_396 = arith.constant 7168 : index
    %get3A_397 = vector.load %arg1[%get3A_394, %get3A_395, %get3A_396] : memref<2x16x100000xf32, #tpu.memory_space<vmem>>, vector<2x16x1024xf32>
    %get3A_398 = arith.constant 0 : index
    %get3A_399 = arith.constant 0 : index
    %get3A_400 = arith.constant 19668 : index
    %get3A_401 = vector.load %arg1[%get3A_398, %get3A_399, %get3A_400] : memref<2x16x100000xf32, #tpu.memory_space<vmem>>, vector<2x16x1024xf32>
    %get3A_402 = arith.constant 0 : index
    %get3A_403 = arith.constant 0 : index
    %get3A_404 = arith.constant 32168 : index
    %get3A_405 = vector.load %arg1[%get3A_402, %get3A_403, %get3A_404] : memref<2x16x100000xf32, #tpu.memory_space<vmem>>, vector<2x16x1024xf32>
    %get3A_406 = arith.constant 0 : index
    %get3A_407 = arith.constant 0 : index
    %get3A_408 = arith.constant 44668 : index
    %get3A_409 = vector.load %arg1[%get3A_406, %get3A_407, %get3A_408] : memref<2x16x100000xf32, #tpu.memory_space<vmem>>, vector<2x16x1024xf32>
    %get3A_410 = arith.constant 0 : index
    %get3A_411 = arith.constant 0 : index
    %get3A_412 = arith.constant 57168 : index
    %get3A_413 = vector.load %arg1[%get3A_410, %get3A_411, %get3A_412] : memref<2x16x100000xf32, #tpu.memory_space<vmem>>, vector<2x16x1024xf32>
    %get3A_414 = arith.constant 0 : index
    %get3A_415 = arith.constant 0 : index
    %get3A_416 = arith.constant 69668 : index
    %get3A_417 = vector.load %arg1[%get3A_414, %get3A_415, %get3A_416] : memref<2x16x100000xf32, #tpu.memory_space<vmem>>, vector<2x16x1024xf32>
    %get3A_418 = arith.constant 0 : index
    %get3A_419 = arith.constant 0 : index
    %get3A_420 = arith.constant 82168 : index
    %get3A_421 = vector.load %arg1[%get3A_418, %get3A_419, %get3A_420] : memref<2x16x100000xf32, #tpu.memory_space<vmem>>, vector<2x16x1024xf32>
    %get3A_422 = arith.constant 0 : index
    %get3A_423 = arith.constant 0 : index
    %get3A_424 = arith.constant 94668 : index
    %get3A_425 = vector.load %arg1[%get3A_422, %get3A_423, %get3A_424] : memref<2x16x100000xf32, #tpu.memory_space<vmem>>, vector<2x16x1024xf32>
    %concatenate3A_426 = tpu.concatenate %get3A_397, %get3A_401, %get3A_405, %get3A_409, %get3A_413, %get3A_417, %get3A_421, %get3A_425 in 0 : vector<2x16x1024xf32>, vector<2x16x1024xf32>, vector<2x16x1024xf32>, vector<2x16x1024xf32>, vector<2x16x1024xf32>, vector<2x16x1024xf32>, vector<2x16x1024xf32>, vector<2x16x1024xf32> -> vector<16x16x1024xf32>
    %reshape3A_427 = vector.shape_cast %concatenate3A_426 : vector<16x16x1024xf32> to vector<256x1024xf32>
    %convert_element_type3A_428 = arith.truncf %reshape3A_427 : vector<256x1024xf32> to vector<256x1024xbf16>
    %convert_element_type3A_429 = arith.extf %convert_element_type3A_428 : vector<256x1024xbf16> to vector<256x1024xf32>
    %sub3A_430 = arith.subf %reshape3A_427, %convert_element_type3A_429 : vector<256x1024xf32>
    %convert_element_type3A_431 = arith.truncf %sub3A_430 : vector<256x1024xf32> to vector<256x1024xbf16>
    %dot_general3A_432 = arith.constant dense<0.000000e+00> : vector<1024x256xf32>
    %dot_general3A_433 = tpu.matmul %convert_element_type3A_428, %convert_element_type3A, %dot_general3A_432 {dimension_numbers = #tpu.dot_dimension_numbers<[0], [0], [1], [1], [0, 1, 1, 1], [], []>, transpose_lhs_hint = false} : vector<256x1024xbf16>, vector<256x256xbf16>, vector<1024x256xf32> -> vector<1024x256xf32>
    %dot_general3A_434 = arith.constant dense<0.000000e+00> : vector<1024x256xf32>
    %dot_general3A_435 = tpu.matmul %convert_element_type3A_431, %convert_element_type3A, %dot_general3A_434 {dimension_numbers = #tpu.dot_dimension_numbers<[0], [0], [1], [1], [0, 1, 1, 1], [], []>, transpose_lhs_hint = false} : vector<256x1024xbf16>, vector<256x256xbf16>, vector<1024x256xf32> -> vector<1024x256xf32>
    %add3A_436 = arith.addf %dot_general3A_433, %dot_general3A_435 : vector<1024x256xf32>
    %slice3A_437 = vector.extract_strided_slice %add3A_436 {offsets = [0, 0], sizes = [1024, 128], strides = [1, 1]} : vector<1024x256xf32> to vector<1024x128xf32>
    %swap3A_438 = arith.constant 0 : index
    %swap3A_439 = arith.constant 7168 : index
    %swap3A_440 = arith.constant 0 : index
    %swap3A_441 = vector.load %arg3[%swap3A_438, %swap3A_439, %swap3A_440] : memref<1x25000x128xf32, #tpu.memory_space<vmem>>, vector<1x1024x128xf32>
    %swap3A_442 = vector.shape_cast %swap3A_441 : vector<1x1024x128xf32> to vector<1024x128xf32>
    %swap3A_443 = vector.shape_cast %slice3A_437 : vector<1024x128xf32> to vector<1x1024x128xf32>
    tpu.vector_store %arg3[%swap3A_438, %swap3A_439, %swap3A_440], %swap3A_443 {strides = array<i32>} : memref<1x25000x128xf32, #tpu.memory_space<vmem>>, vector<1x1024x128xf32>,
    %slice3A_444 = vector.extract_strided_slice %add3A_436 {offsets = [0, 128], sizes = [1024, 128], strides = [1, 1]} : vector<1024x256xf32> to vector<1024x128xf32>
    %swap3A_445 = arith.constant 0 : index
    %swap3A_446 = arith.constant 19668 : index
    %swap3A_447 = arith.constant 0 : index
    %swap3A_448 = vector.load %arg3[%swap3A_445, %swap3A_446, %swap3A_447] : memref<1x25000x128xf32, #tpu.memory_space<vmem>>, vector<1x1024x128xf32>
    %swap3A_449 = vector.shape_cast %swap3A_448 : vector<1x1024x128xf32> to vector<1024x128xf32>
    %swap3A_450 = vector.shape_cast %slice3A_444 : vector<1024x128xf32> to vector<1x1024x128xf32>
    tpu.vector_store %arg3[%swap3A_445, %swap3A_446, %swap3A_447], %swap3A_450 {strides = array<i32>} : memref<1x25000x128xf32, #tpu.memory_space<vmem>>, vector<1x1024x128xf32>,
    %get3A_451 = arith.constant 0 : index
    %get3A_452 = arith.constant 0 : index
    %get3A_453 = arith.constant 8192 : index
    %get3A_454 = vector.load %arg1[%get3A_451, %get3A_452, %get3A_453] : memref<2x16x100000xf32, #tpu.memory_space<vmem>>, vector<2x16x1024xf32>
    %get3A_455 = arith.constant 0 : index
    %get3A_456 = arith.constant 0 : index
    %get3A_457 = arith.constant 20692 : index
    %get3A_458 = vector.load %arg1[%get3A_455, %get3A_456, %get3A_457] : memref<2x16x100000xf32, #tpu.memory_space<vmem>>, vector<2x16x1024xf32>
    %get3A_459 = arith.constant 0 : index
    %get3A_460 = arith.constant 0 : index
    %get3A_461 = arith.constant 33192 : index
    %get3A_462 = vector.load %arg1[%get3A_459, %get3A_460, %get3A_461] : memref<2x16x100000xf32, #tpu.memory_space<vmem>>, vector<2x16x1024xf32>
    %get3A_463 = arith.constant 0 : index
    %get3A_464 = arith.constant 0 : index
    %get3A_465 = arith.constant 45692 : index
    %get3A_466 = vector.load %arg1[%get3A_463, %get3A_464, %get3A_465] : memref<2x16x100000xf32, #tpu.memory_space<vmem>>, vector<2x16x1024xf32>
    %get3A_467 = arith.constant 0 : index
    %get3A_468 = arith.constant 0 : index
    %get3A_469 = arith.constant 58192 : index
    %get3A_470 = vector.load %arg1[%get3A_467, %get3A_468, %get3A_469] : memref<2x16x100000xf32, #tpu.memory_space<vmem>>, vector<2x16x1024xf32>
    %get3A_471 = arith.constant 0 : index
    %get3A_472 = arith.constant 0 : index
    %get3A_473 = arith.constant 70692 : index
    %get3A_474 = vector.load %arg1[%get3A_471, %get3A_472, %get3A_473] : memref<2x16x100000xf32, #tpu.memory_space<vmem>>, vector<2x16x1024xf32>
    %get3A_475 = arith.constant 0 : index
    %get3A_476 = arith.constant 0 : index
    %get3A_477 = arith.constant 83192 : index
    %get3A_478 = vector.load %arg1[%get3A_475, %get3A_476, %get3A_477] : memref<2x16x100000xf32, #tpu.memory_space<vmem>>, vector<2x16x1024xf32>
    %get3A_479 = arith.constant 0 : index
    %get3A_480 = arith.constant 0 : index
    %get3A_481 = arith.constant 95692 : index
    %get3A_482 = vector.load %arg1[%get3A_479, %get3A_480, %get3A_481] : memref<2x16x100000xf32, #tpu.memory_space<vmem>>, vector<2x16x1024xf32>
    %concatenate3A_483 = tpu.concatenate %get3A_454, %get3A_458, %get3A_462, %get3A_466, %get3A_470, %get3A_474, %get3A_478, %get3A_482 in 0 : vector<2x16x1024xf32>, vector<2x16x1024xf32>, vector<2x16x1024xf32>, vector<2x16x1024xf32>, vector<2x16x1024xf32>, vector<2x16x1024xf32>, vector<2x16x1024xf32>, vector<2x16x1024xf32> -> vector<16x16x1024xf32>
    %reshape3A_484 = vector.shape_cast %concatenate3A_483 : vector<16x16x1024xf32> to vector<256x1024xf32>
    %convert_element_type3A_485 = arith.truncf %reshape3A_484 : vector<256x1024xf32> to vector<256x1024xbf16>
    %convert_element_type3A_486 = arith.extf %convert_element_type3A_485 : vector<256x1024xbf16> to vector<256x1024xf32>
    %sub3A_487 = arith.subf %reshape3A_484, %convert_element_type3A_486 : vector<256x1024xf32>
    %convert_element_type3A_488 = arith.truncf %sub3A_487 : vector<256x1024xf32> to vector<256x1024xbf16>
    %dot_general3A_489 = arith.constant dense<0.000000e+00> : vector<1024x256xf32>
    %dot_general3A_490 = tpu.matmul %convert_element_type3A_485, %convert_element_type3A, %dot_general3A_489 {dimension_numbers = #tpu.dot_dimension_numbers<[0], [0], [1], [1], [0, 1, 1, 1], [], []>, transpose_lhs_hint = false} : vector<256x1024xbf16>, vector<256x256xbf16>, vector<1024x256xf32> -> vector<1024x256xf32>
    %dot_general3A_491 = arith.constant dense<0.000000e+00> : vector<1024x256xf32>
    %dot_general3A_492 = tpu.matmul %convert_element_type3A_488, %convert_element_type3A, %dot_general3A_491 {dimension_numbers = #tpu.dot_dimension_numbers<[0], [0], [1], [1], [0, 1, 1, 1], [], []>, transpose_lhs_hint = false} : vector<256x1024xbf16>, vector<256x256xbf16>, vector<1024x256xf32> -> vector<1024x256xf32>
    %add3A_493 = arith.addf %dot_general3A_490, %dot_general3A_492 : vector<1024x256xf32>
    %slice3A_494 = vector.extract_strided_slice %add3A_493 {offsets = [0, 0], sizes = [1024, 128], strides = [1, 1]} : vector<1024x256xf32> to vector<1024x128xf32>
    %swap3A_495 = arith.constant 0 : index
    %swap3A_496 = arith.constant 8192 : index
    %swap3A_497 = arith.constant 0 : index
    %swap3A_498 = vector.load %arg3[%swap3A_495, %swap3A_496, %swap3A_497] : memref<1x25000x128xf32, #tpu.memory_space<vmem>>, vector<1x1024x128xf32>
    %swap3A_499 = vector.shape_cast %swap3A_498 : vector<1x1024x128xf32> to vector<1024x128xf32>
    %swap3A_500 = vector.shape_cast %slice3A_494 : vector<1024x128xf32> to vector<1x1024x128xf32>
    tpu.vector_store %arg3[%swap3A_495, %swap3A_496, %swap3A_497], %swap3A_500 {strides = array<i32>} : memref<1x25000x128xf32, #tpu.memory_space<vmem>>, vector<1x1024x128xf32>,
    %slice3A_501 = vector.extract_strided_slice %add3A_493 {offsets = [0, 128], sizes = [1024, 128], strides = [1, 1]} : vector<1024x256xf32> to vector<1024x128xf32>
    %swap3A_502 = arith.constant 0 : index
    %swap3A_503 = arith.constant 20692 : index
    %swap3A_504 = arith.constant 0 : index
    %swap3A_505 = vector.load %arg3[%swap3A_502, %swap3A_503, %swap3A_504] : memref<1x25000x128xf32, #tpu.memory_space<vmem>>, vector<1x1024x128xf32>
    %swap3A_506 = vector.shape_cast %swap3A_505 : vector<1x1024x128xf32> to vector<1024x128xf32>
    %swap3A_507 = vector.shape_cast %slice3A_501 : vector<1024x128xf32> to vector<1x1024x128xf32>
    tpu.vector_store %arg3[%swap3A_502, %swap3A_503, %swap3A_504], %swap3A_507 {strides = array<i32>} : memref<1x25000x128xf32, #tpu.memory_space<vmem>>, vector<1x1024x128xf32>,
    %get3A_508 = arith.constant 0 : index
    %get3A_509 = arith.constant 0 : index
    %get3A_510 = arith.constant 9216 : index
    %get3A_511 = vector.load %arg1[%get3A_508, %get3A_509, %get3A_510] : memref<2x16x100000xf32, #tpu.memory_space<vmem>>, vector<2x16x1024xf32>
    %get3A_512 = arith.constant 0 : index
    %get3A_513 = arith.constant 0 : index
    %get3A_514 = arith.constant 21716 : index
    %get3A_515 = vector.load %arg1[%get3A_512, %get3A_513, %get3A_514] : memref<2x16x100000xf32, #tpu.memory_space<vmem>>, vector<2x16x1024xf32>
    %get3A_516 = arith.constant 0 : index
    %get3A_517 = arith.constant 0 : index
    %get3A_518 = arith.constant 34216 : index
    %get3A_519 = vector.load %arg1[%get3A_516, %get3A_517, %get3A_518] : memref<2x16x100000xf32, #tpu.memory_space<vmem>>, vector<2x16x1024xf32>
    %get3A_520 = arith.constant 0 : index
    %get3A_521 = arith.constant 0 : index
    %get3A_522 = arith.constant 46716 : index
    %get3A_523 = vector.load %arg1[%get3A_520, %get3A_521, %get3A_522] : memref<2x16x100000xf32, #tpu.memory_space<vmem>>, vector<2x16x1024xf32>
    %get3A_524 = arith.constant 0 : index
    %get3A_525 = arith.constant 0 : index
    %get3A_526 = arith.constant 59216 : index
    %get3A_527 = vector.load %arg1[%get3A_524, %get3A_525, %get3A_526] : memref<2x16x100000xf32, #tpu.memory_space<vmem>>, vector<2x16x1024xf32>
    %get3A_528 = arith.constant 0 : index
    %get3A_529 = arith.constant 0 : index
    %get3A_530 = arith.constant 71716 : index
    %get3A_531 = vector.load %arg1[%get3A_528, %get3A_529, %get3A_530] : memref<2x16x100000xf32, #tpu.memory_space<vmem>>, vector<2x16x1024xf32>
    %get3A_532 = arith.constant 0 : index
    %get3A_533 = arith.constant 0 : index
    %get3A_534 = arith.constant 84216 : index
    %get3A_535 = vector.load %arg1[%get3A_532, %get3A_533, %get3A_534] : memref<2x16x100000xf32, #tpu.memory_space<vmem>>, vector<2x16x1024xf32>
    %get3A_536 = arith.constant 0 : index
    %get3A_537 = arith.constant 0 : index
    %get3A_538 = arith.constant 96716 : index
    %get3A_539 = vector.load %arg1[%get3A_536, %get3A_537, %get3A_538] : memref<2x16x100000xf32, #tpu.memory_space<vmem>>, vector<2x16x1024xf32>
    %concatenate3A_540 = tpu.concatenate %get3A_511, %get3A_515, %get3A_519, %get3A_523, %get3A_527, %get3A_531, %get3A_535, %get3A_539 in 0 : vector<2x16x1024xf32>, vector<2x16x1024xf32>, vector<2x16x1024xf32>, vector<2x16x1024xf32>, vector<2x16x1024xf32>, vector<2x16x1024xf32>, vector<2x16x1024xf32>, vector<2x16x1024xf32> -> vector<16x16x1024xf32>
    %reshape3A_541 = vector.shape_cast %concatenate3A_540 : vector<16x16x1024xf32> to vector<256x1024xf32>
    %convert_element_type3A_542 = arith.truncf %reshape3A_541 : vector<256x1024xf32> to vector<256x1024xbf16>
    %convert_element_type3A_543 = arith.extf %convert_element_type3A_542 : vector<256x1024xbf16> to vector<256x1024xf32>
    %sub3A_544 = arith.subf %reshape3A_541, %convert_element_type3A_543 : vector<256x1024xf32>
    %convert_element_type3A_545 = arith.truncf %sub3A_544 : vector<256x1024xf32> to vector<256x1024xbf16>
    %dot_general3A_546 = arith.constant dense<0.000000e+00> : vector<1024x256xf32>
    %dot_general3A_547 = tpu.matmul %convert_element_type3A_542, %convert_element_type3A, %dot_general3A_546 {dimension_numbers = #tpu.dot_dimension_numbers<[0], [0], [1], [1], [0, 1, 1, 1], [], []>, transpose_lhs_hint = false} : vector<256x1024xbf16>, vector<256x256xbf16>, vector<1024x256xf32> -> vector<1024x256xf32>
    %dot_general3A_548 = arith.constant dense<0.000000e+00> : vector<1024x256xf32>
    %dot_general3A_549 = tpu.matmul %convert_element_type3A_545, %convert_element_type3A, %dot_general3A_548 {dimension_numbers = #tpu.dot_dimension_numbers<[0], [0], [1], [1], [0, 1, 1, 1], [], []>, transpose_lhs_hint = false} : vector<256x1024xbf16>, vector<256x256xbf16>, vector<1024x256xf32> -> vector<1024x256xf32>
    %add3A_550 = arith.addf %dot_general3A_547, %dot_general3A_549 : vector<1024x256xf32>
    %slice3A_551 = vector.extract_strided_slice %add3A_550 {offsets = [0, 0], sizes = [1024, 128], strides = [1, 1]} : vector<1024x256xf32> to vector<1024x128xf32>
    %swap3A_552 = arith.constant 0 : index
    %swap3A_553 = arith.constant 9216 : index
    %swap3A_554 = arith.constant 0 : index
    %swap3A_555 = vector.load %arg3[%swap3A_552, %swap3A_553, %swap3A_554] : memref<1x25000x128xf32, #tpu.memory_space<vmem>>, vector<1x1024x128xf32>
    %swap3A_556 = vector.shape_cast %swap3A_555 : vector<1x1024x128xf32> to vector<1024x128xf32>
    %swap3A_557 = vector.shape_cast %slice3A_551 : vector<1024x128xf32> to vector<1x1024x128xf32>
    tpu.vector_store %arg3[%swap3A_552, %swap3A_553, %swap3A_554], %swap3A_557 {strides = array<i32>} : memref<1x25000x128xf32, #tpu.memory_space<vmem>>, vector<1x1024x128xf32>,
    %slice3A_558 = vector.extract_strided_slice %add3A_550 {offsets = [0, 128], sizes = [1024, 128], strides = [1, 1]} : vector<1024x256xf32> to vector<1024x128xf32>
    %swap3A_559 = arith.constant 0 : index
    %swap3A_560 = arith.constant 21716 : index
    %swap3A_561 = arith.constant 0 : index
    %swap3A_562 = vector.load %arg3[%swap3A_559, %swap3A_560, %swap3A_561] : memref<1x25000x128xf32, #tpu.memory_space<vmem>>, vector<1x1024x128xf32>
    %swap3A_563 = vector.shape_cast %swap3A_562 : vector<1x1024x128xf32> to vector<1024x128xf32>
    %swap3A_564 = vector.shape_cast %slice3A_558 : vector<1024x128xf32> to vector<1x1024x128xf32>
    tpu.vector_store %arg3[%swap3A_559, %swap3A_560, %swap3A_561], %swap3A_564 {strides = array<i32>} : memref<1x25000x128xf32, #tpu.memory_space<vmem>>, vector<1x1024x128xf32>,
    %get3A_565 = arith.constant 0 : index
    %get3A_566 = arith.constant 0 : index
    %get3A_567 = arith.constant 10240 : index
    %get3A_568 = vector.load %arg1[%get3A_565, %get3A_566, %get3A_567] : memref<2x16x100000xf32, #tpu.memory_space<vmem>>, vector<2x16x1024xf32>
    %get3A_569 = arith.constant 0 : index
    %get3A_570 = arith.constant 0 : index
    %get3A_571 = arith.constant 22740 : index
    %get3A_572 = vector.load %arg1[%get3A_569, %get3A_570, %get3A_571] : memref<2x16x100000xf32, #tpu.memory_space<vmem>>, vector<2x16x1024xf32>
    %get3A_573 = arith.constant 0 : index
    %get3A_574 = arith.constant 0 : index
    %get3A_575 = arith.constant 35240 : index
    %get3A_576 = vector.load %arg1[%get3A_573, %get3A_574, %get3A_575] : memref<2x16x100000xf32, #tpu.memory_space<vmem>>, vector<2x16x1024xf32>
    %get3A_577 = arith.constant 0 : index
    %get3A_578 = arith.constant 0 : index
    %get3A_579 = arith.constant 47740 : index
    %get3A_580 = vector.load %arg1[%get3A_577, %get3A_578, %get3A_579] : memref<2x16x100000xf32, #tpu.memory_space<vmem>>, vector<2x16x1024xf32>
    %get3A_581 = arith.constant 0 : index
    %get3A_582 = arith.constant 0 : index
    %get3A_583 = arith.constant 60240 : index
    %get3A_584 = vector.load %arg1[%get3A_581, %get3A_582, %get3A_583] : memref<2x16x100000xf32, #tpu.memory_space<vmem>>, vector<2x16x1024xf32>
    %get3A_585 = arith.constant 0 : index
    %get3A_586 = arith.constant 0 : index
    %get3A_587 = arith.constant 72740 : index
    %get3A_588 = vector.load %arg1[%get3A_585, %get3A_586, %get3A_587] : memref<2x16x100000xf32, #tpu.memory_space<vmem>>, vector<2x16x1024xf32>
    %get3A_589 = arith.constant 0 : index
    %get3A_590 = arith.constant 0 : index
    %get3A_591 = arith.constant 85240 : index
    %get3A_592 = vector.load %arg1[%get3A_589, %get3A_590, %get3A_591] : memref<2x16x100000xf32, #tpu.memory_space<vmem>>, vector<2x16x1024xf32>
    %get3A_593 = arith.constant 0 : index
    %get3A_594 = arith.constant 0 : index
    %get3A_595 = arith.constant 97740 : index
    %get3A_596 = vector.load %arg1[%get3A_593, %get3A_594, %get3A_595] : memref<2x16x100000xf32, #tpu.memory_space<vmem>>, vector<2x16x1024xf32>
    %concatenate3A_597 = tpu.concatenate %get3A_568, %get3A_572, %get3A_576, %get3A_580, %get3A_584, %get3A_588, %get3A_592, %get3A_596 in 0 : vector<2x16x1024xf32>, vector<2x16x1024xf32>, vector<2x16x1024xf32>, vector<2x16x1024xf32>, vector<2x16x1024xf32>, vector<2x16x1024xf32>, vector<2x16x1024xf32>, vector<2x16x1024xf32> -> vector<16x16x1024xf32>
    %reshape3A_598 = vector.shape_cast %concatenate3A_597 : vector<16x16x1024xf32> to vector<256x1024xf32>
    %convert_element_type3A_599 = arith.truncf %reshape3A_598 : vector<256x1024xf32> to vector<256x1024xbf16>
    %convert_element_type3A_600 = arith.extf %convert_element_type3A_599 : vector<256x1024xbf16> to vector<256x1024xf32>
    %sub3A_601 = arith.subf %reshape3A_598, %convert_element_type3A_600 : vector<256x1024xf32>
    %convert_element_type3A_602 = arith.truncf %sub3A_601 : vector<256x1024xf32> to vector<256x1024xbf16>
    %dot_general3A_603 = arith.constant dense<0.000000e+00> : vector<1024x256xf32>
    %dot_general3A_604 = tpu.matmul %convert_element_type3A_599, %convert_element_type3A, %dot_general3A_603 {dimension_numbers = #tpu.dot_dimension_numbers<[0], [0], [1], [1], [0, 1, 1, 1], [], []>, transpose_lhs_hint = false} : vector<256x1024xbf16>, vector<256x256xbf16>, vector<1024x256xf32> -> vector<1024x256xf32>
    %dot_general3A_605 = arith.constant dense<0.000000e+00> : vector<1024x256xf32>
    %dot_general3A_606 = tpu.matmul %convert_element_type3A_602, %convert_element_type3A, %dot_general3A_605 {dimension_numbers = #tpu.dot_dimension_numbers<[0], [0], [1], [1], [0, 1, 1, 1], [], []>, transpose_lhs_hint = false} : vector<256x1024xbf16>, vector<256x256xbf16>, vector<1024x256xf32> -> vector<1024x256xf32>
    %add3A_607 = arith.addf %dot_general3A_604, %dot_general3A_606 : vector<1024x256xf32>
    %slice3A_608 = vector.extract_strided_slice %add3A_607 {offsets = [0, 0], sizes = [1024, 128], strides = [1, 1]} : vector<1024x256xf32> to vector<1024x128xf32>
    %swap3A_609 = arith.constant 0 : index
    %swap3A_610 = arith.constant 10240 : index
    %swap3A_611 = arith.constant 0 : index
    %swap3A_612 = vector.load %arg3[%swap3A_609, %swap3A_610, %swap3A_611] : memref<1x25000x128xf32, #tpu.memory_space<vmem>>, vector<1x1024x128xf32>
    %swap3A_613 = vector.shape_cast %swap3A_612 : vector<1x1024x128xf32> to vector<1024x128xf32>
    %swap3A_614 = vector.shape_cast %slice3A_608 : vector<1024x128xf32> to vector<1x1024x128xf32>
    tpu.vector_store %arg3[%swap3A_609, %swap3A_610, %swap3A_611], %swap3A_614 {strides = array<i32>} : memref<1x25000x128xf32, #tpu.memory_space<vmem>>, vector<1x1024x128xf32>,
    %slice3A_615 = vector.extract_strided_slice %add3A_607 {offsets = [0, 128], sizes = [1024, 128], strides = [1, 1]} : vector<1024x256xf32> to vector<1024x128xf32>
    %swap3A_616 = arith.constant 0 : index
    %swap3A_617 = arith.constant 22740 : index
    %swap3A_618 = arith.constant 0 : index
    %swap3A_619 = vector.load %arg3[%swap3A_616, %swap3A_617, %swap3A_618] : memref<1x25000x128xf32, #tpu.memory_space<vmem>>, vector<1x1024x128xf32>
    %swap3A_620 = vector.shape_cast %swap3A_619 : vector<1x1024x128xf32> to vector<1024x128xf32>
    %swap3A_621 = vector.shape_cast %slice3A_615 : vector<1024x128xf32> to vector<1x1024x128xf32>
    tpu.vector_store %arg3[%swap3A_616, %swap3A_617, %swap3A_618], %swap3A_621 {strides = array<i32>} : memref<1x25000x128xf32, #tpu.memory_space<vmem>>, vector<1x1024x128xf32>,
    %get3A_622 = arith.constant 0 : index
    %get3A_623 = arith.constant 0 : index
    %get3A_624 = arith.constant 11264 : index
    %get3A_625 = vector.load %arg1[%get3A_622, %get3A_623, %get3A_624] : memref<2x16x100000xf32, #tpu.memory_space<vmem>>, vector<2x16x1024xf32>
    %get3A_626 = arith.constant 0 : index
    %get3A_627 = arith.constant 0 : index
    %get3A_628 = arith.constant 23764 : index
    %get3A_629 = vector.load %arg1[%get3A_626, %get3A_627, %get3A_628] : memref<2x16x100000xf32, #tpu.memory_space<vmem>>, vector<2x16x1024xf32>
    %get3A_630 = arith.constant 0 : index
    %get3A_631 = arith.constant 0 : index
    %get3A_632 = arith.constant 36264 : index
    %get3A_633 = vector.load %arg1[%get3A_630, %get3A_631, %get3A_632] : memref<2x16x100000xf32, #tpu.memory_space<vmem>>, vector<2x16x1024xf32>
    %get3A_634 = arith.constant 0 : index
    %get3A_635 = arith.constant 0 : index
    %get3A_636 = arith.constant 48764 : index
    %get3A_637 = vector.load %arg1[%get3A_634, %get3A_635, %get3A_636] : memref<2x16x100000xf32, #tpu.memory_space<vmem>>, vector<2x16x1024xf32>
    %get3A_638 = arith.constant 0 : index
    %get3A_639 = arith.constant 0 : index
    %get3A_640 = arith.constant 61264 : index
    %get3A_641 = vector.load %arg1[%get3A_638, %get3A_639, %get3A_640] : memref<2x16x100000xf32, #tpu.memory_space<vmem>>, vector<2x16x1024xf32>
    %get3A_642 = arith.constant 0 : index
    %get3A_643 = arith.constant 0 : index
    %get3A_644 = arith.constant 73764 : index
    %get3A_645 = vector.load %arg1[%get3A_642, %get3A_643, %get3A_644] : memref<2x16x100000xf32, #tpu.memory_space<vmem>>, vector<2x16x1024xf32>
    %get3A_646 = arith.constant 0 : index
    %get3A_647 = arith.constant 0 : index
    %get3A_648 = arith.constant 86264 : index
    %get3A_649 = vector.load %arg1[%get3A_646, %get3A_647, %get3A_648] : memref<2x16x100000xf32, #tpu.memory_space<vmem>>, vector<2x16x1024xf32>
    %get3A_650 = arith.constant 0 : index
    %get3A_651 = arith.constant 0 : index
    %get3A_652 = arith.constant 98764 : index
    %get3A_653 = vector.load %arg1[%get3A_650, %get3A_651, %get3A_652] : memref<2x16x100000xf32, #tpu.memory_space<vmem>>, vector<2x16x1024xf32>
    %concatenate3A_654 = tpu.concatenate %get3A_625, %get3A_629, %get3A_633, %get3A_637, %get3A_641, %get3A_645, %get3A_649, %get3A_653 in 0 : vector<2x16x1024xf32>, vector<2x16x1024xf32>, vector<2x16x1024xf32>, vector<2x16x1024xf32>, vector<2x16x1024xf32>, vector<2x16x1024xf32>, vector<2x16x1024xf32>, vector<2x16x1024xf32> -> vector<16x16x1024xf32>
    %reshape3A_655 = vector.shape_cast %concatenate3A_654 : vector<16x16x1024xf32> to vector<256x1024xf32>
    %convert_element_type3A_656 = arith.truncf %reshape3A_655 : vector<256x1024xf32> to vector<256x1024xbf16>
    %convert_element_type3A_657 = arith.extf %convert_element_type3A_656 : vector<256x1024xbf16> to vector<256x1024xf32>
    %sub3A_658 = arith.subf %reshape3A_655, %convert_element_type3A_657 : vector<256x1024xf32>
    %convert_element_type3A_659 = arith.truncf %sub3A_658 : vector<256x1024xf32> to vector<256x1024xbf16>
    %dot_general3A_660 = arith.constant dense<0.000000e+00> : vector<1024x256xf32>
    %dot_general3A_661 = tpu.matmul %convert_element_type3A_656, %convert_element_type3A, %dot_general3A_660 {dimension_numbers = #tpu.dot_dimension_numbers<[0], [0], [1], [1], [0, 1, 1, 1], [], []>, transpose_lhs_hint = false} : vector<256x1024xbf16>, vector<256x256xbf16>, vector<1024x256xf32> -> vector<1024x256xf32>
    %dot_general3A_662 = arith.constant dense<0.000000e+00> : vector<1024x256xf32>
    %dot_general3A_663 = tpu.matmul %convert_element_type3A_659, %convert_element_type3A, %dot_general3A_662 {dimension_numbers = #tpu.dot_dimension_numbers<[0], [0], [1], [1], [0, 1, 1, 1], [], []>, transpose_lhs_hint = false} : vector<256x1024xbf16>, vector<256x256xbf16>, vector<1024x256xf32> -> vector<1024x256xf32>
    %add3A_664 = arith.addf %dot_general3A_661, %dot_general3A_663 : vector<1024x256xf32>
    %slice3A_665 = vector.extract_strided_slice %add3A_664 {offsets = [0, 0], sizes = [1024, 128], strides = [1, 1]} : vector<1024x256xf32> to vector<1024x128xf32>
    %swap3A_666 = arith.constant 0 : index
    %swap3A_667 = arith.constant 11264 : index
    %swap3A_668 = arith.constant 0 : index
    %swap3A_669 = vector.load %arg3[%swap3A_666, %swap3A_667, %swap3A_668] : memref<1x25000x128xf32, #tpu.memory_space<vmem>>, vector<1x1024x128xf32>
    %swap3A_670 = vector.shape_cast %swap3A_669 : vector<1x1024x128xf32> to vector<1024x128xf32>
    %swap3A_671 = vector.shape_cast %slice3A_665 : vector<1024x128xf32> to vector<1x1024x128xf32>
    tpu.vector_store %arg3[%swap3A_666, %swap3A_667, %swap3A_668], %swap3A_671 {strides = array<i32>} : memref<1x25000x128xf32, #tpu.memory_space<vmem>>, vector<1x1024x128xf32>,
    %slice3A_672 = vector.extract_strided_slice %add3A_664 {offsets = [0, 128], sizes = [1024, 128], strides = [1, 1]} : vector<1024x256xf32> to vector<1024x128xf32>
    %swap3A_673 = arith.constant 0 : index
    %swap3A_674 = arith.constant 23764 : index
    %swap3A_675 = arith.constant 0 : index
    %swap3A_676 = vector.load %arg3[%swap3A_673, %swap3A_674, %swap3A_675] : memref<1x25000x128xf32, #tpu.memory_space<vmem>>, vector<1x1024x128xf32>
    %swap3A_677 = vector.shape_cast %swap3A_676 : vector<1x1024x128xf32> to vector<1024x128xf32>
    %swap3A_678 = vector.shape_cast %slice3A_672 : vector<1024x128xf32> to vector<1x1024x128xf32>
    tpu.vector_store %arg3[%swap3A_673, %swap3A_674, %swap3A_675], %swap3A_678 {strides = array<i32>} : memref<1x25000x128xf32, #tpu.memory_space<vmem>>, vector<1x1024x128xf32>,
    %get3A_679 = arith.constant 0 : index
    %get3A_680 = arith.constant 0 : index
    %get3A_681 = arith.constant 12288 : index
    %get3A_682 = vector.load %arg1[%get3A_679, %get3A_680, %get3A_681] : memref<2x16x100000xf32, #tpu.memory_space<vmem>>, vector<2x16x212xf32>
    %get3A_683 = arith.constant 0 : index
    %get3A_684 = arith.constant 0 : index
    %get3A_685 = arith.constant 24788 : index
    %get3A_686 = vector.load %arg1[%get3A_683, %get3A_684, %get3A_685] : memref<2x16x100000xf32, #tpu.memory_space<vmem>>, vector<2x16x212xf32>
    %get3A_687 = arith.constant 0 : index
    %get3A_688 = arith.constant 0 : index
    %get3A_689 = arith.constant 37288 : index
    %get3A_690 = vector.load %arg1[%get3A_687, %get3A_688, %get3A_689] : memref<2x16x100000xf32, #tpu.memory_space<vmem>>, vector<2x16x212xf32>
    %get3A_691 = arith.constant 0 : index
    %get3A_692 = arith.constant 0 : index
    %get3A_693 = arith.constant 49788 : index
    %get3A_694 = vector.load %arg1[%get3A_691, %get3A_692, %get3A_693] : memref<2x16x100000xf32, #tpu.memory_space<vmem>>, vector<2x16x212xf32>
    %get3A_695 = arith.constant 0 : index
    %get3A_696 = arith.constant 0 : index
    %get3A_697 = arith.constant 62288 : index
    %get3A_698 = vector.load %arg1[%get3A_695, %get3A_696, %get3A_697] : memref<2x16x100000xf32, #tpu.memory_space<vmem>>, vector<2x16x212xf32>
    %get3A_699 = arith.constant 0 : index
    %get3A_700 = arith.constant 0 : index
    %get3A_701 = arith.constant 74788 : index
    %get3A_702 = vector.load %arg1[%get3A_699, %get3A_700, %get3A_701] : memref<2x16x100000xf32, #tpu.memory_space<vmem>>, vector<2x16x212xf32>
    %get3A_703 = arith.constant 0 : index
    %get3A_704 = arith.constant 0 : index
    %get3A_705 = arith.constant 87288 : index
    %get3A_706 = vector.load %arg1[%get3A_703, %get3A_704, %get3A_705] : memref<2x16x100000xf32, #tpu.memory_space<vmem>>, vector<2x16x212xf32>
    %get3A_707 = arith.constant 0 : index
    %get3A_708 = arith.constant 0 : index
    %get3A_709 = arith.constant 99788 : index
    %get3A_710 = vector.load %arg1[%get3A_707, %get3A_708, %get3A_709] : memref<2x16x100000xf32, #tpu.memory_space<vmem>>, vector<2x16x212xf32>
    %concatenate3A_711 = tpu.concatenate %get3A_682, %get3A_686, %get3A_690, %get3A_694, %get3A_698, %get3A_702, %get3A_706, %get3A_710 in 0 : vector<2x16x212xf32>, vector<2x16x212xf32>, vector<2x16x212xf32>, vector<2x16x212xf32>, vector<2x16x212xf32>, vector<2x16x212xf32>, vector<2x16x212xf32>, vector<2x16x212xf32> -> vector<16x16x212xf32>
    %reshape3A_712 = vector.shape_cast %concatenate3A_711 : vector<16x16x212xf32> to vector<256x212xf32>
    %convert_element_type3A_713 = arith.truncf %reshape3A_712 : vector<256x212xf32> to vector<256x212xbf16>
    %convert_element_type3A_714 = arith.extf %convert_element_type3A_713 : vector<256x212xbf16> to vector<256x212xf32>
    %sub3A_715 = arith.subf %reshape3A_712, %convert_element_type3A_714 : vector<256x212xf32>
    %convert_element_type3A_716 = arith.truncf %sub3A_715 : vector<256x212xf32> to vector<256x212xbf16>
    %dot_general3A_717 = arith.constant dense<0.000000e+00> : vector<212x256xf32>
    %dot_general3A_718 = tpu.matmul %convert_element_type3A_713, %convert_element_type3A, %dot_general3A_717 {dimension_numbers = #tpu.dot_dimension_numbers<[0], [0], [1], [1], [0, 1, 1, 1], [], []>, transpose_lhs_hint = false} : vector<256x212xbf16>, vector<256x256xbf16>, vector<212x256xf32> -> vector<212x256xf32>
    %dot_general3A_719 = arith.constant dense<0.000000e+00> : vector<212x256xf32>
    %dot_general3A_720 = tpu.matmul %convert_element_type3A_716, %convert_element_type3A, %dot_general3A_719 {dimension_numbers = #tpu.dot_dimension_numbers<[0], [0], [1], [1], [0, 1, 1, 1], [], []>, transpose_lhs_hint = false} : vector<256x212xbf16>, vector<256x256xbf16>, vector<212x256xf32> -> vector<212x256xf32>
    %add3A_721 = arith.addf %dot_general3A_718, %dot_general3A_720 : vector<212x256xf32>
    %slice3A_722 = vector.extract_strided_slice %add3A_721 {offsets = [0, 0], sizes = [212, 128], strides = [1, 1]} : vector<212x256xf32> to vector<212x128xf32>
    %swap3A_723 = arith.constant 0 : index
    %swap3A_724 = arith.constant 12288 : index
    %swap3A_725 = arith.constant 0 : index
    %swap3A_726 = vector.load %arg3[%swap3A_723, %swap3A_724, %swap3A_725] : memref<1x25000x128xf32, #tpu.memory_space<vmem>>, vector<1x212x128xf32>
    %swap3A_727 = vector.shape_cast %swap3A_726 : vector<1x212x128xf32> to vector<212x128xf32>
    %swap3A_728 = vector.shape_cast %slice3A_722 : vector<212x128xf32> to vector<1x212x128xf32>
    tpu.vector_store %arg3[%swap3A_723, %swap3A_724, %swap3A_725], %swap3A_728 {strides = array<i32>} : memref<1x25000x128xf32, #tpu.memory_space<vmem>>, vector<1x212x128xf32>,
    %slice3A_729 = vector.extract_strided_slice %add3A_721 {offsets = [0, 128], sizes = [212, 128], strides = [1, 1]} : vector<212x256xf32> to vector<212x128xf32>
    %swap3A_730 = arith.constant 0 : index
    %swap3A_731 = arith.constant 24788 : index
    %swap3A_732 = arith.constant 0 : index
    %swap3A_733 = vector.load %arg3[%swap3A_730, %swap3A_731, %swap3A_732] : memref<1x25000x128xf32, #tpu.memory_space<vmem>>, vector<1x212x128xf32>
    %swap3A_734 = vector.shape_cast %swap3A_733 : vector<1x212x128xf32> to vector<212x128xf32>
    %swap3A_735 = vector.shape_cast %slice3A_729 : vector<212x128xf32> to vector<1x212x128xf32>
    tpu.vector_store %arg3[%swap3A_730, %swap3A_731, %swap3A_732], %swap3A_735 {strides = array<i32>} : memref<1x25000x128xf32, #tpu.memory_space<vmem>>, vector<1x212x128xf32>,
    return
  }
  func.func @transform_0(%arg0: i32) -> (i32, i32, i32) {
    %add3A = arith.constant 6 : i32
    %add3A_0 = arith.addi %add3A, %arg0 : i32
    %c0_i32 = arith.constant 0 : i32
    %c0_i32_1 = arith.constant 0 : i32
    %c0_i32_2 = arith.constant 0 : i32
    return %add3A_0, %c0_i32, %c0_i32_1 : i32, i32, i32
  }
  func.func @transform_1(%arg0: i32) -> (i32, i32) {
    %c0_i32 = arith.constant 0 : i32
    %c0_i32_0 = arith.constant 0 : i32
    %c0_i32_1 = arith.constant 0 : i32
    return %c0_i32, %c0_i32_0 : i32, i32
  }
  func.func @transform_2(%arg0: i32) -> (i32, i32, i32) {
    %c0_i32 = arith.constant 0 : i32
    %c0_i32_0 = arith.constant 0 : i32
    %c0_i32_1 = arith.constant 0 : i32
    return %arg0, %c0_i32, %c0_i32_0 : i32, i32, i32
  }
}

module attributes {stable_mosaic.version = 14 : i64} {
  func.func @_tr_body(%arg0: i32, %arg1: memref<2x16x100000xf32, #tpu.memory_space<vmem>>, %arg2: memref<256x256xf32, #tpu.memory_space<vmem>>, %arg3: memref<1x25000x128xf32, #tpu.memory_space<vmem>>) attributes {dimension_semantics = [#tpu.dimension_semantics<arbitrary>], iteration_bounds = array<i64: 6>, scalar_prefetch = 0 : i64, scratch_operands = 0 : i64, tpu.core_type = #tpu.core_type<tc>, window_params = [{transform_indices = @transform_0, window_bounds = array<i64: 2, 16, 100000>}, {pipeline_mode = #tpu.pipeline_mode<synchronous>, transform_indices = @transform_1, window_bounds = array<i64: 256, 256>}, {transform_indices = @transform_2, window_bounds = array<i64: 1, 25000, 128>}]} {
    %get3A = arith.constant 0 : index
    %get3A_0 = arith.constant 0 : index
    %get3A_1 = vector.load %arg2[%get3A, %get3A_0] : memref<256x256xf32, #tpu.memory_space<vmem>>, vector<256x256xf32>
    %convert_element_type3A = arith.truncf %get3A_1 : vector<256x256xf32> to vector<256x256xbf16>
    %get3A_2 = arith.constant 0 : index
    %get3A_3 = arith.constant 0 : index
    %get3A_4 = arith.constant 0 : index
    %get3A_5 = vector.load %arg1[%get3A_2, %get3A_3, %get3A_4] : memref<2x16x100000xf32, #tpu.memory_space<vmem>>, vector<2x16x1024xf32>
    %get3A_6 = arith.constant 0 : index
    %get3A_7 = arith.constant 0 : index
    %get3A_8 = arith.constant 12500 : index
    %get3A_9 = vector.load %arg1[%get3A_6, %get3A_7, %get3A_8] : memref<2x16x100000xf32, #tpu.memory_space<vmem>>, vector<2x16x1024xf32>
    %get3A_10 = arith.constant 0 : index
    %get3A_11 = arith.constant 0 : index
    %get3A_12 = arith.constant 25000 : index
    %get3A_13 = vector.load %arg1[%get3A_10, %get3A_11, %get3A_12] : memref<2x16x100000xf32, #tpu.memory_space<vmem>>, vector<2x16x1024xf32>
    %get3A_14 = arith.constant 0 : index
    %get3A_15 = arith.constant 0 : index
    %get3A_16 = arith.constant 37500 : index
    %get3A_17 = vector.load %arg1[%get3A_14, %get3A_15, %get3A_16] : memref<2x16x100000xf32, #tpu.memory_space<vmem>>, vector<2x16x1024xf32>
    %get3A_18 = arith.constant 0 : index
    %get3A_19 = arith.constant 0 : index
    %get3A_20 = arith.constant 50000 : index
    %get3A_21 = vector.load %arg1[%get3A_18, %get3A_19, %get3A_20] : memref<2x16x100000xf32, #tpu.memory_space<vmem>>, vector<2x16x1024xf32>
    %get3A_22 = arith.constant 0 : index
    %get3A_23 = arith.constant 0 : index
    %get3A_24 = arith.constant 62500 : index
    %get3A_25 = vector.load %arg1[%get3A_22, %get3A_23, %get3A_24] : memref<2x16x100000xf32, #tpu.memory_space<vmem>>, vector<2x16x1024xf32>
    %get3A_26 = arith.constant 0 : index
    %get3A_27 = arith.constant 0 : index
    %get3A_28 = arith.constant 75000 : index
    %get3A_29 = vector.load %arg1[%get3A_26, %get3A_27, %get3A_28] : memref<2x16x100000xf32, #tpu.memory_space<vmem>>, vector<2x16x1024xf32>
    %get3A_30 = arith.constant 0 : index
    %get3A_31 = arith.constant 0 : index
    %get3A_32 = arith.constant 87500 : index
    %get3A_33 = vector.load %arg1[%get3A_30, %get3A_31, %get3A_32] : memref<2x16x100000xf32, #tpu.memory_space<vmem>>, vector<2x16x1024xf32>
    %concatenate3A = tpu.concatenate %get3A_5, %get3A_9, %get3A_13, %get3A_17, %get3A_21, %get3A_25, %get3A_29, %get3A_33 in 0 : vector<2x16x1024xf32>, vector<2x16x1024xf32>, vector<2x16x1024xf32>, vector<2x16x1024xf32>, vector<2x16x1024xf32>, vector<2x16x1024xf32>, vector<2x16x1024xf32>, vector<2x16x1024xf32> -> vector<16x16x1024xf32>
    %reshape3A = vector.shape_cast %concatenate3A : vector<16x16x1024xf32> to vector<256x1024xf32>
    %convert_element_type3A_34 = arith.truncf %reshape3A : vector<256x1024xf32> to vector<256x1024xbf16>
    %convert_element_type3A_35 = arith.extf %convert_element_type3A_34 : vector<256x1024xbf16> to vector<256x1024xf32>
    %sub3A = arith.subf %reshape3A, %convert_element_type3A_35 : vector<256x1024xf32>
    %convert_element_type3A_36 = arith.truncf %sub3A : vector<256x1024xf32> to vector<256x1024xbf16>
    %dot_general3A = arith.constant dense<0.000000e+00> : vector<1024x256xf32>
    %dot_general3A_37 = tpu.matmul %convert_element_type3A_34, %convert_element_type3A, %dot_general3A {dimension_numbers = #tpu.dot_dimension_numbers<[0], [0], [1], [1], [0, 1, 1, 1], [], []>, transpose_lhs_hint = false} : vector<256x1024xbf16>, vector<256x256xbf16>, vector<1024x256xf32> -> vector<1024x256xf32>
    %dot_general3A_38 = arith.constant dense<0.000000e+00> : vector<1024x256xf32>
    %dot_general3A_39 = tpu.matmul %convert_element_type3A_36, %convert_element_type3A, %dot_general3A_38 {dimension_numbers = #tpu.dot_dimension_numbers<[0], [0], [1], [1], [0, 1, 1, 1], [], []>, transpose_lhs_hint = false} : vector<256x1024xbf16>, vector<256x256xbf16>, vector<1024x256xf32> -> vector<1024x256xf32>
    %add3A = arith.addf %dot_general3A_37, %dot_general3A_39 : vector<1024x256xf32>
    %slice3A = vector.extract_strided_slice %add3A {offsets = [0, 0], sizes = [1024, 128], strides = [1, 1]} : vector<1024x256xf32> to vector<1024x128xf32>
    %swap3A = arith.constant 0 : index
    %swap3A_40 = arith.constant 0 : index
    %swap3A_41 = arith.constant 0 : index
    %swap3A_42 = vector.load %arg3[%swap3A, %swap3A_40, %swap3A_41] : memref<1x25000x128xf32, #tpu.memory_space<vmem>>, vector<1x1024x128xf32>
    %swap3A_43 = vector.shape_cast %swap3A_42 : vector<1x1024x128xf32> to vector<1024x128xf32>
    %swap3A_44 = vector.shape_cast %slice3A : vector<1024x128xf32> to vector<1x1024x128xf32>
    tpu.vector_store %arg3[%swap3A, %swap3A_40, %swap3A_41], %swap3A_44 {strides = array<i32>} : memref<1x25000x128xf32, #tpu.memory_space<vmem>>, vector<1x1024x128xf32>,
    %slice3A_45 = vector.extract_strided_slice %add3A {offsets = [0, 128], sizes = [1024, 128], strides = [1, 1]} : vector<1024x256xf32> to vector<1024x128xf32>
    %swap3A_46 = arith.constant 0 : index
    %swap3A_47 = arith.constant 12500 : index
    %swap3A_48 = arith.constant 0 : index
    %swap3A_49 = vector.load %arg3[%swap3A_46, %swap3A_47, %swap3A_48] : memref<1x25000x128xf32, #tpu.memory_space<vmem>>, vector<1x1024x128xf32>
    %swap3A_50 = vector.shape_cast %swap3A_49 : vector<1x1024x128xf32> to vector<1024x128xf32>
    %swap3A_51 = vector.shape_cast %slice3A_45 : vector<1024x128xf32> to vector<1x1024x128xf32>
    tpu.vector_store %arg3[%swap3A_46, %swap3A_47, %swap3A_48], %swap3A_51 {strides = array<i32>} : memref<1x25000x128xf32, #tpu.memory_space<vmem>>, vector<1x1024x128xf32>,
    %get3A_52 = arith.constant 0 : index
    %get3A_53 = arith.constant 0 : index
    %get3A_54 = arith.constant 1024 : index
    %get3A_55 = vector.load %arg1[%get3A_52, %get3A_53, %get3A_54] : memref<2x16x100000xf32, #tpu.memory_space<vmem>>, vector<2x16x1024xf32>
    %get3A_56 = arith.constant 0 : index
    %get3A_57 = arith.constant 0 : index
    %get3A_58 = arith.constant 13524 : index
    %get3A_59 = vector.load %arg1[%get3A_56, %get3A_57, %get3A_58] : memref<2x16x100000xf32, #tpu.memory_space<vmem>>, vector<2x16x1024xf32>
    %get3A_60 = arith.constant 0 : index
    %get3A_61 = arith.constant 0 : index
    %get3A_62 = arith.constant 26024 : index
    %get3A_63 = vector.load %arg1[%get3A_60, %get3A_61, %get3A_62] : memref<2x16x100000xf32, #tpu.memory_space<vmem>>, vector<2x16x1024xf32>
    %get3A_64 = arith.constant 0 : index
    %get3A_65 = arith.constant 0 : index
    %get3A_66 = arith.constant 38524 : index
    %get3A_67 = vector.load %arg1[%get3A_64, %get3A_65, %get3A_66] : memref<2x16x100000xf32, #tpu.memory_space<vmem>>, vector<2x16x1024xf32>
    %get3A_68 = arith.constant 0 : index
    %get3A_69 = arith.constant 0 : index
    %get3A_70 = arith.constant 51024 : index
    %get3A_71 = vector.load %arg1[%get3A_68, %get3A_69, %get3A_70] : memref<2x16x100000xf32, #tpu.memory_space<vmem>>, vector<2x16x1024xf32>
    %get3A_72 = arith.constant 0 : index
    %get3A_73 = arith.constant 0 : index
    %get3A_74 = arith.constant 63524 : index
    %get3A_75 = vector.load %arg1[%get3A_72, %get3A_73, %get3A_74] : memref<2x16x100000xf32, #tpu.memory_space<vmem>>, vector<2x16x1024xf32>
    %get3A_76 = arith.constant 0 : index
    %get3A_77 = arith.constant 0 : index
    %get3A_78 = arith.constant 76024 : index
    %get3A_79 = vector.load %arg1[%get3A_76, %get3A_77, %get3A_78] : memref<2x16x100000xf32, #tpu.memory_space<vmem>>, vector<2x16x1024xf32>
    %get3A_80 = arith.constant 0 : index
    %get3A_81 = arith.constant 0 : index
    %get3A_82 = arith.constant 88524 : index
    %get3A_83 = vector.load %arg1[%get3A_80, %get3A_81, %get3A_82] : memref<2x16x100000xf32, #tpu.memory_space<vmem>>, vector<2x16x1024xf32>
    %concatenate3A_84 = tpu.concatenate %get3A_55, %get3A_59, %get3A_63, %get3A_67, %get3A_71, %get3A_75, %get3A_79, %get3A_83 in 0 : vector<2x16x1024xf32>, vector<2x16x1024xf32>, vector<2x16x1024xf32>, vector<2x16x1024xf32>, vector<2x16x1024xf32>, vector<2x16x1024xf32>, vector<2x16x1024xf32>, vector<2x16x1024xf32> -> vector<16x16x1024xf32>
    %reshape3A_85 = vector.shape_cast %concatenate3A_84 : vector<16x16x1024xf32> to vector<256x1024xf32>
    %convert_element_type3A_86 = arith.truncf %reshape3A_85 : vector<256x1024xf32> to vector<256x1024xbf16>
    %convert_element_type3A_87 = arith.extf %convert_element_type3A_86 : vector<256x1024xbf16> to vector<256x1024xf32>
    %sub3A_88 = arith.subf %reshape3A_85, %convert_element_type3A_87 : vector<256x1024xf32>
    %convert_element_type3A_89 = arith.truncf %sub3A_88 : vector<256x1024xf32> to vector<256x1024xbf16>
    %dot_general3A_90 = arith.constant dense<0.000000e+00> : vector<1024x256xf32>
    %dot_general3A_91 = tpu.matmul %convert_element_type3A_86, %convert_element_type3A, %dot_general3A_90 {dimension_numbers = #tpu.dot_dimension_numbers<[0], [0], [1], [1], [0, 1, 1, 1], [], []>, transpose_lhs_hint = false} : vector<256x1024xbf16>, vector<256x256xbf16>, vector<1024x256xf32> -> vector<1024x256xf32>
    %dot_general3A_92 = arith.constant dense<0.000000e+00> : vector<1024x256xf32>
    %dot_general3A_93 = tpu.matmul %convert_element_type3A_89, %convert_element_type3A, %dot_general3A_92 {dimension_numbers = #tpu.dot_dimension_numbers<[0], [0], [1], [1], [0, 1, 1, 1], [], []>, transpose_lhs_hint = false} : vector<256x1024xbf16>, vector<256x256xbf16>, vector<1024x256xf32> -> vector<1024x256xf32>
    %add3A_94 = arith.addf %dot_general3A_91, %dot_general3A_93 : vector<1024x256xf32>
    %slice3A_95 = vector.extract_strided_slice %add3A_94 {offsets = [0, 0], sizes = [1024, 128], strides = [1, 1]} : vector<1024x256xf32> to vector<1024x128xf32>
    %swap3A_96 = arith.constant 0 : index
    %swap3A_97 = arith.constant 1024 : index
    %swap3A_98 = arith.constant 0 : index
    %swap3A_99 = vector.load %arg3[%swap3A_96, %swap3A_97, %swap3A_98] : memref<1x25000x128xf32, #tpu.memory_space<vmem>>, vector<1x1024x128xf32>
    %swap3A_100 = vector.shape_cast %swap3A_99 : vector<1x1024x128xf32> to vector<1024x128xf32>
    %swap3A_101 = vector.shape_cast %slice3A_95 : vector<1024x128xf32> to vector<1x1024x128xf32>
    tpu.vector_store %arg3[%swap3A_96, %swap3A_97, %swap3A_98], %swap3A_101 {strides = array<i32>} : memref<1x25000x128xf32, #tpu.memory_space<vmem>>, vector<1x1024x128xf32>,
    %slice3A_102 = vector.extract_strided_slice %add3A_94 {offsets = [0, 128], sizes = [1024, 128], strides = [1, 1]} : vector<1024x256xf32> to vector<1024x128xf32>
    %swap3A_103 = arith.constant 0 : index
    %swap3A_104 = arith.constant 13524 : index
    %swap3A_105 = arith.constant 0 : index
    %swap3A_106 = vector.load %arg3[%swap3A_103, %swap3A_104, %swap3A_105] : memref<1x25000x128xf32, #tpu.memory_space<vmem>>, vector<1x1024x128xf32>
    %swap3A_107 = vector.shape_cast %swap3A_106 : vector<1x1024x128xf32> to vector<1024x128xf32>
    %swap3A_108 = vector.shape_cast %slice3A_102 : vector<1024x128xf32> to vector<1x1024x128xf32>
    tpu.vector_store %arg3[%swap3A_103, %swap3A_104, %swap3A_105], %swap3A_108 {strides = array<i32>} : memref<1x25000x128xf32, #tpu.memory_space<vmem>>, vector<1x1024x128xf32>,
    %get3A_109 = arith.constant 0 : index
    %get3A_110 = arith.constant 0 : index
    %get3A_111 = arith.constant 2048 : index
    %get3A_112 = vector.load %arg1[%get3A_109, %get3A_110, %get3A_111] : memref<2x16x100000xf32, #tpu.memory_space<vmem>>, vector<2x16x1024xf32>
    %get3A_113 = arith.constant 0 : index
    %get3A_114 = arith.constant 0 : index
    %get3A_115 = arith.constant 14548 : index
    %get3A_116 = vector.load %arg1[%get3A_113, %get3A_114, %get3A_115] : memref<2x16x100000xf32, #tpu.memory_space<vmem>>, vector<2x16x1024xf32>
    %get3A_117 = arith.constant 0 : index
    %get3A_118 = arith.constant 0 : index
    %get3A_119 = arith.constant 27048 : index
    %get3A_120 = vector.load %arg1[%get3A_117, %get3A_118, %get3A_119] : memref<2x16x100000xf32, #tpu.memory_space<vmem>>, vector<2x16x1024xf32>
    %get3A_121 = arith.constant 0 : index
    %get3A_122 = arith.constant 0 : index
    %get3A_123 = arith.constant 39548 : index
    %get3A_124 = vector.load %arg1[%get3A_121, %get3A_122, %get3A_123] : memref<2x16x100000xf32, #tpu.memory_space<vmem>>, vector<2x16x1024xf32>
    %get3A_125 = arith.constant 0 : index
    %get3A_126 = arith.constant 0 : index
    %get3A_127 = arith.constant 52048 : index
    %get3A_128 = vector.load %arg1[%get3A_125, %get3A_126, %get3A_127] : memref<2x16x100000xf32, #tpu.memory_space<vmem>>, vector<2x16x1024xf32>
    %get3A_129 = arith.constant 0 : index
    %get3A_130 = arith.constant 0 : index
    %get3A_131 = arith.constant 64548 : index
    %get3A_132 = vector.load %arg1[%get3A_129, %get3A_130, %get3A_131] : memref<2x16x100000xf32, #tpu.memory_space<vmem>>, vector<2x16x1024xf32>
    %get3A_133 = arith.constant 0 : index
    %get3A_134 = arith.constant 0 : index
    %get3A_135 = arith.constant 77048 : index
    %get3A_136 = vector.load %arg1[%get3A_133, %get3A_134, %get3A_135] : memref<2x16x100000xf32, #tpu.memory_space<vmem>>, vector<2x16x1024xf32>
    %get3A_137 = arith.constant 0 : index
    %get3A_138 = arith.constant 0 : index
    %get3A_139 = arith.constant 89548 : index
    %get3A_140 = vector.load %arg1[%get3A_137, %get3A_138, %get3A_139] : memref<2x16x100000xf32, #tpu.memory_space<vmem>>, vector<2x16x1024xf32>
    %concatenate3A_141 = tpu.concatenate %get3A_112, %get3A_116, %get3A_120, %get3A_124, %get3A_128, %get3A_132, %get3A_136, %get3A_140 in 0 : vector<2x16x1024xf32>, vector<2x16x1024xf32>, vector<2x16x1024xf32>, vector<2x16x1024xf32>, vector<2x16x1024xf32>, vector<2x16x1024xf32>, vector<2x16x1024xf32>, vector<2x16x1024xf32> -> vector<16x16x1024xf32>
    %reshape3A_142 = vector.shape_cast %concatenate3A_141 : vector<16x16x1024xf32> to vector<256x1024xf32>
    %convert_element_type3A_143 = arith.truncf %reshape3A_142 : vector<256x1024xf32> to vector<256x1024xbf16>
    %convert_element_type3A_144 = arith.extf %convert_element_type3A_143 : vector<256x1024xbf16> to vector<256x1024xf32>
    %sub3A_145 = arith.subf %reshape3A_142, %convert_element_type3A_144 : vector<256x1024xf32>
    %convert_element_type3A_146 = arith.truncf %sub3A_145 : vector<256x1024xf32> to vector<256x1024xbf16>
    %dot_general3A_147 = arith.constant dense<0.000000e+00> : vector<1024x256xf32>
    %dot_general3A_148 = tpu.matmul %convert_element_type3A_143, %convert_element_type3A, %dot_general3A_147 {dimension_numbers = #tpu.dot_dimension_numbers<[0], [0], [1], [1], [0, 1, 1, 1], [], []>, transpose_lhs_hint = false} : vector<256x1024xbf16>, vector<256x256xbf16>, vector<1024x256xf32> -> vector<1024x256xf32>
    %dot_general3A_149 = arith.constant dense<0.000000e+00> : vector<1024x256xf32>
    %dot_general3A_150 = tpu.matmul %convert_element_type3A_146, %convert_element_type3A, %dot_general3A_149 {dimension_numbers = #tpu.dot_dimension_numbers<[0], [0], [1], [1], [0, 1, 1, 1], [], []>, transpose_lhs_hint = false} : vector<256x1024xbf16>, vector<256x256xbf16>, vector<1024x256xf32> -> vector<1024x256xf32>
    %add3A_151 = arith.addf %dot_general3A_148, %dot_general3A_150 : vector<1024x256xf32>
    %slice3A_152 = vector.extract_strided_slice %add3A_151 {offsets = [0, 0], sizes = [1024, 128], strides = [1, 1]} : vector<1024x256xf32> to vector<1024x128xf32>
    %swap3A_153 = arith.constant 0 : index
    %swap3A_154 = arith.constant 2048 : index
    %swap3A_155 = arith.constant 0 : index
    %swap3A_156 = vector.load %arg3[%swap3A_153, %swap3A_154, %swap3A_155] : memref<1x25000x128xf32, #tpu.memory_space<vmem>>, vector<1x1024x128xf32>
    %swap3A_157 = vector.shape_cast %swap3A_156 : vector<1x1024x128xf32> to vector<1024x128xf32>
    %swap3A_158 = vector.shape_cast %slice3A_152 : vector<1024x128xf32> to vector<1x1024x128xf32>
    tpu.vector_store %arg3[%swap3A_153, %swap3A_154, %swap3A_155], %swap3A_158 {strides = array<i32>} : memref<1x25000x128xf32, #tpu.memory_space<vmem>>, vector<1x1024x128xf32>,
    %slice3A_159 = vector.extract_strided_slice %add3A_151 {offsets = [0, 128], sizes = [1024, 128], strides = [1, 1]} : vector<1024x256xf32> to vector<1024x128xf32>
    %swap3A_160 = arith.constant 0 : index
    %swap3A_161 = arith.constant 14548 : index
    %swap3A_162 = arith.constant 0 : index
    %swap3A_163 = vector.load %arg3[%swap3A_160, %swap3A_161, %swap3A_162] : memref<1x25000x128xf32, #tpu.memory_space<vmem>>, vector<1x1024x128xf32>
    %swap3A_164 = vector.shape_cast %swap3A_163 : vector<1x1024x128xf32> to vector<1024x128xf32>
    %swap3A_165 = vector.shape_cast %slice3A_159 : vector<1024x128xf32> to vector<1x1024x128xf32>
    tpu.vector_store %arg3[%swap3A_160, %swap3A_161, %swap3A_162], %swap3A_165 {strides = array<i32>} : memref<1x25000x128xf32, #tpu.memory_space<vmem>>, vector<1x1024x128xf32>,
    %get3A_166 = arith.constant 0 : index
    %get3A_167 = arith.constant 0 : index
    %get3A_168 = arith.constant 3072 : index
    %get3A_169 = vector.load %arg1[%get3A_166, %get3A_167, %get3A_168] : memref<2x16x100000xf32, #tpu.memory_space<vmem>>, vector<2x16x1024xf32>
    %get3A_170 = arith.constant 0 : index
    %get3A_171 = arith.constant 0 : index
    %get3A_172 = arith.constant 15572 : index
    %get3A_173 = vector.load %arg1[%get3A_170, %get3A_171, %get3A_172] : memref<2x16x100000xf32, #tpu.memory_space<vmem>>, vector<2x16x1024xf32>
    %get3A_174 = arith.constant 0 : index
    %get3A_175 = arith.constant 0 : index
    %get3A_176 = arith.constant 28072 : index
    %get3A_177 = vector.load %arg1[%get3A_174, %get3A_175, %get3A_176] : memref<2x16x100000xf32, #tpu.memory_space<vmem>>, vector<2x16x1024xf32>
    %get3A_178 = arith.constant 0 : index
    %get3A_179 = arith.constant 0 : index
    %get3A_180 = arith.constant 40572 : index
    %get3A_181 = vector.load %arg1[%get3A_178, %get3A_179, %get3A_180] : memref<2x16x100000xf32, #tpu.memory_space<vmem>>, vector<2x16x1024xf32>
    %get3A_182 = arith.constant 0 : index
    %get3A_183 = arith.constant 0 : index
    %get3A_184 = arith.constant 53072 : index
    %get3A_185 = vector.load %arg1[%get3A_182, %get3A_183, %get3A_184] : memref<2x16x100000xf32, #tpu.memory_space<vmem>>, vector<2x16x1024xf32>
    %get3A_186 = arith.constant 0 : index
    %get3A_187 = arith.constant 0 : index
    %get3A_188 = arith.constant 65572 : index
    %get3A_189 = vector.load %arg1[%get3A_186, %get3A_187, %get3A_188] : memref<2x16x100000xf32, #tpu.memory_space<vmem>>, vector<2x16x1024xf32>
    %get3A_190 = arith.constant 0 : index
    %get3A_191 = arith.constant 0 : index
    %get3A_192 = arith.constant 78072 : index
    %get3A_193 = vector.load %arg1[%get3A_190, %get3A_191, %get3A_192] : memref<2x16x100000xf32, #tpu.memory_space<vmem>>, vector<2x16x1024xf32>
    %get3A_194 = arith.constant 0 : index
    %get3A_195 = arith.constant 0 : index
    %get3A_196 = arith.constant 90572 : index
    %get3A_197 = vector.load %arg1[%get3A_194, %get3A_195, %get3A_196] : memref<2x16x100000xf32, #tpu.memory_space<vmem>>, vector<2x16x1024xf32>
    %concatenate3A_198 = tpu.concatenate %get3A_169, %get3A_173, %get3A_177, %get3A_181, %get3A_185, %get3A_189, %get3A_193, %get3A_197 in 0 : vector<2x16x1024xf32>, vector<2x16x1024xf32>, vector<2x16x1024xf32>, vector<2x16x1024xf32>, vector<2x16x1024xf32>, vector<2x16x1024xf32>, vector<2x16x1024xf32>, vector<2x16x1024xf32> -> vector<16x16x1024xf32>
    %reshape3A_199 = vector.shape_cast %concatenate3A_198 : vector<16x16x1024xf32> to vector<256x1024xf32>
    %convert_element_type3A_200 = arith.truncf %reshape3A_199 : vector<256x1024xf32> to vector<256x1024xbf16>
    %convert_element_type3A_201 = arith.extf %convert_element_type3A_200 : vector<256x1024xbf16> to vector<256x1024xf32>
    %sub3A_202 = arith.subf %reshape3A_199, %convert_element_type3A_201 : vector<256x1024xf32>
    %convert_element_type3A_203 = arith.truncf %sub3A_202 : vector<256x1024xf32> to vector<256x1024xbf16>
    %dot_general3A_204 = arith.constant dense<0.000000e+00> : vector<1024x256xf32>
    %dot_general3A_205 = tpu.matmul %convert_element_type3A_200, %convert_element_type3A, %dot_general3A_204 {dimension_numbers = #tpu.dot_dimension_numbers<[0], [0], [1], [1], [0, 1, 1, 1], [], []>, transpose_lhs_hint = false} : vector<256x1024xbf16>, vector<256x256xbf16>, vector<1024x256xf32> -> vector<1024x256xf32>
    %dot_general3A_206 = arith.constant dense<0.000000e+00> : vector<1024x256xf32>
    %dot_general3A_207 = tpu.matmul %convert_element_type3A_203, %convert_element_type3A, %dot_general3A_206 {dimension_numbers = #tpu.dot_dimension_numbers<[0], [0], [1], [1], [0, 1, 1, 1], [], []>, transpose_lhs_hint = false} : vector<256x1024xbf16>, vector<256x256xbf16>, vector<1024x256xf32> -> vector<1024x256xf32>
    %add3A_208 = arith.addf %dot_general3A_205, %dot_general3A_207 : vector<1024x256xf32>
    %slice3A_209 = vector.extract_strided_slice %add3A_208 {offsets = [0, 0], sizes = [1024, 128], strides = [1, 1]} : vector<1024x256xf32> to vector<1024x128xf32>
    %swap3A_210 = arith.constant 0 : index
    %swap3A_211 = arith.constant 3072 : index
    %swap3A_212 = arith.constant 0 : index
    %swap3A_213 = vector.load %arg3[%swap3A_210, %swap3A_211, %swap3A_212] : memref<1x25000x128xf32, #tpu.memory_space<vmem>>, vector<1x1024x128xf32>
    %swap3A_214 = vector.shape_cast %swap3A_213 : vector<1x1024x128xf32> to vector<1024x128xf32>
    %swap3A_215 = vector.shape_cast %slice3A_209 : vector<1024x128xf32> to vector<1x1024x128xf32>
    tpu.vector_store %arg3[%swap3A_210, %swap3A_211, %swap3A_212], %swap3A_215 {strides = array<i32>} : memref<1x25000x128xf32, #tpu.memory_space<vmem>>, vector<1x1024x128xf32>,
    %slice3A_216 = vector.extract_strided_slice %add3A_208 {offsets = [0, 128], sizes = [1024, 128], strides = [1, 1]} : vector<1024x256xf32> to vector<1024x128xf32>
    %swap3A_217 = arith.constant 0 : index
    %swap3A_218 = arith.constant 15572 : index
    %swap3A_219 = arith.constant 0 : index
    %swap3A_220 = vector.load %arg3[%swap3A_217, %swap3A_218, %swap3A_219] : memref<1x25000x128xf32, #tpu.memory_space<vmem>>, vector<1x1024x128xf32>
    %swap3A_221 = vector.shape_cast %swap3A_220 : vector<1x1024x128xf32> to vector<1024x128xf32>
    %swap3A_222 = vector.shape_cast %slice3A_216 : vector<1024x128xf32> to vector<1x1024x128xf32>
    tpu.vector_store %arg3[%swap3A_217, %swap3A_218, %swap3A_219], %swap3A_222 {strides = array<i32>} : memref<1x25000x128xf32, #tpu.memory_space<vmem>>, vector<1x1024x128xf32>,
    %get3A_223 = arith.constant 0 : index
    %get3A_224 = arith.constant 0 : index
    %get3A_225 = arith.constant 4096 : index
    %get3A_226 = vector.load %arg1[%get3A_223, %get3A_224, %get3A_225] : memref<2x16x100000xf32, #tpu.memory_space<vmem>>, vector<2x16x1024xf32>
    %get3A_227 = arith.constant 0 : index
    %get3A_228 = arith.constant 0 : index
    %get3A_229 = arith.constant 16596 : index
    %get3A_230 = vector.load %arg1[%get3A_227, %get3A_228, %get3A_229] : memref<2x16x100000xf32, #tpu.memory_space<vmem>>, vector<2x16x1024xf32>
    %get3A_231 = arith.constant 0 : index
    %get3A_232 = arith.constant 0 : index
    %get3A_233 = arith.constant 29096 : index
    %get3A_234 = vector.load %arg1[%get3A_231, %get3A_232, %get3A_233] : memref<2x16x100000xf32, #tpu.memory_space<vmem>>, vector<2x16x1024xf32>
    %get3A_235 = arith.constant 0 : index
    %get3A_236 = arith.constant 0 : index
    %get3A_237 = arith.constant 41596 : index
    %get3A_238 = vector.load %arg1[%get3A_235, %get3A_236, %get3A_237] : memref<2x16x100000xf32, #tpu.memory_space<vmem>>, vector<2x16x1024xf32>
    %get3A_239 = arith.constant 0 : index
    %get3A_240 = arith.constant 0 : index
    %get3A_241 = arith.constant 54096 : index
    %get3A_242 = vector.load %arg1[%get3A_239, %get3A_240, %get3A_241] : memref<2x16x100000xf32, #tpu.memory_space<vmem>>, vector<2x16x1024xf32>
    %get3A_243 = arith.constant 0 : index
    %get3A_244 = arith.constant 0 : index
    %get3A_245 = arith.constant 66596 : index
    %get3A_246 = vector.load %arg1[%get3A_243, %get3A_244, %get3A_245] : memref<2x16x100000xf32, #tpu.memory_space<vmem>>, vector<2x16x1024xf32>
    %get3A_247 = arith.constant 0 : index
    %get3A_248 = arith.constant 0 : index
    %get3A_249 = arith.constant 79096 : index
    %get3A_250 = vector.load %arg1[%get3A_247, %get3A_248, %get3A_249] : memref<2x16x100000xf32, #tpu.memory_space<vmem>>, vector<2x16x1024xf32>
    %get3A_251 = arith.constant 0 : index
    %get3A_252 = arith.constant 0 : index
    %get3A_253 = arith.constant 91596 : index
    %get3A_254 = vector.load %arg1[%get3A_251, %get3A_252, %get3A_253] : memref<2x16x100000xf32, #tpu.memory_space<vmem>>, vector<2x16x1024xf32>
    %concatenate3A_255 = tpu.concatenate %get3A_226, %get3A_230, %get3A_234, %get3A_238, %get3A_242, %get3A_246, %get3A_250, %get3A_254 in 0 : vector<2x16x1024xf32>, vector<2x16x1024xf32>, vector<2x16x1024xf32>, vector<2x16x1024xf32>, vector<2x16x1024xf32>, vector<2x16x1024xf32>, vector<2x16x1024xf32>, vector<2x16x1024xf32> -> vector<16x16x1024xf32>
    %reshape3A_256 = vector.shape_cast %concatenate3A_255 : vector<16x16x1024xf32> to vector<256x1024xf32>
    %convert_element_type3A_257 = arith.truncf %reshape3A_256 : vector<256x1024xf32> to vector<256x1024xbf16>
    %convert_element_type3A_258 = arith.extf %convert_element_type3A_257 : vector<256x1024xbf16> to vector<256x1024xf32>
    %sub3A_259 = arith.subf %reshape3A_256, %convert_element_type3A_258 : vector<256x1024xf32>
    %convert_element_type3A_260 = arith.truncf %sub3A_259 : vector<256x1024xf32> to vector<256x1024xbf16>
    %dot_general3A_261 = arith.constant dense<0.000000e+00> : vector<1024x256xf32>
    %dot_general3A_262 = tpu.matmul %convert_element_type3A_257, %convert_element_type3A, %dot_general3A_261 {dimension_numbers = #tpu.dot_dimension_numbers<[0], [0], [1], [1], [0, 1, 1, 1], [], []>, transpose_lhs_hint = false} : vector<256x1024xbf16>, vector<256x256xbf16>, vector<1024x256xf32> -> vector<1024x256xf32>
    %dot_general3A_263 = arith.constant dense<0.000000e+00> : vector<1024x256xf32>
    %dot_general3A_264 = tpu.matmul %convert_element_type3A_260, %convert_element_type3A, %dot_general3A_263 {dimension_numbers = #tpu.dot_dimension_numbers<[0], [0], [1], [1], [0, 1, 1, 1], [], []>, transpose_lhs_hint = false} : vector<256x1024xbf16>, vector<256x256xbf16>, vector<1024x256xf32> -> vector<1024x256xf32>
    %add3A_265 = arith.addf %dot_general3A_262, %dot_general3A_264 : vector<1024x256xf32>
    %slice3A_266 = vector.extract_strided_slice %add3A_265 {offsets = [0, 0], sizes = [1024, 128], strides = [1, 1]} : vector<1024x256xf32> to vector<1024x128xf32>
    %swap3A_267 = arith.constant 0 : index
    %swap3A_268 = arith.constant 4096 : index
    %swap3A_269 = arith.constant 0 : index
    %swap3A_270 = vector.load %arg3[%swap3A_267, %swap3A_268, %swap3A_269] : memref<1x25000x128xf32, #tpu.memory_space<vmem>>, vector<1x1024x128xf32>
    %swap3A_271 = vector.shape_cast %swap3A_270 : vector<1x1024x128xf32> to vector<1024x128xf32>
    %swap3A_272 = vector.shape_cast %slice3A_266 : vector<1024x128xf32> to vector<1x1024x128xf32>
    tpu.vector_store %arg3[%swap3A_267, %swap3A_268, %swap3A_269], %swap3A_272 {strides = array<i32>} : memref<1x25000x128xf32, #tpu.memory_space<vmem>>, vector<1x1024x128xf32>,
    %slice3A_273 = vector.extract_strided_slice %add3A_265 {offsets = [0, 128], sizes = [1024, 128], strides = [1, 1]} : vector<1024x256xf32> to vector<1024x128xf32>
    %swap3A_274 = arith.constant 0 : index
    %swap3A_275 = arith.constant 16596 : index
    %swap3A_276 = arith.constant 0 : index
    %swap3A_277 = vector.load %arg3[%swap3A_274, %swap3A_275, %swap3A_276] : memref<1x25000x128xf32, #tpu.memory_space<vmem>>, vector<1x1024x128xf32>
    %swap3A_278 = vector.shape_cast %swap3A_277 : vector<1x1024x128xf32> to vector<1024x128xf32>
    %swap3A_279 = vector.shape_cast %slice3A_273 : vector<1024x128xf32> to vector<1x1024x128xf32>
    tpu.vector_store %arg3[%swap3A_274, %swap3A_275, %swap3A_276], %swap3A_279 {strides = array<i32>} : memref<1x25000x128xf32, #tpu.memory_space<vmem>>, vector<1x1024x128xf32>,
    %get3A_280 = arith.constant 0 : index
    %get3A_281 = arith.constant 0 : index
    %get3A_282 = arith.constant 5120 : index
    %get3A_283 = vector.load %arg1[%get3A_280, %get3A_281, %get3A_282] : memref<2x16x100000xf32, #tpu.memory_space<vmem>>, vector<2x16x1024xf32>
    %get3A_284 = arith.constant 0 : index
    %get3A_285 = arith.constant 0 : index
    %get3A_286 = arith.constant 17620 : index
    %get3A_287 = vector.load %arg1[%get3A_284, %get3A_285, %get3A_286] : memref<2x16x100000xf32, #tpu.memory_space<vmem>>, vector<2x16x1024xf32>
    %get3A_288 = arith.constant 0 : index
    %get3A_289 = arith.constant 0 : index
    %get3A_290 = arith.constant 30120 : index
    %get3A_291 = vector.load %arg1[%get3A_288, %get3A_289, %get3A_290] : memref<2x16x100000xf32, #tpu.memory_space<vmem>>, vector<2x16x1024xf32>
    %get3A_292 = arith.constant 0 : index
    %get3A_293 = arith.constant 0 : index
    %get3A_294 = arith.constant 42620 : index
    %get3A_295 = vector.load %arg1[%get3A_292, %get3A_293, %get3A_294] : memref<2x16x100000xf32, #tpu.memory_space<vmem>>, vector<2x16x1024xf32>
    %get3A_296 = arith.constant 0 : index
    %get3A_297 = arith.constant 0 : index
    %get3A_298 = arith.constant 55120 : index
    %get3A_299 = vector.load %arg1[%get3A_296, %get3A_297, %get3A_298] : memref<2x16x100000xf32, #tpu.memory_space<vmem>>, vector<2x16x1024xf32>
    %get3A_300 = arith.constant 0 : index
    %get3A_301 = arith.constant 0 : index
    %get3A_302 = arith.constant 67620 : index
    %get3A_303 = vector.load %arg1[%get3A_300, %get3A_301, %get3A_302] : memref<2x16x100000xf32, #tpu.memory_space<vmem>>, vector<2x16x1024xf32>
    %get3A_304 = arith.constant 0 : index
    %get3A_305 = arith.constant 0 : index
    %get3A_306 = arith.constant 80120 : index
    %get3A_307 = vector.load %arg1[%get3A_304, %get3A_305, %get3A_306] : memref<2x16x100000xf32, #tpu.memory_space<vmem>>, vector<2x16x1024xf32>
    %get3A_308 = arith.constant 0 : index
    %get3A_309 = arith.constant 0 : index
    %get3A_310 = arith.constant 92620 : index
    %get3A_311 = vector.load %arg1[%get3A_308, %get3A_309, %get3A_310] : memref<2x16x100000xf32, #tpu.memory_space<vmem>>, vector<2x16x1024xf32>
    %concatenate3A_312 = tpu.concatenate %get3A_283, %get3A_287, %get3A_291, %get3A_295, %get3A_299, %get3A_303, %get3A_307, %get3A_311 in 0 : vector<2x16x1024xf32>, vector<2x16x1024xf32>, vector<2x16x1024xf32>, vector<2x16x1024xf32>, vector<2x16x1024xf32>, vector<2x16x1024xf32>, vector<2x16x1024xf32>, vector<2x16x1024xf32> -> vector<16x16x1024xf32>
    %reshape3A_313 = vector.shape_cast %concatenate3A_312 : vector<16x16x1024xf32> to vector<256x1024xf32>
    %convert_element_type3A_314 = arith.truncf %reshape3A_313 : vector<256x1024xf32> to vector<256x1024xbf16>
    %convert_element_type3A_315 = arith.extf %convert_element_type3A_314 : vector<256x1024xbf16> to vector<256x1024xf32>
    %sub3A_316 = arith.subf %reshape3A_313, %convert_element_type3A_315 : vector<256x1024xf32>
    %convert_element_type3A_317 = arith.truncf %sub3A_316 : vector<256x1024xf32> to vector<256x1024xbf16>
    %dot_general3A_318 = arith.constant dense<0.000000e+00> : vector<1024x256xf32>
    %dot_general3A_319 = tpu.matmul %convert_element_type3A_314, %convert_element_type3A, %dot_general3A_318 {dimension_numbers = #tpu.dot_dimension_numbers<[0], [0], [1], [1], [0, 1, 1, 1], [], []>, transpose_lhs_hint = false} : vector<256x1024xbf16>, vector<256x256xbf16>, vector<1024x256xf32> -> vector<1024x256xf32>
    %dot_general3A_320 = arith.constant dense<0.000000e+00> : vector<1024x256xf32>
    %dot_general3A_321 = tpu.matmul %convert_element_type3A_317, %convert_element_type3A, %dot_general3A_320 {dimension_numbers = #tpu.dot_dimension_numbers<[0], [0], [1], [1], [0, 1, 1, 1], [], []>, transpose_lhs_hint = false} : vector<256x1024xbf16>, vector<256x256xbf16>, vector<1024x256xf32> -> vector<1024x256xf32>
    %add3A_322 = arith.addf %dot_general3A_319, %dot_general3A_321 : vector<1024x256xf32>
    %slice3A_323 = vector.extract_strided_slice %add3A_322 {offsets = [0, 0], sizes = [1024, 128], strides = [1, 1]} : vector<1024x256xf32> to vector<1024x128xf32>
    %swap3A_324 = arith.constant 0 : index
    %swap3A_325 = arith.constant 5120 : index
    %swap3A_326 = arith.constant 0 : index
    %swap3A_327 = vector.load %arg3[%swap3A_324, %swap3A_325, %swap3A_326] : memref<1x25000x128xf32, #tpu.memory_space<vmem>>, vector<1x1024x128xf32>
    %swap3A_328 = vector.shape_cast %swap3A_327 : vector<1x1024x128xf32> to vector<1024x128xf32>
    %swap3A_329 = vector.shape_cast %slice3A_323 : vector<1024x128xf32> to vector<1x1024x128xf32>
    tpu.vector_store %arg3[%swap3A_324, %swap3A_325, %swap3A_326], %swap3A_329 {strides = array<i32>} : memref<1x25000x128xf32, #tpu.memory_space<vmem>>, vector<1x1024x128xf32>,
    %slice3A_330 = vector.extract_strided_slice %add3A_322 {offsets = [0, 128], sizes = [1024, 128], strides = [1, 1]} : vector<1024x256xf32> to vector<1024x128xf32>
    %swap3A_331 = arith.constant 0 : index
    %swap3A_332 = arith.constant 17620 : index
    %swap3A_333 = arith.constant 0 : index
    %swap3A_334 = vector.load %arg3[%swap3A_331, %swap3A_332, %swap3A_333] : memref<1x25000x128xf32, #tpu.memory_space<vmem>>, vector<1x1024x128xf32>
    %swap3A_335 = vector.shape_cast %swap3A_334 : vector<1x1024x128xf32> to vector<1024x128xf32>
    %swap3A_336 = vector.shape_cast %slice3A_330 : vector<1024x128xf32> to vector<1x1024x128xf32>
    tpu.vector_store %arg3[%swap3A_331, %swap3A_332, %swap3A_333], %swap3A_336 {strides = array<i32>} : memref<1x25000x128xf32, #tpu.memory_space<vmem>>, vector<1x1024x128xf32>,
    %get3A_337 = arith.constant 0 : index
    %get3A_338 = arith.constant 0 : index
    %get3A_339 = arith.constant 6144 : index
    %get3A_340 = vector.load %arg1[%get3A_337, %get3A_338, %get3A_339] : memref<2x16x100000xf32, #tpu.memory_space<vmem>>, vector<2x16x1024xf32>
    %get3A_341 = arith.constant 0 : index
    %get3A_342 = arith.constant 0 : index
    %get3A_343 = arith.constant 18644 : index
    %get3A_344 = vector.load %arg1[%get3A_341, %get3A_342, %get3A_343] : memref<2x16x100000xf32, #tpu.memory_space<vmem>>, vector<2x16x1024xf32>
    %get3A_345 = arith.constant 0 : index
    %get3A_346 = arith.constant 0 : index
    %get3A_347 = arith.constant 31144 : index
    %get3A_348 = vector.load %arg1[%get3A_345, %get3A_346, %get3A_347] : memref<2x16x100000xf32, #tpu.memory_space<vmem>>, vector<2x16x1024xf32>
    %get3A_349 = arith.constant 0 : index
    %get3A_350 = arith.constant 0 : index
    %get3A_351 = arith.constant 43644 : index
    %get3A_352 = vector.load %arg1[%get3A_349, %get3A_350, %get3A_351] : memref<2x16x100000xf32, #tpu.memory_space<vmem>>, vector<2x16x1024xf32>
    %get3A_353 = arith.constant 0 : index
    %get3A_354 = arith.constant 0 : index
    %get3A_355 = arith.constant 56144 : index
    %get3A_356 = vector.load %arg1[%get3A_353, %get3A_354, %get3A_355] : memref<2x16x100000xf32, #tpu.memory_space<vmem>>, vector<2x16x1024xf32>
    %get3A_357 = arith.constant 0 : index
    %get3A_358 = arith.constant 0 : index
    %get3A_359 = arith.constant 68644 : index
    %get3A_360 = vector.load %arg1[%get3A_357, %get3A_358, %get3A_359] : memref<2x16x100000xf32, #tpu.memory_space<vmem>>, vector<2x16x1024xf32>
    %get3A_361 = arith.constant 0 : index
    %get3A_362 = arith.constant 0 : index
    %get3A_363 = arith.constant 81144 : index
    %get3A_364 = vector.load %arg1[%get3A_361, %get3A_362, %get3A_363] : memref<2x16x100000xf32, #tpu.memory_space<vmem>>, vector<2x16x1024xf32>
    %get3A_365 = arith.constant 0 : index
    %get3A_366 = arith.constant 0 : index
    %get3A_367 = arith.constant 93644 : index
    %get3A_368 = vector.load %arg1[%get3A_365, %get3A_366, %get3A_367] : memref<2x16x100000xf32, #tpu.memory_space<vmem>>, vector<2x16x1024xf32>
    %concatenate3A_369 = tpu.concatenate %get3A_340, %get3A_344, %get3A_348, %get3A_352, %get3A_356, %get3A_360, %get3A_364, %get3A_368 in 0 : vector<2x16x1024xf32>, vector<2x16x1024xf32>, vector<2x16x1024xf32>, vector<2x16x1024xf32>, vector<2x16x1024xf32>, vector<2x16x1024xf32>, vector<2x16x1024xf32>, vector<2x16x1024xf32> -> vector<16x16x1024xf32>
    %reshape3A_370 = vector.shape_cast %concatenate3A_369 : vector<16x16x1024xf32> to vector<256x1024xf32>
    %convert_element_type3A_371 = arith.truncf %reshape3A_370 : vector<256x1024xf32> to vector<256x1024xbf16>
    %convert_element_type3A_372 = arith.extf %convert_element_type3A_371 : vector<256x1024xbf16> to vector<256x1024xf32>
    %sub3A_373 = arith.subf %reshape3A_370, %convert_element_type3A_372 : vector<256x1024xf32>
    %convert_element_type3A_374 = arith.truncf %sub3A_373 : vector<256x1024xf32> to vector<256x1024xbf16>
    %dot_general3A_375 = arith.constant dense<0.000000e+00> : vector<1024x256xf32>
    %dot_general3A_376 = tpu.matmul %convert_element_type3A_371, %convert_element_type3A, %dot_general3A_375 {dimension_numbers = #tpu.dot_dimension_numbers<[0], [0], [1], [1], [0, 1, 1, 1], [], []>, transpose_lhs_hint = false} : vector<256x1024xbf16>, vector<256x256xbf16>, vector<1024x256xf32> -> vector<1024x256xf32>
    %dot_general3A_377 = arith.constant dense<0.000000e+00> : vector<1024x256xf32>
    %dot_general3A_378 = tpu.matmul %convert_element_type3A_374, %convert_element_type3A, %dot_general3A_377 {dimension_numbers = #tpu.dot_dimension_numbers<[0], [0], [1], [1], [0, 1, 1, 1], [], []>, transpose_lhs_hint = false} : vector<256x1024xbf16>, vector<256x256xbf16>, vector<1024x256xf32> -> vector<1024x256xf32>
    %add3A_379 = arith.addf %dot_general3A_376, %dot_general3A_378 : vector<1024x256xf32>
    %slice3A_380 = vector.extract_strided_slice %add3A_379 {offsets = [0, 0], sizes = [1024, 128], strides = [1, 1]} : vector<1024x256xf32> to vector<1024x128xf32>
    %swap3A_381 = arith.constant 0 : index
    %swap3A_382 = arith.constant 6144 : index
    %swap3A_383 = arith.constant 0 : index
    %swap3A_384 = vector.load %arg3[%swap3A_381, %swap3A_382, %swap3A_383] : memref<1x25000x128xf32, #tpu.memory_space<vmem>>, vector<1x1024x128xf32>
    %swap3A_385 = vector.shape_cast %swap3A_384 : vector<1x1024x128xf32> to vector<1024x128xf32>
    %swap3A_386 = vector.shape_cast %slice3A_380 : vector<1024x128xf32> to vector<1x1024x128xf32>
    tpu.vector_store %arg3[%swap3A_381, %swap3A_382, %swap3A_383], %swap3A_386 {strides = array<i32>} : memref<1x25000x128xf32, #tpu.memory_space<vmem>>, vector<1x1024x128xf32>,
    %slice3A_387 = vector.extract_strided_slice %add3A_379 {offsets = [0, 128], sizes = [1024, 128], strides = [1, 1]} : vector<1024x256xf32> to vector<1024x128xf32>
    %swap3A_388 = arith.constant 0 : index
    %swap3A_389 = arith.constant 18644 : index
    %swap3A_390 = arith.constant 0 : index
    %swap3A_391 = vector.load %arg3[%swap3A_388, %swap3A_389, %swap3A_390] : memref<1x25000x128xf32, #tpu.memory_space<vmem>>, vector<1x1024x128xf32>
    %swap3A_392 = vector.shape_cast %swap3A_391 : vector<1x1024x128xf32> to vector<1024x128xf32>
    %swap3A_393 = vector.shape_cast %slice3A_387 : vector<1024x128xf32> to vector<1x1024x128xf32>
    tpu.vector_store %arg3[%swap3A_388, %swap3A_389, %swap3A_390], %swap3A_393 {strides = array<i32>} : memref<1x25000x128xf32, #tpu.memory_space<vmem>>, vector<1x1024x128xf32>,
    %get3A_394 = arith.constant 0 : index
    %get3A_395 = arith.constant 0 : index
    %get3A_396 = arith.constant 7168 : index
    %get3A_397 = vector.load %arg1[%get3A_394, %get3A_395, %get3A_396] : memref<2x16x100000xf32, #tpu.memory_space<vmem>>, vector<2x16x1024xf32>
    %get3A_398 = arith.constant 0 : index
    %get3A_399 = arith.constant 0 : index
    %get3A_400 = arith.constant 19668 : index
    %get3A_401 = vector.load %arg1[%get3A_398, %get3A_399, %get3A_400] : memref<2x16x100000xf32, #tpu.memory_space<vmem>>, vector<2x16x1024xf32>
    %get3A_402 = arith.constant 0 : index
    %get3A_403 = arith.constant 0 : index
    %get3A_404 = arith.constant 32168 : index
    %get3A_405 = vector.load %arg1[%get3A_402, %get3A_403, %get3A_404] : memref<2x16x100000xf32, #tpu.memory_space<vmem>>, vector<2x16x1024xf32>
    %get3A_406 = arith.constant 0 : index
    %get3A_407 = arith.constant 0 : index
    %get3A_408 = arith.constant 44668 : index
    %get3A_409 = vector.load %arg1[%get3A_406, %get3A_407, %get3A_408] : memref<2x16x100000xf32, #tpu.memory_space<vmem>>, vector<2x16x1024xf32>
    %get3A_410 = arith.constant 0 : index
    %get3A_411 = arith.constant 0 : index
    %get3A_412 = arith.constant 57168 : index
    %get3A_413 = vector.load %arg1[%get3A_410, %get3A_411, %get3A_412] : memref<2x16x100000xf32, #tpu.memory_space<vmem>>, vector<2x16x1024xf32>
    %get3A_414 = arith.constant 0 : index
    %get3A_415 = arith.constant 0 : index
    %get3A_416 = arith.constant 69668 : index
    %get3A_417 = vector.load %arg1[%get3A_414, %get3A_415, %get3A_416] : memref<2x16x100000xf32, #tpu.memory_space<vmem>>, vector<2x16x1024xf32>
    %get3A_418 = arith.constant 0 : index
    %get3A_419 = arith.constant 0 : index
    %get3A_420 = arith.constant 82168 : index
    %get3A_421 = vector.load %arg1[%get3A_418, %get3A_419, %get3A_420] : memref<2x16x100000xf32, #tpu.memory_space<vmem>>, vector<2x16x1024xf32>
    %get3A_422 = arith.constant 0 : index
    %get3A_423 = arith.constant 0 : index
    %get3A_424 = arith.constant 94668 : index
    %get3A_425 = vector.load %arg1[%get3A_422, %get3A_423, %get3A_424] : memref<2x16x100000xf32, #tpu.memory_space<vmem>>, vector<2x16x1024xf32>
    %concatenate3A_426 = tpu.concatenate %get3A_397, %get3A_401, %get3A_405, %get3A_409, %get3A_413, %get3A_417, %get3A_421, %get3A_425 in 0 : vector<2x16x1024xf32>, vector<2x16x1024xf32>, vector<2x16x1024xf32>, vector<2x16x1024xf32>, vector<2x16x1024xf32>, vector<2x16x1024xf32>, vector<2x16x1024xf32>, vector<2x16x1024xf32> -> vector<16x16x1024xf32>
    %reshape3A_427 = vector.shape_cast %concatenate3A_426 : vector<16x16x1024xf32> to vector<256x1024xf32>
    %convert_element_type3A_428 = arith.truncf %reshape3A_427 : vector<256x1024xf32> to vector<256x1024xbf16>
    %convert_element_type3A_429 = arith.extf %convert_element_type3A_428 : vector<256x1024xbf16> to vector<256x1024xf32>
    %sub3A_430 = arith.subf %reshape3A_427, %convert_element_type3A_429 : vector<256x1024xf32>
    %convert_element_type3A_431 = arith.truncf %sub3A_430 : vector<256x1024xf32> to vector<256x1024xbf16>
    %dot_general3A_432 = arith.constant dense<0.000000e+00> : vector<1024x256xf32>
    %dot_general3A_433 = tpu.matmul %convert_element_type3A_428, %convert_element_type3A, %dot_general3A_432 {dimension_numbers = #tpu.dot_dimension_numbers<[0], [0], [1], [1], [0, 1, 1, 1], [], []>, transpose_lhs_hint = false} : vector<256x1024xbf16>, vector<256x256xbf16>, vector<1024x256xf32> -> vector<1024x256xf32>
    %dot_general3A_434 = arith.constant dense<0.000000e+00> : vector<1024x256xf32>
    %dot_general3A_435 = tpu.matmul %convert_element_type3A_431, %convert_element_type3A, %dot_general3A_434 {dimension_numbers = #tpu.dot_dimension_numbers<[0], [0], [1], [1], [0, 1, 1, 1], [], []>, transpose_lhs_hint = false} : vector<256x1024xbf16>, vector<256x256xbf16>, vector<1024x256xf32> -> vector<1024x256xf32>
    %add3A_436 = arith.addf %dot_general3A_433, %dot_general3A_435 : vector<1024x256xf32>
    %slice3A_437 = vector.extract_strided_slice %add3A_436 {offsets = [0, 0], sizes = [1024, 128], strides = [1, 1]} : vector<1024x256xf32> to vector<1024x128xf32>
    %swap3A_438 = arith.constant 0 : index
    %swap3A_439 = arith.constant 7168 : index
    %swap3A_440 = arith.constant 0 : index
    %swap3A_441 = vector.load %arg3[%swap3A_438, %swap3A_439, %swap3A_440] : memref<1x25000x128xf32, #tpu.memory_space<vmem>>, vector<1x1024x128xf32>
    %swap3A_442 = vector.shape_cast %swap3A_441 : vector<1x1024x128xf32> to vector<1024x128xf32>
    %swap3A_443 = vector.shape_cast %slice3A_437 : vector<1024x128xf32> to vector<1x1024x128xf32>
    tpu.vector_store %arg3[%swap3A_438, %swap3A_439, %swap3A_440], %swap3A_443 {strides = array<i32>} : memref<1x25000x128xf32, #tpu.memory_space<vmem>>, vector<1x1024x128xf32>,
    %slice3A_444 = vector.extract_strided_slice %add3A_436 {offsets = [0, 128], sizes = [1024, 128], strides = [1, 1]} : vector<1024x256xf32> to vector<1024x128xf32>
    %swap3A_445 = arith.constant 0 : index
    %swap3A_446 = arith.constant 19668 : index
    %swap3A_447 = arith.constant 0 : index
    %swap3A_448 = vector.load %arg3[%swap3A_445, %swap3A_446, %swap3A_447] : memref<1x25000x128xf32, #tpu.memory_space<vmem>>, vector<1x1024x128xf32>
    %swap3A_449 = vector.shape_cast %swap3A_448 : vector<1x1024x128xf32> to vector<1024x128xf32>
    %swap3A_450 = vector.shape_cast %slice3A_444 : vector<1024x128xf32> to vector<1x1024x128xf32>
    tpu.vector_store %arg3[%swap3A_445, %swap3A_446, %swap3A_447], %swap3A_450 {strides = array<i32>} : memref<1x25000x128xf32, #tpu.memory_space<vmem>>, vector<1x1024x128xf32>,
    %get3A_451 = arith.constant 0 : index
    %get3A_452 = arith.constant 0 : index
    %get3A_453 = arith.constant 8192 : index
    %get3A_454 = vector.load %arg1[%get3A_451, %get3A_452, %get3A_453] : memref<2x16x100000xf32, #tpu.memory_space<vmem>>, vector<2x16x1024xf32>
    %get3A_455 = arith.constant 0 : index
    %get3A_456 = arith.constant 0 : index
    %get3A_457 = arith.constant 20692 : index
    %get3A_458 = vector.load %arg1[%get3A_455, %get3A_456, %get3A_457] : memref<2x16x100000xf32, #tpu.memory_space<vmem>>, vector<2x16x1024xf32>
    %get3A_459 = arith.constant 0 : index
    %get3A_460 = arith.constant 0 : index
    %get3A_461 = arith.constant 33192 : index
    %get3A_462 = vector.load %arg1[%get3A_459, %get3A_460, %get3A_461] : memref<2x16x100000xf32, #tpu.memory_space<vmem>>, vector<2x16x1024xf32>
    %get3A_463 = arith.constant 0 : index
    %get3A_464 = arith.constant 0 : index
    %get3A_465 = arith.constant 45692 : index
    %get3A_466 = vector.load %arg1[%get3A_463, %get3A_464, %get3A_465] : memref<2x16x100000xf32, #tpu.memory_space<vmem>>, vector<2x16x1024xf32>
    %get3A_467 = arith.constant 0 : index
    %get3A_468 = arith.constant 0 : index
    %get3A_469 = arith.constant 58192 : index
    %get3A_470 = vector.load %arg1[%get3A_467, %get3A_468, %get3A_469] : memref<2x16x100000xf32, #tpu.memory_space<vmem>>, vector<2x16x1024xf32>
    %get3A_471 = arith.constant 0 : index
    %get3A_472 = arith.constant 0 : index
    %get3A_473 = arith.constant 70692 : index
    %get3A_474 = vector.load %arg1[%get3A_471, %get3A_472, %get3A_473] : memref<2x16x100000xf32, #tpu.memory_space<vmem>>, vector<2x16x1024xf32>
    %get3A_475 = arith.constant 0 : index
    %get3A_476 = arith.constant 0 : index
    %get3A_477 = arith.constant 83192 : index
    %get3A_478 = vector.load %arg1[%get3A_475, %get3A_476, %get3A_477] : memref<2x16x100000xf32, #tpu.memory_space<vmem>>, vector<2x16x1024xf32>
    %get3A_479 = arith.constant 0 : index
    %get3A_480 = arith.constant 0 : index
    %get3A_481 = arith.constant 95692 : index
    %get3A_482 = vector.load %arg1[%get3A_479, %get3A_480, %get3A_481] : memref<2x16x100000xf32, #tpu.memory_space<vmem>>, vector<2x16x1024xf32>
    %concatenate3A_483 = tpu.concatenate %get3A_454, %get3A_458, %get3A_462, %get3A_466, %get3A_470, %get3A_474, %get3A_478, %get3A_482 in 0 : vector<2x16x1024xf32>, vector<2x16x1024xf32>, vector<2x16x1024xf32>, vector<2x16x1024xf32>, vector<2x16x1024xf32>, vector<2x16x1024xf32>, vector<2x16x1024xf32>, vector<2x16x1024xf32> -> vector<16x16x1024xf32>
    %reshape3A_484 = vector.shape_cast %concatenate3A_483 : vector<16x16x1024xf32> to vector<256x1024xf32>
    %convert_element_type3A_485 = arith.truncf %reshape3A_484 : vector<256x1024xf32> to vector<256x1024xbf16>
    %convert_element_type3A_486 = arith.extf %convert_element_type3A_485 : vector<256x1024xbf16> to vector<256x1024xf32>
    %sub3A_487 = arith.subf %reshape3A_484, %convert_element_type3A_486 : vector<256x1024xf32>
    %convert_element_type3A_488 = arith.truncf %sub3A_487 : vector<256x1024xf32> to vector<256x1024xbf16>
    %dot_general3A_489 = arith.constant dense<0.000000e+00> : vector<1024x256xf32>
    %dot_general3A_490 = tpu.matmul %convert_element_type3A_485, %convert_element_type3A, %dot_general3A_489 {dimension_numbers = #tpu.dot_dimension_numbers<[0], [0], [1], [1], [0, 1, 1, 1], [], []>, transpose_lhs_hint = false} : vector<256x1024xbf16>, vector<256x256xbf16>, vector<1024x256xf32> -> vector<1024x256xf32>
    %dot_general3A_491 = arith.constant dense<0.000000e+00> : vector<1024x256xf32>
    %dot_general3A_492 = tpu.matmul %convert_element_type3A_488, %convert_element_type3A, %dot_general3A_491 {dimension_numbers = #tpu.dot_dimension_numbers<[0], [0], [1], [1], [0, 1, 1, 1], [], []>, transpose_lhs_hint = false} : vector<256x1024xbf16>, vector<256x256xbf16>, vector<1024x256xf32> -> vector<1024x256xf32>
    %add3A_493 = arith.addf %dot_general3A_490, %dot_general3A_492 : vector<1024x256xf32>
    %slice3A_494 = vector.extract_strided_slice %add3A_493 {offsets = [0, 0], sizes = [1024, 128], strides = [1, 1]} : vector<1024x256xf32> to vector<1024x128xf32>
    %swap3A_495 = arith.constant 0 : index
    %swap3A_496 = arith.constant 8192 : index
    %swap3A_497 = arith.constant 0 : index
    %swap3A_498 = vector.load %arg3[%swap3A_495, %swap3A_496, %swap3A_497] : memref<1x25000x128xf32, #tpu.memory_space<vmem>>, vector<1x1024x128xf32>
    %swap3A_499 = vector.shape_cast %swap3A_498 : vector<1x1024x128xf32> to vector<1024x128xf32>
    %swap3A_500 = vector.shape_cast %slice3A_494 : vector<1024x128xf32> to vector<1x1024x128xf32>
    tpu.vector_store %arg3[%swap3A_495, %swap3A_496, %swap3A_497], %swap3A_500 {strides = array<i32>} : memref<1x25000x128xf32, #tpu.memory_space<vmem>>, vector<1x1024x128xf32>,
    %slice3A_501 = vector.extract_strided_slice %add3A_493 {offsets = [0, 128], sizes = [1024, 128], strides = [1, 1]} : vector<1024x256xf32> to vector<1024x128xf32>
    %swap3A_502 = arith.constant 0 : index
    %swap3A_503 = arith.constant 20692 : index
    %swap3A_504 = arith.constant 0 : index
    %swap3A_505 = vector.load %arg3[%swap3A_502, %swap3A_503, %swap3A_504] : memref<1x25000x128xf32, #tpu.memory_space<vmem>>, vector<1x1024x128xf32>
    %swap3A_506 = vector.shape_cast %swap3A_505 : vector<1x1024x128xf32> to vector<1024x128xf32>
    %swap3A_507 = vector.shape_cast %slice3A_501 : vector<1024x128xf32> to vector<1x1024x128xf32>
    tpu.vector_store %arg3[%swap3A_502, %swap3A_503, %swap3A_504], %swap3A_507 {strides = array<i32>} : memref<1x25000x128xf32, #tpu.memory_space<vmem>>, vector<1x1024x128xf32>,
    %get3A_508 = arith.constant 0 : index
    %get3A_509 = arith.constant 0 : index
    %get3A_510 = arith.constant 9216 : index
    %get3A_511 = vector.load %arg1[%get3A_508, %get3A_509, %get3A_510] : memref<2x16x100000xf32, #tpu.memory_space<vmem>>, vector<2x16x1024xf32>
    %get3A_512 = arith.constant 0 : index
    %get3A_513 = arith.constant 0 : index
    %get3A_514 = arith.constant 21716 : index
    %get3A_515 = vector.load %arg1[%get3A_512, %get3A_513, %get3A_514] : memref<2x16x100000xf32, #tpu.memory_space<vmem>>, vector<2x16x1024xf32>
    %get3A_516 = arith.constant 0 : index
    %get3A_517 = arith.constant 0 : index
    %get3A_518 = arith.constant 34216 : index
    %get3A_519 = vector.load %arg1[%get3A_516, %get3A_517, %get3A_518] : memref<2x16x100000xf32, #tpu.memory_space<vmem>>, vector<2x16x1024xf32>
    %get3A_520 = arith.constant 0 : index
    %get3A_521 = arith.constant 0 : index
    %get3A_522 = arith.constant 46716 : index
    %get3A_523 = vector.load %arg1[%get3A_520, %get3A_521, %get3A_522] : memref<2x16x100000xf32, #tpu.memory_space<vmem>>, vector<2x16x1024xf32>
    %get3A_524 = arith.constant 0 : index
    %get3A_525 = arith.constant 0 : index
    %get3A_526 = arith.constant 59216 : index
    %get3A_527 = vector.load %arg1[%get3A_524, %get3A_525, %get3A_526] : memref<2x16x100000xf32, #tpu.memory_space<vmem>>, vector<2x16x1024xf32>
    %get3A_528 = arith.constant 0 : index
    %get3A_529 = arith.constant 0 : index
    %get3A_530 = arith.constant 71716 : index
    %get3A_531 = vector.load %arg1[%get3A_528, %get3A_529, %get3A_530] : memref<2x16x100000xf32, #tpu.memory_space<vmem>>, vector<2x16x1024xf32>
    %get3A_532 = arith.constant 0 : index
    %get3A_533 = arith.constant 0 : index
    %get3A_534 = arith.constant 84216 : index
    %get3A_535 = vector.load %arg1[%get3A_532, %get3A_533, %get3A_534] : memref<2x16x100000xf32, #tpu.memory_space<vmem>>, vector<2x16x1024xf32>
    %get3A_536 = arith.constant 0 : index
    %get3A_537 = arith.constant 0 : index
    %get3A_538 = arith.constant 96716 : index
    %get3A_539 = vector.load %arg1[%get3A_536, %get3A_537, %get3A_538] : memref<2x16x100000xf32, #tpu.memory_space<vmem>>, vector<2x16x1024xf32>
    %concatenate3A_540 = tpu.concatenate %get3A_511, %get3A_515, %get3A_519, %get3A_523, %get3A_527, %get3A_531, %get3A_535, %get3A_539 in 0 : vector<2x16x1024xf32>, vector<2x16x1024xf32>, vector<2x16x1024xf32>, vector<2x16x1024xf32>, vector<2x16x1024xf32>, vector<2x16x1024xf32>, vector<2x16x1024xf32>, vector<2x16x1024xf32> -> vector<16x16x1024xf32>
    %reshape3A_541 = vector.shape_cast %concatenate3A_540 : vector<16x16x1024xf32> to vector<256x1024xf32>
    %convert_element_type3A_542 = arith.truncf %reshape3A_541 : vector<256x1024xf32> to vector<256x1024xbf16>
    %convert_element_type3A_543 = arith.extf %convert_element_type3A_542 : vector<256x1024xbf16> to vector<256x1024xf32>
    %sub3A_544 = arith.subf %reshape3A_541, %convert_element_type3A_543 : vector<256x1024xf32>
    %convert_element_type3A_545 = arith.truncf %sub3A_544 : vector<256x1024xf32> to vector<256x1024xbf16>
    %dot_general3A_546 = arith.constant dense<0.000000e+00> : vector<1024x256xf32>
    %dot_general3A_547 = tpu.matmul %convert_element_type3A_542, %convert_element_type3A, %dot_general3A_546 {dimension_numbers = #tpu.dot_dimension_numbers<[0], [0], [1], [1], [0, 1, 1, 1], [], []>, transpose_lhs_hint = false} : vector<256x1024xbf16>, vector<256x256xbf16>, vector<1024x256xf32> -> vector<1024x256xf32>
    %dot_general3A_548 = arith.constant dense<0.000000e+00> : vector<1024x256xf32>
    %dot_general3A_549 = tpu.matmul %convert_element_type3A_545, %convert_element_type3A, %dot_general3A_548 {dimension_numbers = #tpu.dot_dimension_numbers<[0], [0], [1], [1], [0, 1, 1, 1], [], []>, transpose_lhs_hint = false} : vector<256x1024xbf16>, vector<256x256xbf16>, vector<1024x256xf32> -> vector<1024x256xf32>
    %add3A_550 = arith.addf %dot_general3A_547, %dot_general3A_549 : vector<1024x256xf32>
    %slice3A_551 = vector.extract_strided_slice %add3A_550 {offsets = [0, 0], sizes = [1024, 128], strides = [1, 1]} : vector<1024x256xf32> to vector<1024x128xf32>
    %swap3A_552 = arith.constant 0 : index
    %swap3A_553 = arith.constant 9216 : index
    %swap3A_554 = arith.constant 0 : index
    %swap3A_555 = vector.load %arg3[%swap3A_552, %swap3A_553, %swap3A_554] : memref<1x25000x128xf32, #tpu.memory_space<vmem>>, vector<1x1024x128xf32>
    %swap3A_556 = vector.shape_cast %swap3A_555 : vector<1x1024x128xf32> to vector<1024x128xf32>
    %swap3A_557 = vector.shape_cast %slice3A_551 : vector<1024x128xf32> to vector<1x1024x128xf32>
    tpu.vector_store %arg3[%swap3A_552, %swap3A_553, %swap3A_554], %swap3A_557 {strides = array<i32>} : memref<1x25000x128xf32, #tpu.memory_space<vmem>>, vector<1x1024x128xf32>,
    %slice3A_558 = vector.extract_strided_slice %add3A_550 {offsets = [0, 128], sizes = [1024, 128], strides = [1, 1]} : vector<1024x256xf32> to vector<1024x128xf32>
    %swap3A_559 = arith.constant 0 : index
    %swap3A_560 = arith.constant 21716 : index
    %swap3A_561 = arith.constant 0 : index
    %swap3A_562 = vector.load %arg3[%swap3A_559, %swap3A_560, %swap3A_561] : memref<1x25000x128xf32, #tpu.memory_space<vmem>>, vector<1x1024x128xf32>
    %swap3A_563 = vector.shape_cast %swap3A_562 : vector<1x1024x128xf32> to vector<1024x128xf32>
    %swap3A_564 = vector.shape_cast %slice3A_558 : vector<1024x128xf32> to vector<1x1024x128xf32>
    tpu.vector_store %arg3[%swap3A_559, %swap3A_560, %swap3A_561], %swap3A_564 {strides = array<i32>} : memref<1x25000x128xf32, #tpu.memory_space<vmem>>, vector<1x1024x128xf32>,
    %get3A_565 = arith.constant 0 : index
    %get3A_566 = arith.constant 0 : index
    %get3A_567 = arith.constant 10240 : index
    %get3A_568 = vector.load %arg1[%get3A_565, %get3A_566, %get3A_567] : memref<2x16x100000xf32, #tpu.memory_space<vmem>>, vector<2x16x1024xf32>
    %get3A_569 = arith.constant 0 : index
    %get3A_570 = arith.constant 0 : index
    %get3A_571 = arith.constant 22740 : index
    %get3A_572 = vector.load %arg1[%get3A_569, %get3A_570, %get3A_571] : memref<2x16x100000xf32, #tpu.memory_space<vmem>>, vector<2x16x1024xf32>
    %get3A_573 = arith.constant 0 : index
    %get3A_574 = arith.constant 0 : index
    %get3A_575 = arith.constant 35240 : index
    %get3A_576 = vector.load %arg1[%get3A_573, %get3A_574, %get3A_575] : memref<2x16x100000xf32, #tpu.memory_space<vmem>>, vector<2x16x1024xf32>
    %get3A_577 = arith.constant 0 : index
    %get3A_578 = arith.constant 0 : index
    %get3A_579 = arith.constant 47740 : index
    %get3A_580 = vector.load %arg1[%get3A_577, %get3A_578, %get3A_579] : memref<2x16x100000xf32, #tpu.memory_space<vmem>>, vector<2x16x1024xf32>
    %get3A_581 = arith.constant 0 : index
    %get3A_582 = arith.constant 0 : index
    %get3A_583 = arith.constant 60240 : index
    %get3A_584 = vector.load %arg1[%get3A_581, %get3A_582, %get3A_583] : memref<2x16x100000xf32, #tpu.memory_space<vmem>>, vector<2x16x1024xf32>
    %get3A_585 = arith.constant 0 : index
    %get3A_586 = arith.constant 0 : index
    %get3A_587 = arith.constant 72740 : index
    %get3A_588 = vector.load %arg1[%get3A_585, %get3A_586, %get3A_587] : memref<2x16x100000xf32, #tpu.memory_space<vmem>>, vector<2x16x1024xf32>
    %get3A_589 = arith.constant 0 : index
    %get3A_590 = arith.constant 0 : index
    %get3A_591 = arith.constant 85240 : index
    %get3A_592 = vector.load %arg1[%get3A_589, %get3A_590, %get3A_591] : memref<2x16x100000xf32, #tpu.memory_space<vmem>>, vector<2x16x1024xf32>
    %get3A_593 = arith.constant 0 : index
    %get3A_594 = arith.constant 0 : index
    %get3A_595 = arith.constant 97740 : index
    %get3A_596 = vector.load %arg1[%get3A_593, %get3A_594, %get3A_595] : memref<2x16x100000xf32, #tpu.memory_space<vmem>>, vector<2x16x1024xf32>
    %concatenate3A_597 = tpu.concatenate %get3A_568, %get3A_572, %get3A_576, %get3A_580, %get3A_584, %get3A_588, %get3A_592, %get3A_596 in 0 : vector<2x16x1024xf32>, vector<2x16x1024xf32>, vector<2x16x1024xf32>, vector<2x16x1024xf32>, vector<2x16x1024xf32>, vector<2x16x1024xf32>, vector<2x16x1024xf32>, vector<2x16x1024xf32> -> vector<16x16x1024xf32>
    %reshape3A_598 = vector.shape_cast %concatenate3A_597 : vector<16x16x1024xf32> to vector<256x1024xf32>
    %convert_element_type3A_599 = arith.truncf %reshape3A_598 : vector<256x1024xf32> to vector<256x1024xbf16>
    %convert_element_type3A_600 = arith.extf %convert_element_type3A_599 : vector<256x1024xbf16> to vector<256x1024xf32>
    %sub3A_601 = arith.subf %reshape3A_598, %convert_element_type3A_600 : vector<256x1024xf32>
    %convert_element_type3A_602 = arith.truncf %sub3A_601 : vector<256x1024xf32> to vector<256x1024xbf16>
    %dot_general3A_603 = arith.constant dense<0.000000e+00> : vector<1024x256xf32>
    %dot_general3A_604 = tpu.matmul %convert_element_type3A_599, %convert_element_type3A, %dot_general3A_603 {dimension_numbers = #tpu.dot_dimension_numbers<[0], [0], [1], [1], [0, 1, 1, 1], [], []>, transpose_lhs_hint = false} : vector<256x1024xbf16>, vector<256x256xbf16>, vector<1024x256xf32> -> vector<1024x256xf32>
    %dot_general3A_605 = arith.constant dense<0.000000e+00> : vector<1024x256xf32>
    %dot_general3A_606 = tpu.matmul %convert_element_type3A_602, %convert_element_type3A, %dot_general3A_605 {dimension_numbers = #tpu.dot_dimension_numbers<[0], [0], [1], [1], [0, 1, 1, 1], [], []>, transpose_lhs_hint = false} : vector<256x1024xbf16>, vector<256x256xbf16>, vector<1024x256xf32> -> vector<1024x256xf32>
    %add3A_607 = arith.addf %dot_general3A_604, %dot_general3A_606 : vector<1024x256xf32>
    %slice3A_608 = vector.extract_strided_slice %add3A_607 {offsets = [0, 0], sizes = [1024, 128], strides = [1, 1]} : vector<1024x256xf32> to vector<1024x128xf32>
    %swap3A_609 = arith.constant 0 : index
    %swap3A_610 = arith.constant 10240 : index
    %swap3A_611 = arith.constant 0 : index
    %swap3A_612 = vector.load %arg3[%swap3A_609, %swap3A_610, %swap3A_611] : memref<1x25000x128xf32, #tpu.memory_space<vmem>>, vector<1x1024x128xf32>
    %swap3A_613 = vector.shape_cast %swap3A_612 : vector<1x1024x128xf32> to vector<1024x128xf32>
    %swap3A_614 = vector.shape_cast %slice3A_608 : vector<1024x128xf32> to vector<1x1024x128xf32>
    tpu.vector_store %arg3[%swap3A_609, %swap3A_610, %swap3A_611], %swap3A_614 {strides = array<i32>} : memref<1x25000x128xf32, #tpu.memory_space<vmem>>, vector<1x1024x128xf32>,
    %slice3A_615 = vector.extract_strided_slice %add3A_607 {offsets = [0, 128], sizes = [1024, 128], strides = [1, 1]} : vector<1024x256xf32> to vector<1024x128xf32>
    %swap3A_616 = arith.constant 0 : index
    %swap3A_617 = arith.constant 22740 : index
    %swap3A_618 = arith.constant 0 : index
    %swap3A_619 = vector.load %arg3[%swap3A_616, %swap3A_617, %swap3A_618] : memref<1x25000x128xf32, #tpu.memory_space<vmem>>, vector<1x1024x128xf32>
    %swap3A_620 = vector.shape_cast %swap3A_619 : vector<1x1024x128xf32> to vector<1024x128xf32>
    %swap3A_621 = vector.shape_cast %slice3A_615 : vector<1024x128xf32> to vector<1x1024x128xf32>
    tpu.vector_store %arg3[%swap3A_616, %swap3A_617, %swap3A_618], %swap3A_621 {strides = array<i32>} : memref<1x25000x128xf32, #tpu.memory_space<vmem>>, vector<1x1024x128xf32>,
    %get3A_622 = arith.constant 0 : index
    %get3A_623 = arith.constant 0 : index
    %get3A_624 = arith.constant 11264 : index
    %get3A_625 = vector.load %arg1[%get3A_622, %get3A_623, %get3A_624] : memref<2x16x100000xf32, #tpu.memory_space<vmem>>, vector<2x16x1024xf32>
    %get3A_626 = arith.constant 0 : index
    %get3A_627 = arith.constant 0 : index
    %get3A_628 = arith.constant 23764 : index
    %get3A_629 = vector.load %arg1[%get3A_626, %get3A_627, %get3A_628] : memref<2x16x100000xf32, #tpu.memory_space<vmem>>, vector<2x16x1024xf32>
    %get3A_630 = arith.constant 0 : index
    %get3A_631 = arith.constant 0 : index
    %get3A_632 = arith.constant 36264 : index
    %get3A_633 = vector.load %arg1[%get3A_630, %get3A_631, %get3A_632] : memref<2x16x100000xf32, #tpu.memory_space<vmem>>, vector<2x16x1024xf32>
    %get3A_634 = arith.constant 0 : index
    %get3A_635 = arith.constant 0 : index
    %get3A_636 = arith.constant 48764 : index
    %get3A_637 = vector.load %arg1[%get3A_634, %get3A_635, %get3A_636] : memref<2x16x100000xf32, #tpu.memory_space<vmem>>, vector<2x16x1024xf32>
    %get3A_638 = arith.constant 0 : index
    %get3A_639 = arith.constant 0 : index
    %get3A_640 = arith.constant 61264 : index
    %get3A_641 = vector.load %arg1[%get3A_638, %get3A_639, %get3A_640] : memref<2x16x100000xf32, #tpu.memory_space<vmem>>, vector<2x16x1024xf32>
    %get3A_642 = arith.constant 0 : index
    %get3A_643 = arith.constant 0 : index
    %get3A_644 = arith.constant 73764 : index
    %get3A_645 = vector.load %arg1[%get3A_642, %get3A_643, %get3A_644] : memref<2x16x100000xf32, #tpu.memory_space<vmem>>, vector<2x16x1024xf32>
    %get3A_646 = arith.constant 0 : index
    %get3A_647 = arith.constant 0 : index
    %get3A_648 = arith.constant 86264 : index
    %get3A_649 = vector.load %arg1[%get3A_646, %get3A_647, %get3A_648] : memref<2x16x100000xf32, #tpu.memory_space<vmem>>, vector<2x16x1024xf32>
    %get3A_650 = arith.constant 0 : index
    %get3A_651 = arith.constant 0 : index
    %get3A_652 = arith.constant 98764 : index
    %get3A_653 = vector.load %arg1[%get3A_650, %get3A_651, %get3A_652] : memref<2x16x100000xf32, #tpu.memory_space<vmem>>, vector<2x16x1024xf32>
    %concatenate3A_654 = tpu.concatenate %get3A_625, %get3A_629, %get3A_633, %get3A_637, %get3A_641, %get3A_645, %get3A_649, %get3A_653 in 0 : vector<2x16x1024xf32>, vector<2x16x1024xf32>, vector<2x16x1024xf32>, vector<2x16x1024xf32>, vector<2x16x1024xf32>, vector<2x16x1024xf32>, vector<2x16x1024xf32>, vector<2x16x1024xf32> -> vector<16x16x1024xf32>
    %reshape3A_655 = vector.shape_cast %concatenate3A_654 : vector<16x16x1024xf32> to vector<256x1024xf32>
    %convert_element_type3A_656 = arith.truncf %reshape3A_655 : vector<256x1024xf32> to vector<256x1024xbf16>
    %convert_element_type3A_657 = arith.extf %convert_element_type3A_656 : vector<256x1024xbf16> to vector<256x1024xf32>
    %sub3A_658 = arith.subf %reshape3A_655, %convert_element_type3A_657 : vector<256x1024xf32>
    %convert_element_type3A_659 = arith.truncf %sub3A_658 : vector<256x1024xf32> to vector<256x1024xbf16>
    %dot_general3A_660 = arith.constant dense<0.000000e+00> : vector<1024x256xf32>
    %dot_general3A_661 = tpu.matmul %convert_element_type3A_656, %convert_element_type3A, %dot_general3A_660 {dimension_numbers = #tpu.dot_dimension_numbers<[0], [0], [1], [1], [0, 1, 1, 1], [], []>, transpose_lhs_hint = false} : vector<256x1024xbf16>, vector<256x256xbf16>, vector<1024x256xf32> -> vector<1024x256xf32>
    %dot_general3A_662 = arith.constant dense<0.000000e+00> : vector<1024x256xf32>
    %dot_general3A_663 = tpu.matmul %convert_element_type3A_659, %convert_element_type3A, %dot_general3A_662 {dimension_numbers = #tpu.dot_dimension_numbers<[0], [0], [1], [1], [0, 1, 1, 1], [], []>, transpose_lhs_hint = false} : vector<256x1024xbf16>, vector<256x256xbf16>, vector<1024x256xf32> -> vector<1024x256xf32>
    %add3A_664 = arith.addf %dot_general3A_661, %dot_general3A_663 : vector<1024x256xf32>
    %slice3A_665 = vector.extract_strided_slice %add3A_664 {offsets = [0, 0], sizes = [1024, 128], strides = [1, 1]} : vector<1024x256xf32> to vector<1024x128xf32>
    %swap3A_666 = arith.constant 0 : index
    %swap3A_667 = arith.constant 11264 : index
    %swap3A_668 = arith.constant 0 : index
    %swap3A_669 = vector.load %arg3[%swap3A_666, %swap3A_667, %swap3A_668] : memref<1x25000x128xf32, #tpu.memory_space<vmem>>, vector<1x1024x128xf32>
    %swap3A_670 = vector.shape_cast %swap3A_669 : vector<1x1024x128xf32> to vector<1024x128xf32>
    %swap3A_671 = vector.shape_cast %slice3A_665 : vector<1024x128xf32> to vector<1x1024x128xf32>
    tpu.vector_store %arg3[%swap3A_666, %swap3A_667, %swap3A_668], %swap3A_671 {strides = array<i32>} : memref<1x25000x128xf32, #tpu.memory_space<vmem>>, vector<1x1024x128xf32>,
    %slice3A_672 = vector.extract_strided_slice %add3A_664 {offsets = [0, 128], sizes = [1024, 128], strides = [1, 1]} : vector<1024x256xf32> to vector<1024x128xf32>
    %swap3A_673 = arith.constant 0 : index
    %swap3A_674 = arith.constant 23764 : index
    %swap3A_675 = arith.constant 0 : index
    %swap3A_676 = vector.load %arg3[%swap3A_673, %swap3A_674, %swap3A_675] : memref<1x25000x128xf32, #tpu.memory_space<vmem>>, vector<1x1024x128xf32>
    %swap3A_677 = vector.shape_cast %swap3A_676 : vector<1x1024x128xf32> to vector<1024x128xf32>
    %swap3A_678 = vector.shape_cast %slice3A_672 : vector<1024x128xf32> to vector<1x1024x128xf32>
    tpu.vector_store %arg3[%swap3A_673, %swap3A_674, %swap3A_675], %swap3A_678 {strides = array<i32>} : memref<1x25000x128xf32, #tpu.memory_space<vmem>>, vector<1x1024x128xf32>,
    %get3A_679 = arith.constant 0 : index
    %get3A_680 = arith.constant 0 : index
    %get3A_681 = arith.constant 12288 : index
    %get3A_682 = vector.load %arg1[%get3A_679, %get3A_680, %get3A_681] : memref<2x16x100000xf32, #tpu.memory_space<vmem>>, vector<2x16x212xf32>
    %get3A_683 = arith.constant 0 : index
    %get3A_684 = arith.constant 0 : index
    %get3A_685 = arith.constant 24788 : index
    %get3A_686 = vector.load %arg1[%get3A_683, %get3A_684, %get3A_685] : memref<2x16x100000xf32, #tpu.memory_space<vmem>>, vector<2x16x212xf32>
    %get3A_687 = arith.constant 0 : index
    %get3A_688 = arith.constant 0 : index
    %get3A_689 = arith.constant 37288 : index
    %get3A_690 = vector.load %arg1[%get3A_687, %get3A_688, %get3A_689] : memref<2x16x100000xf32, #tpu.memory_space<vmem>>, vector<2x16x212xf32>
    %get3A_691 = arith.constant 0 : index
    %get3A_692 = arith.constant 0 : index
    %get3A_693 = arith.constant 49788 : index
    %get3A_694 = vector.load %arg1[%get3A_691, %get3A_692, %get3A_693] : memref<2x16x100000xf32, #tpu.memory_space<vmem>>, vector<2x16x212xf32>
    %get3A_695 = arith.constant 0 : index
    %get3A_696 = arith.constant 0 : index
    %get3A_697 = arith.constant 62288 : index
    %get3A_698 = vector.load %arg1[%get3A_695, %get3A_696, %get3A_697] : memref<2x16x100000xf32, #tpu.memory_space<vmem>>, vector<2x16x212xf32>
    %get3A_699 = arith.constant 0 : index
    %get3A_700 = arith.constant 0 : index
    %get3A_701 = arith.constant 74788 : index
    %get3A_702 = vector.load %arg1[%get3A_699, %get3A_700, %get3A_701] : memref<2x16x100000xf32, #tpu.memory_space<vmem>>, vector<2x16x212xf32>
    %get3A_703 = arith.constant 0 : index
    %get3A_704 = arith.constant 0 : index
    %get3A_705 = arith.constant 87288 : index
    %get3A_706 = vector.load %arg1[%get3A_703, %get3A_704, %get3A_705] : memref<2x16x100000xf32, #tpu.memory_space<vmem>>, vector<2x16x212xf32>
    %get3A_707 = arith.constant 0 : index
    %get3A_708 = arith.constant 0 : index
    %get3A_709 = arith.constant 99788 : index
    %get3A_710 = vector.load %arg1[%get3A_707, %get3A_708, %get3A_709] : memref<2x16x100000xf32, #tpu.memory_space<vmem>>, vector<2x16x212xf32>
    %concatenate3A_711 = tpu.concatenate %get3A_682, %get3A_686, %get3A_690, %get3A_694, %get3A_698, %get3A_702, %get3A_706, %get3A_710 in 0 : vector<2x16x212xf32>, vector<2x16x212xf32>, vector<2x16x212xf32>, vector<2x16x212xf32>, vector<2x16x212xf32>, vector<2x16x212xf32>, vector<2x16x212xf32>, vector<2x16x212xf32> -> vector<16x16x212xf32>
    %reshape3A_712 = vector.shape_cast %concatenate3A_711 : vector<16x16x212xf32> to vector<256x212xf32>
    %convert_element_type3A_713 = arith.truncf %reshape3A_712 : vector<256x212xf32> to vector<256x212xbf16>
    %convert_element_type3A_714 = arith.extf %convert_element_type3A_713 : vector<256x212xbf16> to vector<256x212xf32>
    %sub3A_715 = arith.subf %reshape3A_712, %convert_element_type3A_714 : vector<256x212xf32>
    %convert_element_type3A_716 = arith.truncf %sub3A_715 : vector<256x212xf32> to vector<256x212xbf16>
    %dot_general3A_717 = arith.constant dense<0.000000e+00> : vector<212x256xf32>
    %dot_general3A_718 = tpu.matmul %convert_element_type3A_713, %convert_element_type3A, %dot_general3A_717 {dimension_numbers = #tpu.dot_dimension_numbers<[0], [0], [1], [1], [0, 1, 1, 1], [], []>, transpose_lhs_hint = false} : vector<256x212xbf16>, vector<256x256xbf16>, vector<212x256xf32> -> vector<212x256xf32>
    %dot_general3A_719 = arith.constant dense<0.000000e+00> : vector<212x256xf32>
    %dot_general3A_720 = tpu.matmul %convert_element_type3A_716, %convert_element_type3A, %dot_general3A_719 {dimension_numbers = #tpu.dot_dimension_numbers<[0], [0], [1], [1], [0, 1, 1, 1], [], []>, transpose_lhs_hint = false} : vector<256x212xbf16>, vector<256x256xbf16>, vector<212x256xf32> -> vector<212x256xf32>
    %add3A_721 = arith.addf %dot_general3A_718, %dot_general3A_720 : vector<212x256xf32>
    %slice3A_722 = vector.extract_strided_slice %add3A_721 {offsets = [0, 0], sizes = [212, 128], strides = [1, 1]} : vector<212x256xf32> to vector<212x128xf32>
    %swap3A_723 = arith.constant 0 : index
    %swap3A_724 = arith.constant 12288 : index
    %swap3A_725 = arith.constant 0 : index
    %swap3A_726 = vector.load %arg3[%swap3A_723, %swap3A_724, %swap3A_725] : memref<1x25000x128xf32, #tpu.memory_space<vmem>>, vector<1x212x128xf32>
    %swap3A_727 = vector.shape_cast %swap3A_726 : vector<1x212x128xf32> to vector<212x128xf32>
    %swap3A_728 = vector.shape_cast %slice3A_722 : vector<212x128xf32> to vector<1x212x128xf32>
    tpu.vector_store %arg3[%swap3A_723, %swap3A_724, %swap3A_725], %swap3A_728 {strides = array<i32>} : memref<1x25000x128xf32, #tpu.memory_space<vmem>>, vector<1x212x128xf32>,
    %slice3A_729 = vector.extract_strided_slice %add3A_721 {offsets = [0, 128], sizes = [212, 128], strides = [1, 1]} : vector<212x256xf32> to vector<212x128xf32>
    %swap3A_730 = arith.constant 0 : index
    %swap3A_731 = arith.constant 24788 : index
    %swap3A_732 = arith.constant 0 : index
    %swap3A_733 = vector.load %arg3[%swap3A_730, %swap3A_731, %swap3A_732] : memref<1x25000x128xf32, #tpu.memory_space<vmem>>, vector<1x212x128xf32>
    %swap3A_734 = vector.shape_cast %swap3A_733 : vector<1x212x128xf32> to vector<212x128xf32>
    %swap3A_735 = vector.shape_cast %slice3A_729 : vector<212x128xf32> to vector<1x212x128xf32>
    tpu.vector_store %arg3[%swap3A_730, %swap3A_731, %swap3A_732], %swap3A_735 {strides = array<i32>} : memref<1x25000x128xf32, #tpu.memory_space<vmem>>, vector<1x212x128xf32>,
    return
  }
  func.func @transform_0(%arg0: i32) -> (i32, i32, i32) {
    %add3A = arith.constant 0 : i32
    %add3A_0 = arith.addi %add3A, %arg0 : i32
    %c0_i32 = arith.constant 0 : i32
    %c0_i32_1 = arith.constant 0 : i32
    %c0_i32_2 = arith.constant 0 : i32
    return %add3A_0, %c0_i32, %c0_i32_1 : i32, i32, i32
  }
  func.func @transform_1(%arg0: i32) -> (i32, i32) {
    %c0_i32 = arith.constant 0 : i32
    %c0_i32_0 = arith.constant 0 : i32
    %c0_i32_1 = arith.constant 0 : i32
    return %c0_i32, %c0_i32_0 : i32, i32
  }
  func.func @transform_2(%arg0: i32) -> (i32, i32, i32) {
    %c0_i32 = arith.constant 0 : i32
    %c0_i32_0 = arith.constant 0 : i32
    %c0_i32_1 = arith.constant 0 : i32
    return %arg0, %c0_i32, %c0_i32_0 : i32, i32, i32
  }
}

module attributes {stable_mosaic.version = 14 : i64} {
  func.func @_mlp_body(%arg0: i32, %arg1: memref<2048x16xf32, #tpu.memory_space<vmem>>, %arg2: memref<2048x16xf32, #tpu.memory_space<vmem>>, %arg3: memref<16x16xf32, #tpu.memory_space<vmem>>, %arg4: memref<1x16xf32, #tpu.memory_space<vmem>>, %arg5: memref<16x32xf32, #tpu.memory_space<vmem>>, %arg6: memref<1x32xf32, #tpu.memory_space<vmem>>, %arg7: memref<32x64xf32, #tpu.memory_space<vmem>>, %arg8: memref<1x64xf32, #tpu.memory_space<vmem>>, %arg9: memref<2048x64xf32, #tpu.memory_space<vmem>>) attributes {dimension_semantics = [#tpu.dimension_semantics<arbitrary>], iteration_bounds = array<i64: 8>, scalar_prefetch = 0 : i64, scratch_operands = 0 : i64, tpu.core_type = #tpu.core_type<tc>, window_params = [{transform_indices = @transform_0, window_bounds = array<i64: 2048, 16>}, {transform_indices = @transform_1, window_bounds = array<i64: 2048, 16>}, {pipeline_mode = #tpu.pipeline_mode<synchronous>, transform_indices = @transform_2, window_bounds = array<i64: 16, 16>}, {pipeline_mode = #tpu.pipeline_mode<synchronous>, transform_indices = @transform_3, window_bounds = array<i64: 1, 16>}, {pipeline_mode = #tpu.pipeline_mode<synchronous>, transform_indices = @transform_4, window_bounds = array<i64: 16, 32>}, {pipeline_mode = #tpu.pipeline_mode<synchronous>, transform_indices = @transform_5, window_bounds = array<i64: 1, 32>}, {pipeline_mode = #tpu.pipeline_mode<synchronous>, transform_indices = @transform_6, window_bounds = array<i64: 32, 64>}, {pipeline_mode = #tpu.pipeline_mode<synchronous>, transform_indices = @transform_7, window_bounds = array<i64: 1, 64>}, {transform_indices = @transform_8, window_bounds = array<i64: 2048, 64>}]} {
    %get3A = arith.constant 0 : index
    %get3A_0 = arith.constant 0 : index
    %get3A_1 = vector.load %arg1[%get3A, %get3A_0] : memref<2048x16xf32, #tpu.memory_space<vmem>>, vector<2048x16xf32>
    %get3A_2 = arith.constant 0 : index
    %get3A_3 = arith.constant 0 : index
    %get3A_4 = vector.load %arg2[%get3A_2, %get3A_3] : memref<2048x16xf32, #tpu.memory_space<vmem>>, vector<2048x16xf32>
    %add3A = arith.addf %get3A_1, %get3A_4 : vector<2048x16xf32>
    %get3A_5 = arith.constant 0 : index
    %get3A_6 = arith.constant 0 : index
    %get3A_7 = vector.load %arg3[%get3A_5, %get3A_6] : memref<16x16xf32, #tpu.memory_space<vmem>>, vector<16x16xf32>
    %dot_general3A = arith.constant dense<0.000000e+00> : vector<2048x16xf32>
    %dot_general3A_8 = tpu.matmul %add3A, %get3A_7, %dot_general3A {dimension_numbers = #tpu.dot_dimension_numbers<[1], [0], [0], [1], [0, 0, 1, 1], [], []>, transpose_lhs_hint = false} : vector<2048x16xf32>, vector<16x16xf32>, vector<2048x16xf32> -> vector<2048x16xf32>
    %get3A_9 = arith.constant 0 : index
    %get3A_10 = arith.constant 0 : index
    %get3A_11 = vector.load %arg4[%get3A_9, %get3A_10] : memref<1x16xf32, #tpu.memory_space<vmem>>, vector<1x16xf32>
    %add3A_12 = vector.broadcast %get3A_11 : vector<1x16xf32> to vector<2048x16xf32>
    %add3A_13 = arith.addf %dot_general3A_8, %add3A_12 : vector<2048x16xf32>
    %max3A = arith.constant 0.000000e+00 : f32
    %max3A_14 = vector.broadcast %max3A : f32 to vector<2048x16xf32>
    %max3A_15 = arith.maximumf %add3A_13, %max3A_14 : vector<2048x16xf32>
    %get3A_16 = arith.constant 0 : index
    %get3A_17 = arith.constant 0 : index
    %get3A_18 = vector.load %arg5[%get3A_16, %get3A_17] : memref<16x32xf32, #tpu.memory_space<vmem>>, vector<16x32xf32>
    %dot_general3A_19 = arith.constant dense<0.000000e+00> : vector<2048x32xf32>
    %dot_general3A_20 = tpu.matmul %max3A_15, %get3A_18, %dot_general3A_19 {dimension_numbers = #tpu.dot_dimension_numbers<[1], [0], [0], [1], [0, 0, 1, 1], [], []>, transpose_lhs_hint = false} : vector<2048x16xf32>, vector<16x32xf32>, vector<2048x32xf32> -> vector<2048x32xf32>
    %get3A_21 = arith.constant 0 : index
    %get3A_22 = arith.constant 0 : index
    %get3A_23 = vector.load %arg6[%get3A_21, %get3A_22] : memref<1x32xf32, #tpu.memory_space<vmem>>, vector<1x32xf32>
    %add3A_24 = vector.broadcast %get3A_23 : vector<1x32xf32> to vector<2048x32xf32>
    %add3A_25 = arith.addf %dot_general3A_20, %add3A_24 : vector<2048x32xf32>
    %max3A_26 = arith.constant 0.000000e+00 : f32
    %max3A_27 = vector.broadcast %max3A_26 : f32 to vector<2048x32xf32>
    %max3A_28 = arith.maximumf %add3A_25, %max3A_27 : vector<2048x32xf32>
    %get3A_29 = arith.constant 0 : index
    %get3A_30 = arith.constant 0 : index
    %get3A_31 = vector.load %arg7[%get3A_29, %get3A_30] : memref<32x64xf32, #tpu.memory_space<vmem>>, vector<32x64xf32>
    %dot_general3A_32 = arith.constant dense<0.000000e+00> : vector<2048x64xf32>
    %dot_general3A_33 = tpu.matmul %max3A_28, %get3A_31, %dot_general3A_32 {dimension_numbers = #tpu.dot_dimension_numbers<[1], [0], [0], [1], [0, 0, 1, 1], [], []>, transpose_lhs_hint = false} : vector<2048x32xf32>, vector<32x64xf32>, vector<2048x64xf32> -> vector<2048x64xf32>
    %get3A_34 = arith.constant 0 : index
    %get3A_35 = arith.constant 0 : index
    %get3A_36 = vector.load %arg8[%get3A_34, %get3A_35] : memref<1x64xf32, #tpu.memory_space<vmem>>, vector<1x64xf32>
    %add3A_37 = vector.broadcast %get3A_36 : vector<1x64xf32> to vector<2048x64xf32>
    %add3A_38 = arith.addf %dot_general3A_33, %add3A_37 : vector<2048x64xf32>
    %max3A_39 = arith.constant 0.000000e+00 : f32
    %max3A_40 = vector.broadcast %max3A_39 : f32 to vector<2048x64xf32>
    %max3A_41 = arith.maximumf %add3A_38, %max3A_40 : vector<2048x64xf32>
    %swap3A = arith.constant 0 : index
    %swap3A_42 = arith.constant 0 : index
    %swap3A_43 = vector.load %arg9[%swap3A, %swap3A_42] : memref<2048x64xf32, #tpu.memory_space<vmem>>, vector<2048x64xf32>
    tpu.vector_store %arg9[%swap3A, %swap3A_42], %max3A_41 {strides = array<i32>} : memref<2048x64xf32, #tpu.memory_space<vmem>>, vector<2048x64xf32>,
    return
  }
  func.func @transform_0(%arg0: i32) -> (i32, i32) {
    %c0_i32 = arith.constant 0 : i32
    %c0_i32_0 = arith.constant 0 : i32
    return %arg0, %c0_i32 : i32, i32
  }
  func.func @transform_1(%arg0: i32) -> (i32, i32) {
    %c0_i32 = arith.constant 0 : i32
    %c0_i32_0 = arith.constant 0 : i32
    return %arg0, %c0_i32 : i32, i32
  }
  func.func @transform_2(%arg0: i32) -> (i32, i32) {
    %c0_i32 = arith.constant 0 : i32
    %c0_i32_0 = arith.constant 0 : i32
    %c0_i32_1 = arith.constant 0 : i32
    return %c0_i32, %c0_i32_0 : i32, i32
  }
  func.func @transform_3(%arg0: i32) -> (i32, i32) {
    %c0_i32 = arith.constant 0 : i32
    %c0_i32_0 = arith.constant 0 : i32
    %c0_i32_1 = arith.constant 0 : i32
    return %c0_i32, %c0_i32_0 : i32, i32
  }
  func.func @transform_4(%arg0: i32) -> (i32, i32) {
    %c0_i32 = arith.constant 0 : i32
    %c0_i32_0 = arith.constant 0 : i32
    %c0_i32_1 = arith.constant 0 : i32
    return %c0_i32, %c0_i32_0 : i32, i32
  }
  func.func @transform_5(%arg0: i32) -> (i32, i32) {
    %c0_i32 = arith.constant 0 : i32
    %c0_i32_0 = arith.constant 0 : i32
    %c0_i32_1 = arith.constant 0 : i32
    return %c0_i32, %c0_i32_0 : i32, i32
  }
  func.func @transform_6(%arg0: i32) -> (i32, i32) {
    %c0_i32 = arith.constant 0 : i32
    %c0_i32_0 = arith.constant 0 : i32
    %c0_i32_1 = arith.constant 0 : i32
    return %c0_i32, %c0_i32_0 : i32, i32
  }
  func.func @transform_7(%arg0: i32) -> (i32, i32) {
    %c0_i32 = arith.constant 0 : i32
    %c0_i32_0 = arith.constant 0 : i32
    %c0_i32_1 = arith.constant 0 : i32
    return %c0_i32, %c0_i32_0 : i32, i32
  }
  func.func @transform_8(%arg0: i32) -> (i32, i32) {
    %c0_i32 = arith.constant 0 : i32
    %c0_i32_0 = arith.constant 0 : i32
    return %arg0, %c0_i32 : i32, i32
  }
}

</mosaic_0001>

<sc_bundles>
// kernel: kernel.10.cloned.1.call-start
scs
__scs_entry_jumppad:
0x0: {  	(pc) =	sbr.rel $0x88, $3  }
0x1: {  	(tag) =	ssettag $0x0;
	lr =	simm.s32 $0x1  }
0x2: {  	[smem:$0x3F99] =	sst lr;
	_ =	strace $0xD0000000  }
0x3: {  	_ = 	snop  }
0x4: {  	_ = 	snop  }
0x5: {  	_ = 	snop  }
0x6: {  	_ = 	snop  }
0x7: {  	_ = 	snop  }
__scs_overlays_trampoline_lowered:
0x8: {  	[smem:$0x3FA8] =	sst s0  }
0x9: {  	[smem:$0x3FA9] =	sst s1  }
0xa: {  	[smem:$0x3FAA] =	sst s2  }
0xb: {  	[smem:$0x3FAB] =	sst s3  }
0xc: {  	[smem:$0x3FAC] =	sst s4  }
0xd: {  	[smem:$0x3FAD] =	sst s5  }
0xe: {  	[smem:$0x3FAE] =	sst s6  }
0xf: {  	[smem:$0x3FAF] =	sst s7  }
0x10: {  	[smem:$0x3FB0] =	sst s8  }
0x11: {  	[smem:$0x3FB1] =	sst s9;
	s0 =	simm.s32 @!p0 $0x0  }
0x12: {  	s1 =	sld [smem:$0x3F97];
	s0 =	simm.s32 @p0 $0x1  }
0x13: {  	[smem:$0x3FB2] =	sst s0;
	s0 =	simm.s32 @!p1 $0x0  }
0x14: {  	s2 =	sld [smem:$0x3F96];
	s0 =	simm.s32 @p1 $0x1  }
0x15: {  	[smem:$0x3FB3] =	sst s0;
	s0 =	simm.s32 @!p2 $0x0  }
0x16: {  	s3 =	sld [smem:$0x3FDB];
	s0 =	simm.s32 @p2 $0x1  }
0x17: {  	s4 =	simm.s32 $0x1BF5;
	[smem:$0x3FB5] =	sst s0  }
0x18: {  	s0 =	sld [smem:$0x3F98];
	_ =	swait.ge [sflag:s4], $0x0  }
0x19: {  	s7 =	sld [smem:$0x3F99]  }
0x1a: {  	s8 =	sadd.s32 $0xFFFFE003, lr  }
0x1b: {  	s9 =	sadd.s32 $0xFFFFFEF7, lr;
	s5 =	simm.s32 $0xFFFFFFFF;
	p2 =	slt.u32 s8, $0xFFFFF086  }
0x1c: {  	p1 =	slt.u32 s9, $0xF7A;
	s5 =	simm.s32 @!p2 $0x0  }
0x1d: {  	s5 =	simm.s32 @p1 $0x1;
	p0 =	seq.s32 s7, s2  }
0x1e: {  	s7 =	smul.u32 @!p0 $0xF7A, s2;
	p2 =	seq.s32 @!p0 s5, $0x0  }
0x1f: {  	s9 =	smul.u32 $0xF7A, s1;
	s8 =	simm.s32 @!p0 $0x1BF5;
	p2 =	por !p2, p0  }
0x20: {  	[sflag:s8] =	ssyncset.s32 @!p0 $0xFFFFF086;
	s6 =	sadd.s32 @!p0 s3, s7;
	s7 =	simm.s32 @!p0 $0x108  }
0x21: {  	s3 =	sadd.s32 s3, s9;
	s6 =	sadd.s32 @!p0 $0x88, s6;
	s7 =	simm.s32 @p2 $0x1082  }
0x22: {  	[simem:s7], [sflag:s8] =	dma.local @!p0 [hbm:s6], $0xF7A  }
0x23: {  	s9 =	sor.u32 $0xD0000000, s2;
	s6 =	simm.s32 $0x108;
	_ =	swait.ge @!p0 [sflag:s8], $0x0  }
0x24: {  	s3 =	sadd.s32 $0x88, s3;
	s6 =	simm.s32 @!p1 $0x1082;
	[sflag:s4] =	ssyncset.s32 $0xFFFFF086  }
0x25: {  	[simem:s6], [sflag:s4] =	dma.local [hbm:s3], $0xF7A  }
0x26: {  	[smem:$0x3F99] =	sst s1;
	(tag) =	ssettag s2;
	_ =	strace s9  }
0x27: {  	s1 =	sld [smem:$0x3FA9]  }
0x28: {  	s2 =	sld [smem:$0x3FAA]  }
0x29: {  	s4 =	sld [smem:$0x3FAC]  }
0x2a: {  	p0 =	seq.s32 s5, $0x0;
	s5 =	sld [smem:$0x3FAD]  }
0x2b: {  	s6 =	sld [smem:$0x3FAE]  }
0x2c: {  	s7 =	sld [smem:$0x3FAF]  }
0x2d: {  	s3 =	simm.s32 $0x108;
	s8 =	sld [smem:$0x3FB0]  }
0x2e: {  	s3 =	simm.s32 @!p0 $0x1082;
	s9 =	sld [smem:$0x3FB1]  }
0x2f: {  	lr =	sadd.s32 s0, s3;
	s0 =	sld [smem:$0x3FA8]  }
0x30: {  	s3 =	sld [smem:$0x3FAB]  }
0x31: {  	[smem:$0x3FB4] =	sst s10  }
0x32: {  	s10 =	sld [smem:$0x3FB2];
	_ =	sdelay $0x3  }
0x33: {  	p0 =	seq.s32 s10, $0x1;
	s10 =	sld [smem:$0x3FB4];
	_ =	sdelay $0x3  }
0x34: {  	[smem:$0x3FB4] =	sst s10  }
0x35: {  	s10 =	sld [smem:$0x3FB3];
	_ =	sdelay $0x3  }
0x36: {  	p1 =	seq.s32 s10, $0x1;
	s10 =	sld [smem:$0x3FB4];
	_ =	sdelay $0x3  }
0x37: {  	[smem:$0x3FB4] =	sst s10  }
0x38: {  	s10 =	sld [smem:$0x3FB5]  }
0x39: {  	_ = 	snop;
	(pc) =	sbr.ind lr, $3  }
0x3a: {  	_ = 	snop  }
0x3b: {  	_ = 	snop  }
0x3c: {  	p2 =	seq.s32 s10, $0x1;
	s10 =	sld [smem:$0x3FB4]  }
0x3d: {  	_ =	shalt  }
0x3e: {  	_ =	shalt  }
0x3f: {  	_ =	shalt  }
0x40: {  	_ =	shalt  }
0x41: {  	_ =	shalt  }
0x42: {  	_ =	shalt  }
0x43: {  	_ =	shalt  }
0x44: {  	_ =	shalt  }
0x45: {  	_ =	shalt  }
0x46: {  	_ =	shalt  }
0x47: {  	_ =	shalt  }
0x48: {  	_ =	shalt  }
0x49: {  	_ =	shalt  }
0x4a: {  	_ =	shalt  }
0x4b: {  	_ =	shalt  }
0x4c: {  	_ =	shalt  }
0x4d: {  	_ =	shalt  }
0x4e: {  	_ =	shalt  }
0x4f: {  	_ =	shalt  }
0x50: {  	_ =	shalt  }
0x51: {  	_ =	shalt  }
0x52: {  	_ =	shalt  }
0x53: {  	_ =	shalt  }
0x54: {  	_ =	shalt  }
0x55: {  	_ =	shalt  }
0x56: {  	_ =	shalt  }
0x57: {  	_ =	shalt  }
0x58: {  	_ =	shalt  }
0x59: {  	_ =	shalt  }
0x5a: {  	_ =	shalt  }
0x5b: {  	_ =	shalt  }
0x5c: {  	_ =	shalt  }
0x5d: {  	_ =	shalt  }
0x5e: {  	_ =	shalt  }
0x5f: {  	_ =	shalt  }
0x60: {  	_ =	shalt  }
0x61: {  	_ =	shalt  }
0x62: {  	_ =	shalt  }
0x63: {  	_ =	shalt  }
0x64: {  	_ =	shalt  }
0x65: {  	_ =	shalt  }
0x66: {  	_ =	shalt  }
0x67: {  	_ =	shalt  }
0x68: {  	_ =	shalt  }
0x69: {  	_ =	shalt  }
0x6a: {  	_ =	shalt  }
0x6b: {  	_ =	shalt  }
0x6c: {  	_ =	shalt  }
0x6d: {  	_ =	shalt  }
0x6e: {  	_ =	shalt  }
0x6f: {  	_ =	shalt  }
0x70: {  	_ =	shalt  }
0x71: {  	_ =	shalt  }
0x72: {  	_ =	shalt  }
0x73: {  	_ =	shalt  }
0x74: {  	_ =	shalt  }
0x75: {  	_ =	shalt  }
0x76: {  	_ =	shalt  }
0x77: {  	_ =	shalt  }
0x78: {  	_ =	shalt  }
0x79: {  	_ =	shalt  }
0x7a: {  	_ =	shalt  }
0x7b: {  	_ =	shalt  }
0x7c: {  	_ =	shalt  }
0x7d: {  	_ =	shalt  }
0x7e: {  	_ =	shalt  }
0x7f: {  	_ =	shalt  }
0x80: {  	_ =	shalt  }
0x81: {  	_ =	shalt  }
0x82: {  	_ =	shalt  }
0x83: {  	_ =	shalt  }
0x84: {  	_ =	shalt  }
0x85: {  	_ =	shalt  }
0x86: {  	_ =	shalt  }
0x87: {  	_ =	shalt  }
.Lfunc_end0:
.L_simem_size_0:
called_computation.1_lowered:
.L_overlay_start_0:
0x88: {  	s2 =	sld [smem:$0x3FD9]  }
0x89: {  	s3 =	sld [smem:$0x3FFE];
	_ =	sdelay $0x1  }
0x8a: {  	s1 =	srdreg.scid  }
0x8b: {  	s0 =	sand.u32 $0x1, s1  }
0x8c: {  	s16 =	sshll.u32 s0, $0xA;
	s2 =	sadd.s32 s3, s2  }
0x8d: {  	s2 =	sadd.s32 s2, s16  }
0x8e: {  	[smem:$0x3FC0] =	sst s2  }
0x8f: {  	_ = 	snop  }
0x90: {  	(tm) =	ssettm $0x1  }
0x91: {  	s17 =	sld [smem:$0x3FFB];
	_ =	sdelay $0x3  }
0x92: {  	_ =	strace s17  }
0x93: {  	s2 =	sld [smem:$0x3FFC];
	_ =	sdelay $0x3  }
0x94: {  	_ =	strace s2  }
0x95: {  	s2 =	sld [smem:$0x3FFD];
	_ =	sdelay $0x3  }
0x96: {  	_ =	strace s2  }
0x97: {  	_ =	strace $0x8FFFFFFF  }
0x98: {  	s18 =	sld [smem:$0x3FDB];
	_ =	sdelay $0x1  }
0x99: {  	s19 =	simm.s32 $_scs_section_size  }
0x9a: {  	s4 =	simm.s32 $_size__tile_overlayer_lowered;
	s5 =	simm.s32 $_tile_overlayer_lowered  }
0x9b: {  	s22 =	simm.s32 $0x1BFF;
	s21 =	sshll.u32 s5, $0x1;
	s2 =	sadd.s32 s19, s18  }
0x9c: {  	s6 =	simm.s32 $0x0;
	s20 =	sshll.u32 s4, $0x1;
	s4 =	sadd.s32 s21, s2  }
0x9d: {  	[timem:s6], [sflag:s22] =	dma.local [hbm:s4], s20  }
0x9e: {  	_ =	swait.ge [sflag:s22], s20  }
0x9f: {  	s3 =	ssub.s32 $0x0, s20;
	[sflag:s22] =	ssyncset.done $0x0  }
0xa0: {  	[sflag:s22] =	ssyncadd.s32 s3;
	_ =	sdelay $0x1  }
0xa1: {  	s23 =	simm.s32 $0x1B8B  }
0xa2: {  	_ =	swait.ge [sflag:s23], $0x1  }
0xa3: {  	[sflag:s23] =	ssyncset.done $0x0  }
0xa4: {  	s25 =	simm.s32 $0x1B8E;
	s24 =	sld [smem:$0x3FFE];
	[sflag:s23] =	ssyncadd.s32 $0xFFFFFFFF  }
0xa5: {  	s26 =	simm.s32 $execute0_lowered;
	[smem:$0x3FD2] =	sst s25  }
0xa6: {  	s4 =	sshll.u32 s26, $0x1;
	_ =	strace $0x80000046;
	[dreg:$0x1] =	wrdreg $0xFFFFFFFF  }
0xa7: {  	s28 =	simm.s32 $_size_execute0_lowered;
	s2 =	sadd.s32 s2, s4;
	[dreg:$0x0] =	wrdreg $0x0  }
0xa8: {  	s4 =	sshll.u32 s28, $0x1;
	[dreg:$0x2] =	wrdreg s2  }
0xa9: {  	[dreg:$0x3] =	wrdreg s4  }
0xaa: {  	[dreg:$0x4] =	wrdreg $0xC0  }
0xab: {  	_ =	task [dreg:s6], $0x5FFFF  }
0xac: {  	[dreg:$0x1] =	wrdreg $0xFFFFFFFF  }
0xad: {  	[dreg:$0x0] =	wrdreg $0x60  }
0xae: {  	[dreg:$0x2] =	wrdreg s24  }
0xaf: {  	[dreg:$0x3] =	wrdreg $0xA  }
0xb0: {  	_ =	task.clear_ibuf [dreg:s6], $0x4FFFF;
	_ =	strace $0x90000046  }
0xb1: {  	s29 =	simm.s32 $0xA;
	_ =	strace $0x80000048  }
0xb2: {  	_ =	swait.ge [sflag:s29], $0x1  }
0xb3: {  	[sflag:s29] =	ssyncadd.s32 $0xFFFFFFFF  }
0xb4: {  	_ =	strace $0x90000048  }
0xb5: {  	_ =	sfence  }
0xb6: {  	s30 =	sld [smem:$0x0];
	_ =	sdelay $0x2  }
0xb7: {  	s31 =	sshll.u32 s1, $0xD;
	s1 =	sshrl.u32 s1, $0x2  }
0xb8: {  	s3 =	sand.u32 $0x4000, s31;
	s1 =	sadd.s32 s1, s30  }
0xb9: {  	s0 =	sor.u32 s3, s0;
	s1 =	sshll.u32 s1, $0x11  }
0xba: {  	s0 =	sor.u32 s1, s0  }
0xbb: {  	s0 =	sadd.s32 $0x8F2B, s0  }
0xbc: {  	[sflag:s0] =	ssyncadd.remote.s32 $0x1  }
0xbd: {  	_ =	sfence.sel $0xFFFF  }
0xbe: {  	[dreg:$0x0] =	wrdreg $0xFFFFFFFF;
	(pc) =	sbr.abs _section_cstart, $3  }
0xbf: {  	[dreg:$0x1] =	wrdreg $0xFFFFFFFF  }
0xc0: {  	_ =	task.clear_ibuf [dreg:s6], $0x2FFFF;
	_ =	strace $0x9FFFFFFF  }
0xc1: {  	(tm) =	ssettm $0x7FFFFFFF  }
tec
execute0_lowered:
.L_overlay_start_1:
0x0: {  	(tag) =	ssettag $0x1  }
0x1: {  	s1 =	srdreg.scid  }
0x2: {  	s0 =	stileid.u32;
	s4 =	rddreg [dreg:$0x0];
	s2 =	simm.s32 $0x0  }
0x3: {  	s9 =	simm.s32 $0x1C00;
	s10 =	simm.s32 $0x2400;
	s11 =	simm.s32 $0x2C00  }
0x4: {  	s12 =	simm.s32 $0x3400;
	s13 =	simm.s32 $0x3C00;
	s14 =	simm.s32 $0x4400  }
0x5: {  	s15 =	simm.s32 $0x4C00;
	s16 =	simm.s32 $0x5400;
	s17 =	simm.s32 $0x5C00  }
0x6: {  	s18 =	simm.s32 $0x6400;
	s19 =	simm.s32 $0x6C00;
	s20 =	simm.s32 $0x7400  }
0x7: {  	s21 =	simm.s32 $0x7C00;
	s22 =	simm.s32 $0x8400;
	s23 =	simm.s32 $0x1  }
0x8: {  	s24 =	simm.s32 $0x8C00;
	s5 =	sand.u32 $0x1, s1;
	s1 =	rddreg [dreg:$0x1]  }
0x9: {  	s25 =	simm.s32 $0x0;
	s3 =	sshll.u32 s0, $0x1;
	[smem:$0x7FF] =	sst s2  }
0xa: {  	s6 =	sor.u32 s5, s3;
	_ =	strace $0x80000047;
	s5 =	ssub.s32 $0x2, s5  }
0xb: {  	s7 =	smul.u32 $0x380, s6;
	s6 =	sshll.u32 s6, $0xA;
	s8 =	sshrl.u32 s5, $0x1  }
0xc: {  	s3 =	sadd.s32 $0x8400, s4;
	s6 =	sadd.s32 s6, s4;
	s8 =	ssub.s32 s5, s8  }
0xd: {  	s7 =	sadd.s32 s7, s4;
	s5 =	sadd.s32 $0x2B3E00, s6;
	s6 =	smax.u32 s8, $0x1  }
0xe: {  	s8 =	simm.s32 $0x80;
	s4 =	sadd.s32 $0x1400, s7;
	s7 =	simm.s32 $0x2  }
.LBB2_1:
0xf: {  	[tilespmem:s2], [sflag:$0x2] =	stream.linear.gather [hbm4b:s4+s2], $0x1C00, $0x38;
	[tilespmem:$0x9400] =	vst v63  }
0x10: {  	_ =	swait.ge [sflag:s7], $0x1C00  }
0x11: {  	[sflag:s7] =	ssyncset.done $0x0  }
0x12: {  	s26 =	simm.s32 $0x0;
	[sflag:s7] =	ssyncadd.s32 $0xFFFFE400  }
.LBB2_2:
0x13: {  	s28 =	sshll.u32 s26, $0x7  }
0x14: {  	s28 =	sand.u32 $0x3FFFFF80, s28  }
0x15: {  	[tilespmem:s9], [sflag:$0x1] =	stream.indirect.gather [hbm4b:s3+s8], $0x10, s28, s8, $0xb8;
	[tilespmem:$0x9400] =	vst v63  }
0x16: {  	s29 =	sadd.s32 $0x200, s28  }
0x17: {  	[tilespmem:s10], [sflag:$0x1] =	stream.indirect.gather [hbm4b:s3+s8], $0x10, s29, s8, $0xb8;
	[tilespmem:$0x9400] =	vst v63  }
0x18: {  	s29 =	sadd.s32 $0x400, s28  }
0x19: {  	[tilespmem:s11], [sflag:$0x1] =	stream.indirect.gather [hbm4b:s3+s8], $0x10, s29, s8, $0xb8;
	[tilespmem:$0x9400] =	vst v63  }
0x1a: {  	s29 =	sadd.s32 $0x600, s28  }
0x1b: {  	[tilespmem:s12], [sflag:$0x1] =	stream.indirect.gather [hbm4b:s3+s8], $0x10, s29, s8, $0xb8;
	[tilespmem:$0x9400] =	vst v63  }
0x1c: {  	s29 =	sadd.s32 $0x800, s28  }
0x1d: {  	[tilespmem:s13], [sflag:$0x1] =	stream.indirect.gather [hbm4b:s3+s8], $0x10, s29, s8, $0xb8;
	[tilespmem:$0x9400] =	vst v63  }
0x1e: {  	s29 =	sadd.s32 $0xA00, s28  }
0x1f: {  	[tilespmem:s14], [sflag:$0x1] =	stream.indirect.gather [hbm4b:s3+s8], $0x10, s29, s8, $0xb8;
	[tilespmem:$0x9400] =	vst v63  }
0x20: {  	s29 =	sadd.s32 $0xC00, s28  }
0x21: {  	[tilespmem:s15], [sflag:$0x1] =	stream.indirect.gather [hbm4b:s3+s8], $0x10, s29, s8, $0xb8;
	[tilespmem:$0x9400] =	vst v63  }
0x22: {  	s29 =	sadd.s32 $0xE00, s28  }
0x23: {  	[tilespmem:s16], [sflag:$0x1] =	stream.indirect.gather [hbm4b:s3+s8], $0x10, s29, s8, $0xb8;
	[tilespmem:$0x9400] =	vst v63  }
0x24: {  	s29 =	sadd.s32 $0x1000, s28  }
0x25: {  	[tilespmem:s17], [sflag:$0x1] =	stream.indirect.gather [hbm4b:s3+s8], $0x10, s29, s8, $0xb8;
	[tilespmem:$0x9400] =	vst v63  }
0x26: {  	s29 =	sadd.s32 $0x1200, s28  }
0x27: {  	[tilespmem:s18], [sflag:$0x1] =	stream.indirect.gather [hbm4b:s3+s8], $0x10, s29, s8, $0xb8;
	[tilespmem:$0x9400] =	vst v63  }
0x28: {  	s29 =	sadd.s32 $0x1400, s28  }
0x29: {  	[tilespmem:s19], [sflag:$0x1] =	stream.indirect.gather [hbm4b:s3+s8], $0x10, s29, s8, $0xb8;
	[tilespmem:$0x9400] =	vst v63  }
0x2a: {  	s29 =	sadd.s32 $0x1600, s28  }
0x2b: {  	[tilespmem:s20], [sflag:$0x1] =	stream.indirect.gather [hbm4b:s3+s8], $0x10, s29, s8, $0xb8;
	[tilespmem:$0x9400] =	vst v63  }
0x2c: {  	s29 =	sadd.s32 $0x1800, s28  }
0x2d: {  	[tilespmem:s21], [sflag:$0x1] =	stream.indirect.gather [hbm4b:s3+s8], $0x10, s29, s8, $0xb8;
	[tilespmem:$0x9400] =	vst v63  }
0x2e: {  	s28 =	sadd.s32 $0x1A00, s28  }
0x2f: {  	[tilespmem:s22], [sflag:$0x1] =	stream.indirect.gather [hbm4b:s3+s8], $0x10, s28, s8, $0xb8;
	[tilespmem:$0x9400] =	vst v63  }
0x30: {  	_ =	swait.ge [sflag:s23], $0x800  }
0x31: {  	[sflag:s23] =	ssyncset.done $0x0  }
0x32: {  	[sflag:s23] =	ssyncadd.s32 $0xFFFFF800  }
0x33: {  	_ =	swait.ge [sflag:s23], $0x800  }
0x34: {  	[sflag:s23] =	ssyncset.done $0x0  }
0x35: {  	[sflag:s23] =	ssyncadd.s32 $0xFFFFF800  }
0x36: {  	_ =	swait.ge [sflag:s23], $0x800  }
0x37: {  	[sflag:s23] =	ssyncset.done $0x0  }
0x38: {  	[sflag:s23] =	ssyncadd.s32 $0xFFFFF800  }
0x39: {  	_ =	swait.ge [sflag:s23], $0x800  }
0x3a: {  	[sflag:s23] =	ssyncset.done $0x0  }
0x3b: {  	[sflag:s23] =	ssyncadd.s32 $0xFFFFF800  }
0x3c: {  	_ =	swait.ge [sflag:s23], $0x800  }
0x3d: {  	[sflag:s23] =	ssyncset.done $0x0  }
0x3e: {  	[sflag:s23] =	ssyncadd.s32 $0xFFFFF800  }
0x3f: {  	_ =	swait.ge [sflag:s23], $0x800  }
0x40: {  	[sflag:s23] =	ssyncset.done $0x0  }
0x41: {  	[sflag:s23] =	ssyncadd.s32 $0xFFFFF800  }
0x42: {  	_ =	swait.ge [sflag:s23], $0x800  }
0x43: {  	[sflag:s23] =	ssyncset.done $0x0  }
0x44: {  	[sflag:s23] =	ssyncadd.s32 $0xFFFFF800  }
0x45: {  	_ =	swait.ge [sflag:s23], $0x800  }
0x46: {  	[sflag:s23] =	ssyncset.done $0x0  }
0x47: {  	[sflag:s23] =	ssyncadd.s32 $0xFFFFF800  }
0x48: {  	_ =	swait.ge [sflag:s23], $0x800  }
0x49: {  	[sflag:s23] =	ssyncset.done $0x0  }
0x4a: {  	[sflag:s23] =	ssyncadd.s32 $0xFFFFF800  }
0x4b: {  	_ =	swait.ge [sflag:s23], $0x800  }
0x4c: {  	[sflag:s23] =	ssyncset.done $0x0  }
0x4d: {  	[sflag:s23] =	ssyncadd.s32 $0xFFFFF800  }
0x4e: {  	_ =	swait.ge [sflag:s23], $0x800  }
0x4f: {  	[sflag:s23] =	ssyncset.done $0x0  }
0x50: {  	[sflag:s23] =	ssyncadd.s32 $0xFFFFF800  }
0x51: {  	_ =	swait.ge [sflag:s23], $0x800  }
0x52: {  	[sflag:s23] =	ssyncset.done $0x0  }
0x53: {  	[sflag:s23] =	ssyncadd.s32 $0xFFFFF800  }
0x54: {  	_ =	swait.ge [sflag:s23], $0x800  }
0x55: {  	[sflag:s23] =	ssyncset.done $0x0  }
0x56: {  	[sflag:s23] =	ssyncadd.s32 $0xFFFFF800  }
0x57: {  	_ =	swait.ge [sflag:s23], $0x800  }
0x58: {  	[sflag:s23] =	ssyncset.done $0x0  }
0x59: {  	s28 =	simm.s32 $0x0;
	[sflag:s23] =	ssyncadd.s32 $0xFFFFF800  }
0x5a: {  	v0 =	vld [tilespmem:s28+$0x1C10]  }
0x5b: {  	v1 =	vld [tilespmem:s28+$0x2410]  }
0x5c: {  	v2 =	vld [tilespmem:s28+$0x1C00]  }
0x5d: {  	v3 =	vld [tilespmem:s28+$0x2C10]  }
0x5e: {  	v4 =	vld [tilespmem:s28+$0x2400]  }
0x5f: {  	v5 =	vld [tilespmem:s28+$0x3410]  }
0x60: {  	v6 =	vld [tilespmem:s28+$0x2C00];
	v0 =	vadd.f32 v1, v0  }
0x61: {  	v1 =	vld [tilespmem:s28+$0x3C10]  }
0x62: {  	v7 =	vld [tilespmem:s28+$0x3400];
	v0 =	vadd.f32 v3, v0  }
0x63: {  	v2 =	vadd.f32 v4, v2;
	v3 =	vld [tilespmem:s28+$0x4410]  }
0x64: {  	v4 =	vld [tilespmem:s28+$0x3C00];
	v0 =	vadd.f32 v5, v0  }
0x65: {  	v2 =	vadd.f32 v6, v2;
	v5 =	vld [tilespmem:s28+$0x4C10]  }
0x66: {  	v6 =	vld [tilespmem:s28+$0x4400];
	v0 =	vadd.f32 v1, v0  }
0x67: {  	v2 =	vadd.f32 v7, v2;
	v1 =	vld [tilespmem:s28+$0x5410]  }
0x68: {  	v7 =	vld [tilespmem:s28+$0x4C00];
	v0 =	vadd.f32 v3, v0  }
0x69: {  	v2 =	vadd.f32 v4, v2;
	v3 =	vld [tilespmem:s28+$0x5C10]  }
0x6a: {  	v4 =	vld [tilespmem:s28+$0x5400];
	v0 =	vadd.f32 v5, v0  }
0x6b: {  	v2 =	vadd.f32 v6, v2;
	v5 =	vld [tilespmem:s28+$0x6410]  }
0x6c: {  	v6 =	vld [tilespmem:s28+$0x5C00];
	v0 =	vadd.f32 v1, v0  }
0x6d: {  	v8 =	vld [tilespmem:s28+$0x6C10];
	v1 =	vadd.f32 v7, v2  }
0x6e: {  	v7 =	vld [tilespmem:s28+$0x6400];
	v0 =	vadd.f32 v3, v0  }
0x6f: {  	v9 =	vld [tilespmem:s28+$0x7410];
	v1 =	vadd.f32 v4, v1  }
0x70: {  	v3 =	vld [tilespmem:s28+$0x6C00];
	v2 =	vadd.f32 v5, v0  }
0x71: {  	v0 =	vld [tilespmem:s28+$0x7C10];
	v4 =	vadd.f32 v6, v1  }
0x72: {  	v1 =	vld [tilespmem:s28+$0x7400];
	v5 =	vadd.f32 v8, v2  }
0x73: {  	v2 =	vld [tilespmem:s28+$0x8410];
	v6 =	vadd.f32 v7, v4  }
0x74: {  	s30 =	simm.s32 $0x80;
	s29 =	simm.s32 $0x0;
	v4 =	vld [tilespmem:s28+$0x7C00];
	v5 =	vadd.f32 v9, v5  }
.LBB2_3:
0x75: {  	s31 =	sshra.s32 s30, $0x2;
	v3 =	vadd.f32 v3, v6;
	v6 =	vld [tilespmem:s28+$0x8400]  }
0x76: {  	s29 =	sadd.s32 $0x2, s29;
	v7 =	vld [tilespmem:s31+$0x1C10];
	v0 =	vadd.f32 v0, v5  }
0x77: {  	p0 =	slt.u32 s29, $0x7E;
	v5 =	vld [tilespmem:s31+$0x2410];
	v1 =	vadd.f32 v1, v3  }
0x78: {  	v3 =	vld [tilespmem:s31+$0x1C00];
	v0 =	vadd.f32 v2, v0  }
0x79: {  	v2 =	vld [tilespmem:s31+$0x2C10];
	v1 =	vadd.f32 v4, v1  }
0x7a: {  	v4 =	vld [tilespmem:s31+$0x2400];
	[tilespmem:s28+$0x8C10] =	vst v0  }
0x7b: {  	v0 =	vld [tilespmem:s31+$0x3410];
	v1 =	vadd.f32 v6, v1  }
0x7c: {  	v6 =	vld [tilespmem:s31+$0x2C00];
	v5 =	vadd.f32 v5, v7  }
0x7d: {  	v7 =	vld [tilespmem:s31+$0x3C10];
	[tilespmem:s28+$0x8C00] =	vst v1;
	s28 =	smov.u32 s31  }
0x7e: {  	v1 =	vld [tilespmem:s28+$0x3400];
	v2 =	vadd.f32 v2, v5  }
0x7f: {  	v3 =	vadd.f32 v4, v3;
	v4 =	vld [tilespmem:s28+$0x4410]  }
0x80: {  	v5 =	vld [tilespmem:s28+$0x3C00];
	v0 =	vadd.f32 v0, v2  }
0x81: {  	v2 =	vadd.f32 v6, v3;
	v3 =	vld [tilespmem:s28+$0x4C10]  }
0x82: {  	v6 =	vld [tilespmem:s28+$0x4400];
	v0 =	vadd.f32 v7, v0  }
0x83: {  	v1 =	vadd.f32 v1, v2;
	v2 =	vld [tilespmem:s28+$0x5410]  }
0x84: {  	v7 =	vld [tilespmem:s28+$0x4C00];
	v0 =	vadd.f32 v4, v0  }
0x85: {  	v1 =	vadd.f32 v5, v1;
	v4 =	vld [tilespmem:s28+$0x5C10]  }
0x86: {  	v5 =	vld [tilespmem:s28+$0x5400];
	v0 =	vadd.f32 v3, v0  }
0x87: {  	v1 =	vadd.f32 v6, v1;
	v6 =	vld [tilespmem:s28+$0x6410]  }
0x88: {  	v8 =	vld [tilespmem:s28+$0x5C00];
	v0 =	vadd.f32 v2, v0  }
0x89: {  	v1 =	vadd.f32 v7, v1;
	v2 =	vld [tilespmem:s28+$0x6C10]  }
0x8a: {  	v7 =	vld [tilespmem:s28+$0x6400];
	v0 =	vadd.f32 v4, v0  }
0x8b: {  	v1 =	vadd.f32 v5, v1;
	v5 =	vld [tilespmem:s28+$0x7410]  }
.Ltmp0:
0x8c: {  	v3 =	vld [tilespmem:s28+$0x6C00];
	v4 =	vadd.f32 v6, v0;
	(pc) =	sbr.rel @p0 .LBB2_3-.Ltmp0, $4  }
0x8d: {  	v6 =	vadd.f32 v8, v1;
	v0 =	vld [tilespmem:s28+$0x7C10]  }
0x8e: {  	v1 =	vld [tilespmem:s28+$0x7400];
	v8 =	vadd.f32 v2, v4  }
0x8f: {  	v6 =	vadd.f32 v7, v6;
	v2 =	vld [tilespmem:s28+$0x8410]  }
0x90: {  	s30 =	sadd.s32 $0x80, s30;
	v4 =	vld [tilespmem:s28+$0x7C00];
	v5 =	vadd.f32 v5, v8  }
0x91: {  	v3 =	vadd.f32 v3, v6  }
0x92: {  	v63 =	vld [tilespmem:s28+$0x8400]  }
0x93: {  	v1 =	vadd.f32 v1, v3  }
0x94: {  	v0 =	vadd.f32 v0, v5  }
0x95: {  	v1 =	vadd.f32 v4, v1  }
0x96: {  	v0 =	vadd.f32 v2, v0  }
0x97: {  	s29 =	sshll.u32 s26, $0x8;
	s26 =	sadd.s32 $0x1, s26;
	v1 =	vadd.f32 v63, v1  }
0x98: {  	p0 =	sne.s32 s26, $0x4;
	[tilespmem:s28+$0x8C10] =	vst v0  }
.Ltmp1:
0x99: {  	s31 =	sadd.s32 s29, s5;
	[tilespmem:s28+$0x8C00] =	vst v1;
	(pc) =	sbr.rel @p0 .LBB2_2-.Ltmp1, $4  }
0x9a: {  	[hbm4b:s31+s2] =	stream.linear.scatter [tilespmem:s24], [sflag:$0x2], $0x800, $0x38;
	[tilespmem:$0x9400] =	vst v63  }
0x9b: {  	_ =	swait.ge [sflag:s7], $0x800  }
0x9c: {  	[sflag:s7] =	ssyncset.done $0x0  }
0x9d: {  	[sflag:s7] =	ssyncadd.s32 $0xFFFFF800  }
0x9e: {  	s25 =	sadd.s32 $0x1, s25  }
0x9f: {  	p0 =	sne.s32 s25, s6  }
.Ltmp2:
0xa0: {  	_ = 	snop;
	(pc) =	sbr.rel @p0 .LBB2_1-.Ltmp2, $1  }
0xa1: {  	_ =	sdelay $0x3  }
0xa2: {  	_ =	sfence.sel $0x180000  }
0xa3: {  	[bflag:$0x0] =	sbarrier.arrive $0xFFFF  }
0xa4: {  	p0 =	sne.s32 s0, $0x0;
	_ =	strace $0x90000047  }
0xa5: {  	s0 =	sadd.s32 @!p0 $0x100000, s1;
	[bflag:$0x2] =	sbarrier.arrive $0xFFFF  }
0xa6: {  	[sflag:s0] =	ssyncadd.tile.s32 @!p0 $0x1;
	_ =	shalt  }
.Lfunc_end2:
_tile_overlayer_lowered:
.L_overlay_start_2:
0xa7: {  	(tag) =	ssettag $0x2  }
0xa8: {  	s0 =	rddreg [dreg:$0x0];
	s2 =	stileid.u32  }
0xa9: {  	s1 =	rddreg [dreg:$0x1];
	p0 =	sne.s32 s2, $0x0  }
0xaa: {  	s3 =	rddreg [dreg:$0x2];
	[bflag:$0x3] =	sbarrier.arrive $0xFFFF;
	s2 =	simm.s32 @!p0 $0x1C02  }
0xab: {  	[timem:s3], [sflag:s2] =	dma.local @!p0 [hbm:s0], s1  }
0xac: {  	s0 =	simm.s32 @!p0 $0x2  }
0xad: {  	_ =	swait.ge @!p0 [sflag:s0], s1  }
0xae: {  	s1 =	ssub.s32 @!p0 $0x0, s1;
	[sflag:s0] =	ssyncset.done @!p0 $0x0  }
0xaf: {  	[sflag:s0] =	ssyncadd.s32 @!p0 s1  }
0xb0: {  	[bflag:$0x3] =	sbarrier.arrive $0xFFFF  }
0xb1: {  	_ =	shalt  }

// kernel: kernel.7.cloned.1.call-start
scs
__scs_entry_jumppad:
0x0: {  	(pc) =	sbr.rel $0x88, $3  }
0x1: {  	(tag) =	ssettag $0x0;
	lr =	simm.s32 $0x1  }
0x2: {  	[smem:$0x3F99] =	sst lr;
	_ =	strace $0xD0000000  }
0x3: {  	_ = 	snop  }
0x4: {  	_ = 	snop  }
0x5: {  	_ = 	snop  }
0x6: {  	_ = 	snop  }
0x7: {  	_ = 	snop  }
__scs_overlays_trampoline_lowered:
0x8: {  	[smem:$0x3FA8] =	sst s0  }
0x9: {  	[smem:$0x3FA9] =	sst s1  }
0xa: {  	[smem:$0x3FAA] =	sst s2  }
0xb: {  	[smem:$0x3FAB] =	sst s3  }
0xc: {  	[smem:$0x3FAC] =	sst s4  }
0xd: {  	[smem:$0x3FAD] =	sst s5  }
0xe: {  	[smem:$0x3FAE] =	sst s6  }
0xf: {  	[smem:$0x3FAF] =	sst s7  }
0x10: {  	[smem:$0x3FB0] =	sst s8  }
0x11: {  	[smem:$0x3FB1] =	sst s9;
	s0 =	simm.s32 @!p0 $0x0  }
0x12: {  	s1 =	sld [smem:$0x3F97];
	s0 =	simm.s32 @p0 $0x1  }
0x13: {  	[smem:$0x3FB2] =	sst s0;
	s0 =	simm.s32 @!p1 $0x0  }
0x14: {  	s2 =	sld [smem:$0x3F96];
	s0 =	simm.s32 @p1 $0x1  }
0x15: {  	[smem:$0x3FB3] =	sst s0;
	s0 =	simm.s32 @!p2 $0x0  }
0x16: {  	s3 =	sld [smem:$0x3FDB];
	s0 =	simm.s32 @p2 $0x1  }
0x17: {  	s4 =	simm.s32 $0x1BF5;
	[smem:$0x3FB5] =	sst s0  }
0x18: {  	s0 =	sld [smem:$0x3F98];
	_ =	swait.ge [sflag:s4], $0x0  }
0x19: {  	s7 =	sld [smem:$0x3F99]  }
0x1a: {  	s8 =	sadd.s32 $0xFFFFE003, lr  }
0x1b: {  	s9 =	sadd.s32 $0xFFFFFEF7, lr;
	s5 =	simm.s32 $0xFFFFFFFF;
	p2 =	slt.u32 s8, $0xFFFFF086  }
0x1c: {  	p1 =	slt.u32 s9, $0xF7A;
	s5 =	simm.s32 @!p2 $0x0  }
0x1d: {  	s5 =	simm.s32 @p1 $0x1;
	p0 =	seq.s32 s7, s2  }
0x1e: {  	s7 =	smul.u32 @!p0 $0xF7A, s2;
	p2 =	seq.s32 @!p0 s5, $0x0  }
0x1f: {  	s9 =	smul.u32 $0xF7A, s1;
	s8 =	simm.s32 @!p0 $0x1BF5;
	p2 =	por !p2, p0  }
0x20: {  	[sflag:s8] =	ssyncset.s32 @!p0 $0xFFFFF086;
	s6 =	sadd.s32 @!p0 s3, s7;
	s7 =	simm.s32 @!p0 $0x108  }
0x21: {  	s3 =	sadd.s32 s3, s9;
	s6 =	sadd.s32 @!p0 $0x88, s6;
	s7 =	simm.s32 @p2 $0x1082  }
0x22: {  	[simem:s7], [sflag:s8] =	dma.local @!p0 [hbm:s6], $0xF7A  }
0x23: {  	s9 =	sor.u32 $0xD0000000, s2;
	s6 =	simm.s32 $0x108;
	_ =	swait.ge @!p0 [sflag:s8], $0x0  }
0x24: {  	s3 =	sadd.s32 $0x88, s3;
	s6 =	simm.s32 @!p1 $0x1082;
	[sflag:s4] =	ssyncset.s32 $0xFFFFF086  }
0x25: {  	[simem:s6], [sflag:s4] =	dma.local [hbm:s3], $0xF7A  }
0x26: {  	[smem:$0x3F99] =	sst s1;
	(tag) =	ssettag s2;
	_ =	strace s9  }
0x27: {  	s1 =	sld [smem:$0x3FA9]  }
0x28: {  	s2 =	sld [smem:$0x3FAA]  }
0x29: {  	s4 =	sld [smem:$0x3FAC]  }
0x2a: {  	p0 =	seq.s32 s5, $0x0;
	s5 =	sld [smem:$0x3FAD]  }
0x2b: {  	s6 =	sld [smem:$0x3FAE]  }
0x2c: {  	s7 =	sld [smem:$0x3FAF]  }
0x2d: {  	s3 =	simm.s32 $0x108;
	s8 =	sld [smem:$0x3FB0]  }
0x2e: {  	s3 =	simm.s32 @!p0 $0x1082;
	s9 =	sld [smem:$0x3FB1]  }
0x2f: {  	lr =	sadd.s32 s0, s3;
	s0 =	sld [smem:$0x3FA8]  }
0x30: {  	s3 =	sld [smem:$0x3FAB]  }
0x31: {  	[smem:$0x3FB4] =	sst s10  }
0x32: {  	s10 =	sld [smem:$0x3FB2];
	_ =	sdelay $0x3  }
0x33: {  	p0 =	seq.s32 s10, $0x1;
	s10 =	sld [smem:$0x3FB4];
	_ =	sdelay $0x3  }
0x34: {  	[smem:$0x3FB4] =	sst s10  }
0x35: {  	s10 =	sld [smem:$0x3FB3];
	_ =	sdelay $0x3  }
0x36: {  	p1 =	seq.s32 s10, $0x1;
	s10 =	sld [smem:$0x3FB4];
	_ =	sdelay $0x3  }
0x37: {  	[smem:$0x3FB4] =	sst s10  }
0x38: {  	s10 =	sld [smem:$0x3FB5]  }
0x39: {  	_ = 	snop;
	(pc) =	sbr.ind lr, $3  }
0x3a: {  	_ = 	snop  }
0x3b: {  	_ = 	snop  }
0x3c: {  	p2 =	seq.s32 s10, $0x1;
	s10 =	sld [smem:$0x3FB4]  }
0x3d: {  	_ =	shalt  }
0x3e: {  	_ =	shalt  }
0x3f: {  	_ =	shalt  }
0x40: {  	_ =	shalt  }
0x41: {  	_ =	shalt  }
0x42: {  	_ =	shalt  }
0x43: {  	_ =	shalt  }
0x44: {  	_ =	shalt  }
0x45: {  	_ =	shalt  }
0x46: {  	_ =	shalt  }
0x47: {  	_ =	shalt  }
0x48: {  	_ =	shalt  }
0x49: {  	_ =	shalt  }
0x4a: {  	_ =	shalt  }
0x4b: {  	_ =	shalt  }
0x4c: {  	_ =	shalt  }
0x4d: {  	_ =	shalt  }
0x4e: {  	_ =	shalt  }
0x4f: {  	_ =	shalt  }
0x50: {  	_ =	shalt  }
0x51: {  	_ =	shalt  }
0x52: {  	_ =	shalt  }
0x53: {  	_ =	shalt  }
0x54: {  	_ =	shalt  }
0x55: {  	_ =	shalt  }
0x56: {  	_ =	shalt  }
0x57: {  	_ =	shalt  }
0x58: {  	_ =	shalt  }
0x59: {  	_ =	shalt  }
0x5a: {  	_ =	shalt  }
0x5b: {  	_ =	shalt  }
0x5c: {  	_ =	shalt  }
0x5d: {  	_ =	shalt  }
0x5e: {  	_ =	shalt  }
0x5f: {  	_ =	shalt  }
0x60: {  	_ =	shalt  }
0x61: {  	_ =	shalt  }
0x62: {  	_ =	shalt  }
0x63: {  	_ =	shalt  }
0x64: {  	_ =	shalt  }
0x65: {  	_ =	shalt  }
0x66: {  	_ =	shalt  }
0x67: {  	_ =	shalt  }
0x68: {  	_ =	shalt  }
0x69: {  	_ =	shalt  }
0x6a: {  	_ =	shalt  }
0x6b: {  	_ =	shalt  }
0x6c: {  	_ =	shalt  }
0x6d: {  	_ =	shalt  }
0x6e: {  	_ =	shalt  }
0x6f: {  	_ =	shalt  }
0x70: {  	_ =	shalt  }
0x71: {  	_ =	shalt  }
0x72: {  	_ =	shalt  }
0x73: {  	_ =	shalt  }
0x74: {  	_ =	shalt  }
0x75: {  	_ =	shalt  }
0x76: {  	_ =	shalt  }
0x77: {  	_ =	shalt  }
0x78: {  	_ =	shalt  }
0x79: {  	_ =	shalt  }
0x7a: {  	_ =	shalt  }
0x7b: {  	_ =	shalt  }
0x7c: {  	_ =	shalt  }
0x7d: {  	_ =	shalt  }
0x7e: {  	_ =	shalt  }
0x7f: {  	_ =	shalt  }
0x80: {  	_ =	shalt  }
0x81: {  	_ =	shalt  }
0x82: {  	_ =	shalt  }
0x83: {  	_ =	shalt  }
0x84: {  	_ =	shalt  }
0x85: {  	_ =	shalt  }
0x86: {  	_ =	shalt  }
0x87: {  	_ =	shalt  }
.Lfunc_end0:
.L_simem_size_0:
called_computation_lowered:
.L_overlay_start_0:
0x88: {  	s2 =	sld [smem:$0x3FD9]  }
0x89: {  	s3 =	sld [smem:$0x3FFE];
	_ =	sdelay $0x1  }
0x8a: {  	s1 =	srdreg.scid  }
0x8b: {  	s0 =	sand.u32 $0x1, s1  }
0x8c: {  	s17 =	sshll.u32 s0, $0xA;
	s2 =	sadd.s32 s3, s2  }
0x8d: {  	s2 =	sadd.s32 s2, s17  }
0x8e: {  	[smem:$0x3FC0] =	sst s2  }
0x8f: {  	_ = 	snop  }
0x90: {  	s18 =	sld [smem:$0x3FD0];
	(tm) =	ssettm $0x1  }
0x91: {  	s19 =	sld [smem:$0x3FFB];
	_ =	sdelay $0x3  }
0x92: {  	_ =	strace s19  }
0x93: {  	s2 =	sld [smem:$0x3FFC];
	_ =	sdelay $0x3  }
0x94: {  	_ =	strace s2  }
0x95: {  	s2 =	sld [smem:$0x3FFD];
	_ =	sdelay $0x3  }
0x96: {  	_ =	strace s2  }
0x97: {  	_ =	strace $0x8FFFFFFF  }
0x98: {  	s20 =	sld [smem:$0x3FDB];
	_ =	sdelay $0x1  }
0x99: {  	s4 =	simm.s32 $_scs_section_size  }
0x9a: {  	s5 =	simm.s32 $_size__tile_overlayer_lowered;
	s6 =	simm.s32 $_tile_overlayer_lowered  }
0x9b: {  	s7 =	simm.s32 $0x1BFF;
	s21 =	sshll.u32 s6, $0x1;
	s4 =	sadd.s32 s4, s20  }
0x9c: {  	s22 =	simm.s32 $0x0;
	s5 =	sshll.u32 s5, $0x1;
	s6 =	sadd.s32 s21, s4  }
0x9d: {  	[timem:s22], [sflag:s7] =	dma.local [hbm:s6], s5  }
0x9e: {  	_ =	swait.ge [sflag:s7], s5  }
0x9f: {  	s5 =	ssub.s32 $0x0, s5;
	[sflag:s7] =	ssyncset.done $0x0  }
0xa0: {  	[sflag:s7] =	ssyncadd.s32 s5;
	_ =	sdelay $0x1  }
0xa1: {  	s23 =	simm.s32 $0x1B8B  }
0xa2: {  	_ =	swait.ge [sflag:s23], $0x1  }
0xa3: {  	[sflag:s23] =	ssyncset.done $0x0  }
0xa4: {  	[sflag:s23] =	ssyncadd.s32 $0xFFFFFFFF  }
0xa5: {  	s5 =	sld [smem:$0x0]  }
0xa6: {  	s6 =	sand.u32 $0xFFFFFFFE, s1  }
0xa7: {  	p0 =	sne.s32 s1, s6  }
0xa8: {  	s6 =	sshll.u32 @p0 s6, $0xE  }
0xa9: {  	s6 =	sadd.s32 @p0 $0x11B8D, s6;
	s7 =	sshll.u32 @p0 s5, $0x11  }
0xaa: {  	s6 =	sor.u32 @p0 s7, s6  }
0xab: {  	[sflag:s6] =	ssyncadd.remote.s32 @p0 $0x1;
	_ =	sdelay $0x1  }
0xac: {  	s6 =	simm.s32 @p0 $0x1B8D  }
0xad: {  	_ =	swait.eq @p0 [sflag:s6], $0x1  }
0xae: {  	[sflag:s6] =	ssyncadd.s32 @p0 $0xFFFFFFFF  }
0xaf: {  	s7 =	sshll.u32 @!p0 s1, $0xE  }
0xb0: {  	s7 =	sor.u32 @!p0 $0x4000, s7;
	s6 =	simm.s32 @!p0 $0x1B8D  }
0xb1: {  	s5 =	sshll.u32 @!p0 s5, $0x11;
	s7 =	sadd.s32 @!p0 $0x11B8D, s7;
	_ =	swait.eq @!p0 [sflag:s6], $0x1  }
0xb2: {  	s5 =	sor.u32 @!p0 s5, s7;
	[sflag:s6] =	ssyncadd.s32 @!p0 $0xFFFFFFFF  }
0xb3: {  	s25 =	simm.s32 $0x1B8E;
	s24 =	sld [smem:$0x3FFE];
	[sflag:s5] =	ssyncadd.remote.s32 @!p0 $0x1  }
0xb4: {  	s26 =	simm.s32 $execute0_lowered;
	[smem:$0x3FD2] =	sst s25  }
0xb5: {  	s6 =	sshll.u32 s26, $0x1;
	_ =	strace $0x80000049;
	[dreg:$0x1] =	wrdreg $0xFFFFFFFF  }
0xb6: {  	s28 =	simm.s32 $_size_execute0_lowered;
	s4 =	sadd.s32 s4, s6;
	[dreg:$0x0] =	wrdreg $0x0  }
0xb7: {  	s6 =	sshll.u32 s28, $0x1;
	[dreg:$0x2] =	wrdreg s4  }
0xb8: {  	[dreg:$0x3] =	wrdreg s6  }
0xb9: {  	[dreg:$0x4] =	wrdreg $0xC0  }
0xba: {  	_ =	task [dreg:s22], $0x5FFFF  }
0xbb: {  	[dreg:$0x1] =	wrdreg $0xFFFFFFFF  }
0xbc: {  	[dreg:$0x0] =	wrdreg $0x60  }
0xbd: {  	[dreg:$0x2] =	wrdreg s24  }
0xbe: {  	[dreg:$0x3] =	wrdreg s18  }
0xbf: {  	[dreg:$0x4] =	wrdreg $0x9  }
0xc0: {  	_ =	task.clear_ibuf [dreg:s22], $0x5FFFF;
	_ =	strace $0x90000049  }
0xc1: {  	s29 =	simm.s32 $0x9;
	_ =	strace $0x8000004B  }
0xc2: {  	_ =	swait.ge [sflag:s29], $0x1  }
0xc3: {  	[sflag:s29] =	ssyncadd.s32 $0xFFFFFFFF  }
0xc4: {  	_ =	strace $0x9000004B  }
0xc5: {  	_ =	sfence  }
0xc6: {  	s30 =	sld [smem:$0x0];
	_ =	sdelay $0x2  }
0xc7: {  	s31 =	sshll.u32 s1, $0xD;
	s1 =	sshrl.u32 s1, $0x2  }
0xc8: {  	s4 =	sand.u32 $0x4000, s31;
	s1 =	sadd.s32 s1, s30  }
0xc9: {  	s0 =	sor.u32 s4, s0;
	s1 =	sshll.u32 s1, $0x11  }
0xca: {  	s0 =	sor.u32 s1, s0  }
0xcb: {  	s0 =	sadd.s32 $0x8F2B, s0  }
0xcc: {  	[sflag:s0] =	ssyncadd.remote.s32 $0x1  }
0xcd: {  	_ =	sfence.sel $0xFFFF  }
0xce: {  	[dreg:$0x0] =	wrdreg $0xFFFFFFFF;
	(pc) =	sbr.abs _section_cstart, $3  }
0xcf: {  	[dreg:$0x1] =	wrdreg $0xFFFFFFFF  }
0xd0: {  	_ =	task.clear_ibuf [dreg:s22], $0x2FFFF;
	_ =	strace $0x9FFFFFFF  }
0xd1: {  	(tm) =	ssettm $0x7FFFFFFF  }
tec
execute0_lowered:
.L_overlay_start_1:
0x0: {  	(tag) =	ssettag $0x1  }
0x1: {  	s4 =	rddreg [dreg:$0x0];
	s1 =	srdreg.scid  }
0x2: {  	s0 =	stileid.u32;
	s5 =	rddreg [dreg:$0x1];
	s2 =	simm.s32 $0x0  }
0x3: {  	s9 =	simm.s32 $0x1800;
	s10 =	simm.s32 $0x2000;
	s11 =	simm.s32 $0x2800  }
0x4: {  	s12 =	simm.s32 $0x3000;
	s13 =	simm.s32 $0x3800;
	s14 =	simm.s32 $0x4000  }
0x5: {  	s15 =	simm.s32 $0x4800;
	s16 =	simm.s32 $0x5000;
	s17 =	simm.s32 $0x5800  }
0x6: {  	s18 =	simm.s32 $0x6000;
	s19 =	simm.s32 $0x6800;
	s20 =	simm.s32 $0x7000  }
0x7: {  	s21 =	simm.s32 $0x1;
	s22 =	simm.s32 $0x7800;
	s23 =	simm.s32 $0x0  }
0x8: {  	s6 =	sand.u32 $0x1, s1;
	s3 =	sshll.u32 s0, $0x1;
	s1 =	rddreg [dreg:$0x2]  }
0x9: {  	[smem:$0x7FF] =	sst s2;
	s7 =	sor.u32 s6, s3;
	s6 =	ssub.s32 $0x2, s6  }
0xa: {  	_ =	strace $0x8000004A;
	s8 =	smul.u32 $0x300, s7;
	s31 =	sshrl.u32 s6, $0x1  }
0xb: {  	s3 =	sadd.s32 $0x2BBE00, s4;
	s7 =	sshll.u32 s7, $0xA;
	s6 =	ssub.s32 s6, s31  }
0xc: {  	s5 =	sadd.s32 s5, s7;
	s7 =	simm.s32 $0x2;
	s4 =	sadd.s32 s8, s4  }
0xd: {  	s6 =	smax.u32 s6, $0x1;
	s8 =	simm.s32 $0x80;
	s4 =	sadd.s32 $0x505E00, s4  }
.LBB2_1:
0xe: {  	[tilespmem:s2], [sflag:$0x2] =	stream.linear.gather [hbm4b:s4+s2], $0x1800, $0x38;
	[tilespmem:$0x8000] =	vst v63  }
0xf: {  	_ =	swait.ge [sflag:s7], $0x1800  }
0x10: {  	[sflag:s7] =	ssyncset.done $0x0  }
0x11: {  	s24 =	simm.s32 $0x0;
	[sflag:s7] =	ssyncadd.s32 $0xFFFFE800  }
.LBB2_2:
0x12: {  	s25 =	sshll.u32 s24, $0x7  }
0x13: {  	s25 =	sand.u32 $0x3FFFFF80, s25  }
0x14: {  	[tilespmem:s9], [sflag:$0x1] =	stream.indirect.gather [hbm4b:s3+s8], $0x10, s25, s8, $0xb8;
	[tilespmem:$0x8000] =	vst v63  }
0x15: {  	s26 =	sadd.s32 $0x200, s25  }
0x16: {  	[tilespmem:s10], [sflag:$0x1] =	stream.indirect.gather [hbm4b:s3+s8], $0x10, s26, s8, $0xb8;
	[tilespmem:$0x8000] =	vst v63  }
0x17: {  	s29 =	sadd.s32 $0x400, s25  }
0x18: {  	[tilespmem:s11], [sflag:$0x1] =	stream.indirect.gather [hbm4b:s3+s8], $0x10, s29, s8, $0xb8;
	[tilespmem:$0x8000] =	vst v63  }
0x19: {  	s30 =	sadd.s32 $0x600, s25  }
0x1a: {  	[tilespmem:s12], [sflag:$0x1] =	stream.indirect.gather [hbm4b:s3+s8], $0x10, s30, s8, $0xb8;
	[tilespmem:$0x8000] =	vst v63  }
0x1b: {  	s31 =	sadd.s32 $0x800, s25  }
0x1c: {  	[tilespmem:s13], [sflag:$0x1] =	stream.indirect.gather [hbm4b:s3+s8], $0x10, s31, s8, $0xb8;
	[tilespmem:$0x8000] =	vst v63  }
0x1d: {  	s29 =	sadd.s32 $0xA00, s25  }
0x1e: {  	[tilespmem:s14], [sflag:$0x1] =	stream.indirect.gather [hbm4b:s3+s8], $0x10, s29, s8, $0xb8;
	[tilespmem:$0x8000] =	vst v63  }
0x1f: {  	s30 =	sadd.s32 $0xC00, s25  }
0x20: {  	[tilespmem:s15], [sflag:$0x1] =	stream.indirect.gather [hbm4b:s3+s8], $0x10, s30, s8, $0xb8;
	[tilespmem:$0x8000] =	vst v63  }
0x21: {  	s31 =	sadd.s32 $0xE00, s25  }
0x22: {  	[tilespmem:s16], [sflag:$0x1] =	stream.indirect.gather [hbm4b:s3+s8], $0x10, s31, s8, $0xb8;
	[tilespmem:$0x8000] =	vst v63  }
0x23: {  	s29 =	sadd.s32 $0x1000, s25  }
0x24: {  	[tilespmem:s17], [sflag:$0x1] =	stream.indirect.gather [hbm4b:s3+s8], $0x10, s29, s8, $0xb8;
	[tilespmem:$0x8000] =	vst v63  }
0x25: {  	s30 =	sadd.s32 $0x1200, s25  }
0x26: {  	[tilespmem:s18], [sflag:$0x1] =	stream.indirect.gather [hbm4b:s3+s8], $0x10, s30, s8, $0xb8;
	[tilespmem:$0x8000] =	vst v63  }
0x27: {  	s31 =	sadd.s32 $0x1400, s25  }
0x28: {  	[tilespmem:s19], [sflag:$0x1] =	stream.indirect.gather [hbm4b:s3+s8], $0x10, s31, s8, $0xb8;
	[tilespmem:$0x8000] =	vst v63  }
0x29: {  	s25 =	sadd.s32 $0x1600, s25  }
0x2a: {  	[tilespmem:s20], [sflag:$0x1] =	stream.indirect.gather [hbm4b:s3+s8], $0x10, s25, s8, $0xb8;
	[tilespmem:$0x8000] =	vst v63  }
0x2b: {  	_ =	swait.ge [sflag:s21], $0x800  }
0x2c: {  	[sflag:s21] =	ssyncset.done $0x0  }
0x2d: {  	[sflag:s21] =	ssyncadd.s32 $0xFFFFF800  }
0x2e: {  	_ =	swait.ge [sflag:s21], $0x800  }
0x2f: {  	[sflag:s21] =	ssyncset.done $0x0  }
0x30: {  	[sflag:s21] =	ssyncadd.s32 $0xFFFFF800  }
0x31: {  	_ =	swait.ge [sflag:s21], $0x800  }
0x32: {  	[sflag:s21] =	ssyncset.done $0x0  }
0x33: {  	[sflag:s21] =	ssyncadd.s32 $0xFFFFF800  }
0x34: {  	_ =	swait.ge [sflag:s21], $0x800  }
0x35: {  	[sflag:s21] =	ssyncset.done $0x0  }
0x36: {  	[sflag:s21] =	ssyncadd.s32 $0xFFFFF800  }
0x37: {  	_ =	swait.ge [sflag:s21], $0x800  }
0x38: {  	[sflag:s21] =	ssyncset.done $0x0  }
0x39: {  	[sflag:s21] =	ssyncadd.s32 $0xFFFFF800  }
0x3a: {  	_ =	swait.ge [sflag:s21], $0x800  }
0x3b: {  	[sflag:s21] =	ssyncset.done $0x0  }
0x3c: {  	[sflag:s21] =	ssyncadd.s32 $0xFFFFF800  }
0x3d: {  	_ =	swait.ge [sflag:s21], $0x800  }
0x3e: {  	[sflag:s21] =	ssyncset.done $0x0  }
0x3f: {  	[sflag:s21] =	ssyncadd.s32 $0xFFFFF800  }
0x40: {  	_ =	swait.ge [sflag:s21], $0x800  }
0x41: {  	[sflag:s21] =	ssyncset.done $0x0  }
0x42: {  	[sflag:s21] =	ssyncadd.s32 $0xFFFFF800  }
0x43: {  	_ =	swait.ge [sflag:s21], $0x800  }
0x44: {  	[sflag:s21] =	ssyncset.done $0x0  }
0x45: {  	[sflag:s21] =	ssyncadd.s32 $0xFFFFF800  }
0x46: {  	_ =	swait.ge [sflag:s21], $0x800  }
0x47: {  	[sflag:s21] =	ssyncset.done $0x0  }
0x48: {  	[sflag:s21] =	ssyncadd.s32 $0xFFFFF800  }
0x49: {  	_ =	swait.ge [sflag:s21], $0x800  }
0x4a: {  	[sflag:s21] =	ssyncset.done $0x0  }
0x4b: {  	[sflag:s21] =	ssyncadd.s32 $0xFFFFF800  }
0x4c: {  	_ =	swait.ge [sflag:s21], $0x800  }
0x4d: {  	[sflag:s21] =	ssyncset.done $0x0  }
0x4e: {  	s25 =	simm.s32 $0x0;
	[sflag:s21] =	ssyncadd.s32 $0xFFFFF800  }
0x4f: {  	v0 =	vld [tilespmem:s25+$0x1810]  }
0x50: {  	v1 =	vld [tilespmem:s25+$0x2010]  }
0x51: {  	v2 =	vld [tilespmem:s25+$0x1800]  }
0x52: {  	v3 =	vld [tilespmem:s25+$0x2810]  }
0x53: {  	v4 =	vld [tilespmem:s25+$0x2000]  }
0x54: {  	v5 =	vld [tilespmem:s25+$0x3010]  }
0x55: {  	v6 =	vld [tilespmem:s25+$0x2800];
	v0 =	vadd.f32 v1, v0  }
0x56: {  	v1 =	vld [tilespmem:s25+$0x3810]  }
0x57: {  	v7 =	vld [tilespmem:s25+$0x3000];
	v0 =	vadd.f32 v3, v0  }
0x58: {  	v2 =	vadd.f32 v4, v2;
	v3 =	vld [tilespmem:s25+$0x4010]  }
0x59: {  	v4 =	vld [tilespmem:s25+$0x3800];
	v0 =	vadd.f32 v5, v0  }
0x5a: {  	v2 =	vadd.f32 v6, v2;
	v5 =	vld [tilespmem:s25+$0x4810]  }
0x5b: {  	v6 =	vld [tilespmem:s25+$0x4000];
	v0 =	vadd.f32 v1, v0  }
0x5c: {  	v2 =	vadd.f32 v7, v2;
	v1 =	vld [tilespmem:s25+$0x5010]  }
0x5d: {  	v7 =	vld [tilespmem:s25+$0x4800];
	v0 =	vadd.f32 v3, v0  }
0x5e: {  	v8 =	vld [tilespmem:s25+$0x5810];
	v2 =	vadd.f32 v4, v2  }
0x5f: {  	v4 =	vld [tilespmem:s25+$0x5000];
	v0 =	vadd.f32 v5, v0  }
0x60: {  	v2 =	vadd.f32 v6, v2;
	v5 =	vld [tilespmem:s25+$0x6010]  }
0x61: {  	v3 =	vld [tilespmem:s25+$0x5800];
	v6 =	vadd.f32 v1, v0  }
0x62: {  	v7 =	vadd.f32 v7, v2;
	v0 =	vld [tilespmem:s25+$0x6810]  }
0x63: {  	v1 =	vld [tilespmem:s25+$0x6000];
	v8 =	vadd.f32 v8, v6  }
0x64: {  	v2 =	vld [tilespmem:s25+$0x7010];
	v6 =	vadd.f32 v4, v7  }
0x65: {  	s28 =	simm.s32 $0x80;
	s26 =	simm.s32 $0x0;
	v4 =	vld [tilespmem:s25+$0x6800];
	v5 =	vadd.f32 v5, v8  }
.LBB2_3:
0x66: {  	s29 =	sshra.s32 s28, $0x2;
	v3 =	vadd.f32 v3, v6;
	v6 =	vld [tilespmem:s25+$0x7000]  }
0x67: {  	s26 =	sadd.s32 $0x2, s26;
	v7 =	vld [tilespmem:s29+$0x1810];
	v0 =	vadd.f32 v0, v5  }
0x68: {  	p0 =	slt.u32 s26, $0x7E;
	v5 =	vld [tilespmem:s29+$0x2010];
	v1 =	vadd.f32 v1, v3  }
0x69: {  	v3 =	vld [tilespmem:s29+$0x1800];
	v0 =	vadd.f32 v2, v0  }
0x6a: {  	v2 =	vld [tilespmem:s29+$0x2810];
	v1 =	vadd.f32 v4, v1  }
0x6b: {  	v4 =	vld [tilespmem:s29+$0x2000];
	[tilespmem:s25+$0x7810] =	vst v0  }
0x6c: {  	v0 =	vld [tilespmem:s29+$0x3010];
	v1 =	vadd.f32 v6, v1  }
0x6d: {  	v6 =	vld [tilespmem:s29+$0x2800];
	v5 =	vadd.f32 v5, v7  }
0x6e: {  	v7 =	vld [tilespmem:s29+$0x3810];
	[tilespmem:s25+$0x7800] =	vst v1;
	s25 =	smov.u32 s29  }
0x6f: {  	v1 =	vld [tilespmem:s25+$0x3000];
	v2 =	vadd.f32 v2, v5  }
0x70: {  	v3 =	vadd.f32 v4, v3;
	v4 =	vld [tilespmem:s25+$0x4010]  }
0x71: {  	v5 =	vld [tilespmem:s25+$0x3800];
	v0 =	vadd.f32 v0, v2  }
0x72: {  	v2 =	vadd.f32 v6, v3;
	v3 =	vld [tilespmem:s25+$0x4810]  }
0x73: {  	v6 =	vld [tilespmem:s25+$0x4000];
	v0 =	vadd.f32 v7, v0  }
0x74: {  	v1 =	vadd.f32 v1, v2;
	v2 =	vld [tilespmem:s25+$0x5010]  }
0x75: {  	v7 =	vld [tilespmem:s25+$0x4800];
	v0 =	vadd.f32 v4, v0  }
0x76: {  	v1 =	vadd.f32 v5, v1;
	v4 =	vld [tilespmem:s25+$0x5810]  }
0x77: {  	v5 =	vld [tilespmem:s25+$0x5000];
	v0 =	vadd.f32 v3, v0  }
0x78: {  	v1 =	vadd.f32 v6, v1;
	v8 =	vld [tilespmem:s25+$0x6010]  }
.Ltmp0:
0x79: {  	v3 =	vld [tilespmem:s25+$0x5800];
	v2 =	vadd.f32 v2, v0;
	(pc) =	sbr.rel @p0 .LBB2_3-.Ltmp0, $4  }
0x7a: {  	v6 =	vadd.f32 v7, v1;
	v0 =	vld [tilespmem:s25+$0x6810]  }
0x7b: {  	v1 =	vld [tilespmem:s25+$0x6000];
	v7 =	vadd.f32 v4, v2  }
0x7c: {  	v6 =	vadd.f32 v5, v6;
	v2 =	vld [tilespmem:s25+$0x7010]  }
0x7d: {  	s28 =	sadd.s32 $0x80, s28;
	v4 =	vld [tilespmem:s25+$0x6800];
	v5 =	vadd.f32 v8, v7  }
0x7e: {  	v3 =	vadd.f32 v3, v6  }
0x7f: {  	v63 =	vld [tilespmem:s25+$0x7000]  }
0x80: {  	v1 =	vadd.f32 v1, v3  }
0x81: {  	v0 =	vadd.f32 v0, v5  }
0x82: {  	v1 =	vadd.f32 v4, v1  }
0x83: {  	v0 =	vadd.f32 v2, v0  }
0x84: {  	s26 =	sshll.u32 s24, $0x8;
	s24 =	sadd.s32 $0x1, s24;
	v1 =	vadd.f32 v63, v1  }
0x85: {  	p0 =	sne.s32 s24, $0x4;
	[tilespmem:s25+$0x7810] =	vst v0  }
.Ltmp1:
0x86: {  	s31 =	sadd.s32 s26, s5;
	[tilespmem:s25+$0x7800] =	vst v1;
	(pc) =	sbr.rel @p0 .LBB2_2-.Ltmp1, $4  }
0x87: {  	[hbm4b:s31+s2] =	stream.linear.scatter [tilespmem:s22], [sflag:$0x2], $0x800, $0x38;
	[tilespmem:$0x8000] =	vst v63  }
0x88: {  	_ =	swait.ge [sflag:s7], $0x800  }
0x89: {  	[sflag:s7] =	ssyncset.done $0x0  }
0x8a: {  	[sflag:s7] =	ssyncadd.s32 $0xFFFFF800  }
0x8b: {  	s23 =	sadd.s32 $0x1, s23  }
0x8c: {  	p0 =	sne.s32 s23, s6  }
.Ltmp2:
0x8d: {  	_ = 	snop;
	(pc) =	sbr.rel @p0 .LBB2_1-.Ltmp2, $1  }
0x8e: {  	_ =	sdelay $0x3  }
0x8f: {  	_ =	sfence.sel $0x180000  }
0x90: {  	[bflag:$0x0] =	sbarrier.arrive $0xFFFF  }
0x91: {  	p0 =	sne.s32 s0, $0x0;
	_ =	strace $0x9000004A  }
0x92: {  	s0 =	sadd.s32 @!p0 $0x100000, s1;
	[bflag:$0x2] =	sbarrier.arrive $0xFFFF  }
0x93: {  	[sflag:s0] =	ssyncadd.tile.s32 @!p0 $0x1;
	_ =	shalt  }
.Lfunc_end2:
_tile_overlayer_lowered:
.L_overlay_start_2:
0x94: {  	(tag) =	ssettag $0x2  }
0x95: {  	s0 =	rddreg [dreg:$0x0];
	s2 =	stileid.u32  }
0x96: {  	s1 =	rddreg [dreg:$0x1];
	p0 =	sne.s32 s2, $0x0  }
0x97: {  	s3 =	rddreg [dreg:$0x2];
	[bflag:$0x3] =	sbarrier.arrive $0xFFFF;
	s2 =	simm.s32 @!p0 $0x1C02  }
0x98: {  	[timem:s3], [sflag:s2] =	dma.local @!p0 [hbm:s0], s1  }
0x99: {  	s0 =	simm.s32 @!p0 $0x2  }
0x9a: {  	_ =	swait.ge @!p0 [sflag:s0], s1  }
0x9b: {  	s1 =	ssub.s32 @!p0 $0x0, s1;
	[sflag:s0] =	ssyncset.done @!p0 $0x0  }
0x9c: {  	[sflag:s0] =	ssyncadd.s32 @!p0 s1  }
0x9d: {  	[bflag:$0x3] =	sbarrier.arrive $0xFFFF  }
0x9e: {  	_ =	shalt  }

</sc_bundles>
